<compile_context>
chip_gen: v7x
topology: tpu7x:2x2x1
jax: 0.10.2.dev20260603
libtpu: 0.0.44.dev20260713+nightly
codegen_flags: <defaults>
</compile_context>

<pallas_src>
import functools

import jax
import jax.numpy as jnp
from jax import lax
from jax.experimental import pallas as pl
from jax.experimental.pallas import tpu as pltpu
from jax.experimental.pallas import tpu_sc as plsc

BATCH = 16384
HIST = 50
DIM = 64
NUM_WORKERS = 32
BAGS_PER_WORKER = BATCH // NUM_WORKERS
CHUNK_BAGS = 16
ROWS_PER_CHUNK = CHUNK_BAGS * HIST
NUM_CHUNKS = BAGS_PER_WORKER // CHUNK_BAGS
IDX_COPY = 896
LANES = 16
DSUB = DIM // LANES


def _sc_bag_mean(flat_idx, weight):
    mesh = plsc.VectorSubcoreMesh(core_axis_name="c", subcore_axis_name="s")

    @functools.partial(
        pl.kernel,
        mesh=mesh,
        compiler_params=pltpu.CompilerParams(use_tc_tiling_on_sc=False),
        out_type=jax.ShapeDtypeStruct((BATCH, DIM), jnp.float32),
        scratch_types=[
            pltpu.VMEM((IDX_COPY,), jnp.int32),
            pltpu.VMEM((IDX_COPY,), jnp.int32),
            pltpu.VMEM((ROWS_PER_CHUNK, DIM), jnp.float32),
            pltpu.VMEM((ROWS_PER_CHUNK, DIM), jnp.float32),
            pltpu.VMEM((CHUNK_BAGS, DIM), jnp.float32),
            pltpu.SemaphoreType.DMA,
            pltpu.SemaphoreType.DMA,
        ],
    )
    def k(idx_hbm, w_hbm, out_hbm, idx0_v, idx1_v, rows0_v, rows1_v,
          acc_v, sem0, sem1):
        wid = lax.axis_index("s") * 2 + lax.axis_index("c")
        bag_base = wid * BAGS_PER_WORKER
        scale = jnp.full((LANES,), 1.0 / HIST, jnp.float32)

        def start_gather(chunk, idx_v, rows_v, sem):
            first_bag = bag_base + chunk * CHUNK_BAGS
            pltpu.sync_copy(
                idx_hbm.at[pl.ds(first_bag * HIST, IDX_COPY)], idx_v)
            pltpu.async_copy(
                w_hbm.at[idx_v.at[pl.ds(0, ROWS_PER_CHUNK)]], rows_v, sem)

        def finish_chunk(chunk, idx_v, rows_v, sem):
            pltpu.make_async_copy(
                w_hbm.at[idx_v.at[pl.ds(0, ROWS_PER_CHUNK)]], rows_v,
                sem).wait()

            def bag_body(c, _):
                base_row = c * HIST
                accs = [jnp.zeros((LANES,), jnp.float32) for _ in range(DSUB)]
                for r in range(HIST):
                    for j in range(DSUB):
                        accs[j] = accs[j] + rows_v[base_row + r,
                                                   pl.ds(j * LANES, LANES)]
                for j in range(DSUB):
                    acc_v[c, pl.ds(j * LANES, LANES)] = accs[j] * scale
                return ()

            lax.fori_loop(0, CHUNK_BAGS, bag_body, ())
            first_bag = bag_base + chunk * CHUNK_BAGS
            pltpu.sync_copy(acc_v, out_hbm.at[pl.ds(first_bag, CHUNK_BAGS)])

        start_gather(0, idx0_v, rows0_v, sem0)

        def pair_body(p, _):
            c0 = 2 * p
            start_gather(c0 + 1, idx1_v, rows1_v, sem1)
            finish_chunk(c0, idx0_v, rows0_v, sem0)

            @pl.when(p < NUM_CHUNKS // 2 - 1)
            def _():
                start_gather(c0 + 2, idx0_v, rows0_v, sem0)

            finish_chunk(c0 + 1, idx1_v, rows1_v, sem1)
            return ()

        lax.fori_loop(0, NUM_CHUNKS // 2, pair_body, ())

    return k(flat_idx, weight)


def kernel(indices, weight):
    flat_idx = indices.reshape(-1).astype(jnp.int32)
    flat_idx = jnp.concatenate(
        [flat_idx, jnp.zeros((IDX_COPY - ROWS_PER_CHUNK,), jnp.int32)])
    return _sc_bag_mean(flat_idx, weight)

# --- scband reference (transcript-rebuilt; emitter-appended) ---
"""Pipeline reference for scband-freq-aware-embedding-20495583936865 (READ-ONLY COPY).

The authoritative reference and input builder live on the scoring server;
editing this copy changes nothing except your own understanding.
"""

import jax, jax.numpy as jnp
import numpy as np

NUM_EMBEDDINGS = 1000000
EMBEDDING_DIM = 64
BATCH = 16384
HIST_LEN = 50


def setup_inputs(seed: int = 0) -> dict:
    key = jax.random.key(seed)
    k1, k2 = jax.random.split(key)
    # 2D indices: each row is a bag (equivalent to embedding_bag with uniform offsets)
    indices = jax.random.randint(k1, (BATCH, HIST_LEN), 0, NUM_EMBEDDINGS, dtype=jnp.int32)
    # The embedding table. In the original module this weight is managed by
    # ChunkCUDAWeightMgr (cpu/cuda chunk caching), but mathematically forward is a
    # plain embedding_bag lookup into the full (reordered) weight.
    weight = jax.random.normal(k2, (NUM_EMBEDDINGS, EMBEDDING_DIM), dtype=jnp.float32) * 0.02
    return {"indices": indices, "weight": weight}


def reference(indices, weight):
    # F.embedding_bag with 2D indices, mode='mean' (default), no max_norm,
    # no per_sample_weights, no padding_idx.
    # Gather rows -> [B, L, D], then reduce over the bag dimension.
    emb = jnp.take(weight, indices, axis=0)  # [BATCH, HIST_LEN, EMBEDDING_DIM]
    out = jnp.mean(emb, axis=1)              # mode='mean'
    return out

if __name__ == "__main__":
    import jax
    _d = setup_inputs()
    print(jax.jit(kernel)(*tuple(_d.values())))

</pallas_src>

<mosaic_0001>
#map = affine_map<(d0, d1) -> (0)>
#map1 = affine_map<(d0, d1) -> (0, 0)>
module attributes {stable_mosaic.version = 14 : i64} {
  func.func @k(%arg0: i32, %arg1: i32, %arg2: memref<819296xi32, #tpu.memory_space<hbm>>, %arg3: memref<1000000x64xf32, #tpu.memory_space<hbm>>, %arg4: memref<16384x64xf32, #tpu.memory_space<hbm>>, %arg5: memref<896xi32, #tpu.memory_space<vmem>>, %arg6: memref<896xi32, #tpu.memory_space<vmem>>, %arg7: memref<800x64xf32, #tpu.memory_space<vmem>>, %arg8: memref<800x64xf32, #tpu.memory_space<vmem>>, %arg9: memref<16x64xf32, #tpu.memory_space<vmem>>, %arg10: memref<!tpu.dma_semaphore, #tpu.memory_space<semaphore_mem>>, %arg11: memref<!tpu.dma_semaphore, #tpu.memory_space<semaphore_mem>>) attributes {dimension_semantics = [#tpu.dimension_semantics<core_parallel>, #tpu.dimension_semantics<subcore_parallel>], iteration_bounds = array<i64: 2, 16>, scalar_prefetch = 0 : i64, scratch_operands = 7 : i64, tpu.core_type = #tpu.core_type<sc_vector_subcore>, window_params = [{transform_indices = #map}, {transform_indices = #map1}, {transform_indices = #map1}]} {
    %mul3A = arith.constant 2 : i32
    %mul3A_0 = arith.muli %arg1, %mul3A : i32
    %add3A = arith.addi %mul3A_0, %arg0 : i32
    %mul3A_1 = arith.constant 512 : i32
    %mul3A_2 = arith.muli %add3A, %mul3A_1 : i32
    %broadcast_in_dim3A = arith.constant 2.000000e-02 : f32
    %broadcast_in_dim3A_3 = vector.broadcast %broadcast_in_dim3A : f32 to vector<16xf32>
    %add3A_4 = arith.constant 0 : i32
    %add3A_5 = arith.addi %mul3A_2, %add3A_4 : i32
    %mul3A_6 = arith.constant 50 : i32
    %mul3A_7 = arith.muli %add3A_5, %mul3A_6 : i32
    "tpu.region"() ({
      %run_scoped3A = tpu.sem_alloc : memref<!tpu.dma_semaphore, #tpu.memory_space<semaphore_mem>>
      %dma_start3A_16 = tpu.memref_slice %arg2[%mul3A_7] : memref<819296xi32, #tpu.memory_space<hbm>> -> memref<896xi32, #tpu.memory_space<hbm>>
      %dma_start3A_17 = tpu.memref_slice %arg2[%mul3A_7] : memref<819296xi32, #tpu.memory_space<hbm>> -> memref<896xi32, #tpu.memory_space<hbm>>
      tpu.enqueue_dma source(%dma_start3A_17 : memref<896xi32, #tpu.memory_space<hbm>>) target(%arg5 : memref<896xi32, #tpu.memory_space<vmem>>) target_semaphore(%run_scoped3A : memref<!tpu.dma_semaphore, #tpu.memory_space<semaphore_mem>>)
      %dma_wait3A = tpu.memref_slice %arg2[%mul3A_7] : memref<819296xi32, #tpu.memory_space<hbm>> -> memref<896xi32, #tpu.memory_space<hbm>>
      %dma_wait3A_18 = tpu.memref_slice %arg2[%mul3A_7] : memref<819296xi32, #tpu.memory_space<hbm>> -> memref<896xi32, #tpu.memory_space<hbm>>
      tpu.wait_dma2 semaphore(%run_scoped3A : memref<!tpu.dma_semaphore, #tpu.memory_space<semaphore_mem>>) src(%dma_wait3A_18 : memref<896xi32, #tpu.memory_space<hbm>>) dst(%arg5 : memref<896xi32, #tpu.memory_space<vmem>>)
      tpu.yield
    }) : () -> ()
    %dma_start3A = arith.constant 0 : i32
    %dma_start3A_8 = tpu.memref_slice %arg5[%dma_start3A] : memref<896xi32, #tpu.memory_space<vmem>> -> memref<800xi32, #tpu.memory_space<vmem>>
    %dma_start3A_9 = arith.constant 0 : i32
    %dma_start3A_10 = arith.constant 0 : i32
    %dma_start3A_11 = tpu.memref_slice %arg3[%dma_start3A_9, %dma_start3A_10] : memref<1000000x64xf32, #tpu.memory_space<hbm>> -> memref<1000000x64xf32, #tpu.memory_space<hbm>>
    tpu.enqueue_indirect_dma source(%dma_start3A_11 : memref<1000000x64xf32, #tpu.memory_space<hbm>>) target(%arg7 : memref<800x64xf32, #tpu.memory_space<vmem>>) offsets(%dma_start3A_8 : memref<800xi32, #tpu.memory_space<vmem>>) semaphore(%arg10 : memref<!tpu.dma_semaphore, #tpu.memory_space<semaphore_mem>>)
    %scan3A = arith.constant 0 : i32
    %scan3A_12 = arith.constant 16 : i32
    %scan3A_13 = arith.addi %scan3A, %scan3A_12 : i32
    %scan3A_14 = arith.constant 1 : i32
    scf.for %scan3A_16 = %scan3A to %scan3A_13 step %scan3A_14  : i32 {
      %mul3A_17 = arith.constant 2 : i32
      %mul3A_18 = arith.muli %mul3A_17, %scan3A_16 : i32
      %add3A_19 = arith.constant 1 : i32
      %add3A_20 = arith.addi %mul3A_18, %add3A_19 : i32
      %mul3A_21 = arith.constant 16 : i32
      %mul3A_22 = arith.muli %add3A_20, %mul3A_21 : i32
      %add3A_23 = arith.addi %mul3A_2, %mul3A_22 : i32
      %mul3A_24 = arith.constant 50 : i32
      %mul3A_25 = arith.muli %add3A_23, %mul3A_24 : i32
      "tpu.region"() ({
        %run_scoped3A = tpu.sem_alloc : memref<!tpu.dma_semaphore, #tpu.memory_space<semaphore_mem>>
        %dma_start3A_60 = tpu.memref_slice %arg2[%mul3A_25] : memref<819296xi32, #tpu.memory_space<hbm>> -> memref<896xi32, #tpu.memory_space<hbm>>
        %dma_start3A_61 = tpu.memref_slice %arg2[%mul3A_25] : memref<819296xi32, #tpu.memory_space<hbm>> -> memref<896xi32, #tpu.memory_space<hbm>>
        tpu.enqueue_dma source(%dma_start3A_61 : memref<896xi32, #tpu.memory_space<hbm>>) target(%arg6 : memref<896xi32, #tpu.memory_space<vmem>>) target_semaphore(%run_scoped3A : memref<!tpu.dma_semaphore, #tpu.memory_space<semaphore_mem>>)
        %dma_wait3A_62 = tpu.memref_slice %arg2[%mul3A_25] : memref<819296xi32, #tpu.memory_space<hbm>> -> memref<896xi32, #tpu.memory_space<hbm>>
        %dma_wait3A_63 = tpu.memref_slice %arg2[%mul3A_25] : memref<819296xi32, #tpu.memory_space<hbm>> -> memref<896xi32, #tpu.memory_space<hbm>>
        tpu.wait_dma2 semaphore(%run_scoped3A : memref<!tpu.dma_semaphore, #tpu.memory_space<semaphore_mem>>) src(%dma_wait3A_63 : memref<896xi32, #tpu.memory_space<hbm>>) dst(%arg6 : memref<896xi32, #tpu.memory_space<vmem>>)
        tpu.yield
      }) : () -> ()
      %dma_start3A_26 = arith.constant 0 : i32
      %dma_start3A_27 = tpu.memref_slice %arg6[%dma_start3A_26] : memref<896xi32, #tpu.memory_space<vmem>> -> memref<800xi32, #tpu.memory_space<vmem>>
      %dma_start3A_28 = arith.constant 0 : i32
      %dma_start3A_29 = arith.constant 0 : i32
      %dma_start3A_30 = tpu.memref_slice %arg3[%dma_start3A_28, %dma_start3A_29] : memref<1000000x64xf32, #tpu.memory_space<hbm>> -> memref<1000000x64xf32, #tpu.memory_space<hbm>>
      tpu.enqueue_indirect_dma source(%dma_start3A_30 : memref<1000000x64xf32, #tpu.memory_space<hbm>>) target(%arg8 : memref<800x64xf32, #tpu.memory_space<vmem>>) offsets(%dma_start3A_27 : memref<800xi32, #tpu.memory_space<vmem>>) semaphore(%arg11 : memref<!tpu.dma_semaphore, #tpu.memory_space<semaphore_mem>>)
      %dma_wait3A = arith.constant 0 : i32
      %dma_wait3A_31 = tpu.memref_slice %arg5[%dma_wait3A] : memref<896xi32, #tpu.memory_space<vmem>> -> memref<800xi32, #tpu.memory_space<vmem>>
      %dma_wait3A_32 = arith.constant 0 : i32
      %dma_wait3A_33 = arith.constant 0 : i32
      %dma_wait3A_34 = tpu.memref_slice %arg3[%dma_wait3A_32, %dma_wait3A_33] : memref<1000000x64xf32, #tpu.memory_space<hbm>> -> memref<1000000x64xf32, #tpu.memory_space<hbm>>
      tpu.wait_indirect_dma semaphore(%arg10 : memref<!tpu.dma_semaphore, #tpu.memory_space<semaphore_mem>>) src(%dma_wait3A_34 : memref<1000000x64xf32, #tpu.memory_space<hbm>>) dst(%arg7 : memref<800x64xf32, #tpu.memory_space<vmem>>)
      %scan3A_35 = arith.constant 0 : i32
      %scan3A_36 = arith.constant 16 : i32
      %scan3A_37 = arith.addi %scan3A_35, %scan3A_36 : i32
      %scan3A_38 = arith.constant 1 : i32
      scf.for %scan3A_60 = %scan3A_35 to %scan3A_37 step %scan3A_38  : i32 {
        %mul3A_61 = arith.constant 50 : i32
        %mul3A_62 = arith.muli %scan3A_60, %mul3A_61 : i32
        %broadcast_in_dim3A_63 = arith.constant 0.000000e+00 : f32
        %broadcast_in_dim3A_64 = vector.broadcast %broadcast_in_dim3A_63 : f32 to vector<16xf32>
        %broadcast_in_dim3A_65 = arith.constant 0.000000e+00 : f32
        %broadcast_in_dim3A_66 = vector.broadcast %broadcast_in_dim3A_65 : f32 to vector<16xf32>
        %broadcast_in_dim3A_67 = arith.constant 0.000000e+00 : f32
        %broadcast_in_dim3A_68 = vector.broadcast %broadcast_in_dim3A_67 : f32 to vector<16xf32>
        %broadcast_in_dim3A_69 = arith.constant 0.000000e+00 : f32
        %broadcast_in_dim3A_70 = vector.broadcast %broadcast_in_dim3A_69 : f32 to vector<16xf32>
        %add3A_71 = arith.constant 0 : i32
        %add3A_72 = arith.addi %mul3A_62, %add3A_71 : i32
        %get3A = arith.index_cast %add3A_72 : i32 to index
        %get3A_73 = arith.constant 0 : index
        %get3A_74 = tpu.vector_load %arg7[%get3A, %get3A_73] {strides = array<i32>} : memref<800x64xf32, #tpu.memory_space<vmem>>, vector<1x16xf32>,
        %get3A_75 = vector.shape_cast %get3A_74 : vector<1x16xf32> to vector<16xf32>
        %add3A_76 = arith.addf %broadcast_in_dim3A_64, %get3A_75 : vector<16xf32>
        %add3A_77 = arith.constant 0 : i32
        %add3A_78 = arith.addi %mul3A_62, %add3A_77 : i32
        %get3A_79 = arith.index_cast %add3A_78 : i32 to index
        %get3A_80 = arith.constant 16 : index
        %get3A_81 = tpu.vector_load %arg7[%get3A_79, %get3A_80] {strides = array<i32>} : memref<800x64xf32, #tpu.memory_space<vmem>>, vector<1x16xf32>,
        %get3A_82 = vector.shape_cast %get3A_81 : vector<1x16xf32> to vector<16xf32>
        %add3A_83 = arith.addf %broadcast_in_dim3A_66, %get3A_82 : vector<16xf32>
        %add3A_84 = arith.constant 0 : i32
        %add3A_85 = arith.addi %mul3A_62, %add3A_84 : i32
        %get3A_86 = arith.index_cast %add3A_85 : i32 to index
        %get3A_87 = arith.constant 32 : index
        %get3A_88 = tpu.vector_load %arg7[%get3A_86, %get3A_87] {strides = array<i32>} : memref<800x64xf32, #tpu.memory_space<vmem>>, vector<1x16xf32>,
        %get3A_89 = vector.shape_cast %get3A_88 : vector<1x16xf32> to vector<16xf32>
        %add3A_90 = arith.addf %broadcast_in_dim3A_68, %get3A_89 : vector<16xf32>
        %add3A_91 = arith.constant 0 : i32
        %add3A_92 = arith.addi %mul3A_62, %add3A_91 : i32
        %get3A_93 = arith.index_cast %add3A_92 : i32 to index
        %get3A_94 = arith.constant 48 : index
        %get3A_95 = tpu.vector_load %arg7[%get3A_93, %get3A_94] {strides = array<i32>} : memref<800x64xf32, #tpu.memory_space<vmem>>, vector<1x16xf32>,
        %get3A_96 = vector.shape_cast %get3A_95 : vector<1x16xf32> to vector<16xf32>
        %add3A_97 = arith.addf %broadcast_in_dim3A_70, %get3A_96 : vector<16xf32>
        %add3A_98 = arith.constant 1 : i32
        %add3A_99 = arith.addi %mul3A_62, %add3A_98 : i32
        %get3A_100 = arith.index_cast %add3A_99 : i32 to index
        %get3A_101 = arith.constant 0 : index
        %get3A_102 = tpu.vector_load %arg7[%get3A_100, %get3A_101] {strides = array<i32>} : memref<800x64xf32, #tpu.memory_space<vmem>>, vector<1x16xf32>,
        %get3A_103 = vector.shape_cast %get3A_102 : vector<1x16xf32> to vector<16xf32>
        %add3A_104 = arith.addf %add3A_76, %get3A_103 : vector<16xf32>
        %add3A_105 = arith.constant 1 : i32
        %add3A_106 = arith.addi %mul3A_62, %add3A_105 : i32
        %get3A_107 = arith.index_cast %add3A_106 : i32 to index
        %get3A_108 = arith.constant 16 : index
        %get3A_109 = tpu.vector_load %arg7[%get3A_107, %get3A_108] {strides = array<i32>} : memref<800x64xf32, #tpu.memory_space<vmem>>, vector<1x16xf32>,
        %get3A_110 = vector.shape_cast %get3A_109 : vector<1x16xf32> to vector<16xf32>
        %add3A_111 = arith.addf %add3A_83, %get3A_110 : vector<16xf32>
        %add3A_112 = arith.constant 1 : i32
        %add3A_113 = arith.addi %mul3A_62, %add3A_112 : i32
        %get3A_114 = arith.index_cast %add3A_113 : i32 to index
        %get3A_115 = arith.constant 32 : index
        %get3A_116 = tpu.vector_load %arg7[%get3A_114, %get3A_115] {strides = array<i32>} : memref<800x64xf32, #tpu.memory_space<vmem>>, vector<1x16xf32>,
        %get3A_117 = vector.shape_cast %get3A_116 : vector<1x16xf32> to vector<16xf32>
        %add3A_118 = arith.addf %add3A_90, %get3A_117 : vector<16xf32>
        %add3A_119 = arith.constant 1 : i32
        %add3A_120 = arith.addi %mul3A_62, %add3A_119 : i32
        %get3A_121 = arith.index_cast %add3A_120 : i32 to index
        %get3A_122 = arith.constant 48 : index
        %get3A_123 = tpu.vector_load %arg7[%get3A_121, %get3A_122] {strides = array<i32>} : memref<800x64xf32, #tpu.memory_space<vmem>>, vector<1x16xf32>,
        %get3A_124 = vector.shape_cast %get3A_123 : vector<1x16xf32> to vector<16xf32>
        %add3A_125 = arith.addf %add3A_97, %get3A_124 : vector<16xf32>
        %add3A_126 = arith.constant 2 : i32
        %add3A_127 = arith.addi %mul3A_62, %add3A_126 : i32
        %get3A_128 = arith.index_cast %add3A_127 : i32 to index
        %get3A_129 = arith.constant 0 : index
        %get3A_130 = tpu.vector_load %arg7[%get3A_128, %get3A_129] {strides = array<i32>} : memref<800x64xf32, #tpu.memory_space<vmem>>, vector<1x16xf32>,
        %get3A_131 = vector.shape_cast %get3A_130 : vector<1x16xf32> to vector<16xf32>
        %add3A_132 = arith.addf %add3A_104, %get3A_131 : vector<16xf32>
        %add3A_133 = arith.constant 2 : i32
        %add3A_134 = arith.addi %mul3A_62, %add3A_133 : i32
        %get3A_135 = arith.index_cast %add3A_134 : i32 to index
        %get3A_136 = arith.constant 16 : index
        %get3A_137 = tpu.vector_load %arg7[%get3A_135, %get3A_136] {strides = array<i32>} : memref<800x64xf32, #tpu.memory_space<vmem>>, vector<1x16xf32>,
        %get3A_138 = vector.shape_cast %get3A_137 : vector<1x16xf32> to vector<16xf32>
        %add3A_139 = arith.addf %add3A_111, %get3A_138 : vector<16xf32>
        %add3A_140 = arith.constant 2 : i32
        %add3A_141 = arith.addi %mul3A_62, %add3A_140 : i32
        %get3A_142 = arith.index_cast %add3A_141 : i32 to index
        %get3A_143 = arith.constant 32 : index
        %get3A_144 = tpu.vector_load %arg7[%get3A_142, %get3A_143] {strides = array<i32>} : memref<800x64xf32, #tpu.memory_space<vmem>>, vector<1x16xf32>,
        %get3A_145 = vector.shape_cast %get3A_144 : vector<1x16xf32> to vector<16xf32>
        %add3A_146 = arith.addf %add3A_118, %get3A_145 : vector<16xf32>
        %add3A_147 = arith.constant 2 : i32
        %add3A_148 = arith.addi %mul3A_62, %add3A_147 : i32
        %get3A_149 = arith.index_cast %add3A_148 : i32 to index
        %get3A_150 = arith.constant 48 : index
        %get3A_151 = tpu.vector_load %arg7[%get3A_149, %get3A_150] {strides = array<i32>} : memref<800x64xf32, #tpu.memory_space<vmem>>, vector<1x16xf32>,
        %get3A_152 = vector.shape_cast %get3A_151 : vector<1x16xf32> to vector<16xf32>
        %add3A_153 = arith.addf %add3A_125, %get3A_152 : vector<16xf32>
        %add3A_154 = arith.constant 3 : i32
        %add3A_155 = arith.addi %mul3A_62, %add3A_154 : i32
        %get3A_156 = arith.index_cast %add3A_155 : i32 to index
        %get3A_157 = arith.constant 0 : index
        %get3A_158 = tpu.vector_load %arg7[%get3A_156, %get3A_157] {strides = array<i32>} : memref<800x64xf32, #tpu.memory_space<vmem>>, vector<1x16xf32>,
        %get3A_159 = vector.shape_cast %get3A_158 : vector<1x16xf32> to vector<16xf32>
        %add3A_160 = arith.addf %add3A_132, %get3A_159 : vector<16xf32>
        %add3A_161 = arith.constant 3 : i32
        %add3A_162 = arith.addi %mul3A_62, %add3A_161 : i32
        %get3A_163 = arith.index_cast %add3A_162 : i32 to index
        %get3A_164 = arith.constant 16 : index
        %get3A_165 = tpu.vector_load %arg7[%get3A_163, %get3A_164] {strides = array<i32>} : memref<800x64xf32, #tpu.memory_space<vmem>>, vector<1x16xf32>,
        %get3A_166 = vector.shape_cast %get3A_165 : vector<1x16xf32> to vector<16xf32>
        %add3A_167 = arith.addf %add3A_139, %get3A_166 : vector<16xf32>
        %add3A_168 = arith.constant 3 : i32
        %add3A_169 = arith.addi %mul3A_62, %add3A_168 : i32
        %get3A_170 = arith.index_cast %add3A_169 : i32 to index
        %get3A_171 = arith.constant 32 : index
        %get3A_172 = tpu.vector_load %arg7[%get3A_170, %get3A_171] {strides = array<i32>} : memref<800x64xf32, #tpu.memory_space<vmem>>, vector<1x16xf32>,
        %get3A_173 = vector.shape_cast %get3A_172 : vector<1x16xf32> to vector<16xf32>
        %add3A_174 = arith.addf %add3A_146, %get3A_173 : vector<16xf32>
        %add3A_175 = arith.constant 3 : i32
        %add3A_176 = arith.addi %mul3A_62, %add3A_175 : i32
        %get3A_177 = arith.index_cast %add3A_176 : i32 to index
        %get3A_178 = arith.constant 48 : index
        %get3A_179 = tpu.vector_load %arg7[%get3A_177, %get3A_178] {strides = array<i32>} : memref<800x64xf32, #tpu.memory_space<vmem>>, vector<1x16xf32>,
        %get3A_180 = vector.shape_cast %get3A_179 : vector<1x16xf32> to vector<16xf32>
        %add3A_181 = arith.addf %add3A_153, %get3A_180 : vector<16xf32>
        %add3A_182 = arith.constant 4 : i32
        %add3A_183 = arith.addi %mul3A_62, %add3A_182 : i32
        %get3A_184 = arith.index_cast %add3A_183 : i32 to index
        %get3A_185 = arith.constant 0 : index
        %get3A_186 = tpu.vector_load %arg7[%get3A_184, %get3A_185] {strides = array<i32>} : memref<800x64xf32, #tpu.memory_space<vmem>>, vector<1x16xf32>,
        %get3A_187 = vector.shape_cast %get3A_186 : vector<1x16xf32> to vector<16xf32>
        %add3A_188 = arith.addf %add3A_160, %get3A_187 : vector<16xf32>
        %add3A_189 = arith.constant 4 : i32
        %add3A_190 = arith.addi %mul3A_62, %add3A_189 : i32
        %get3A_191 = arith.index_cast %add3A_190 : i32 to index
        %get3A_192 = arith.constant 16 : index
        %get3A_193 = tpu.vector_load %arg7[%get3A_191, %get3A_192] {strides = array<i32>} : memref<800x64xf32, #tpu.memory_space<vmem>>, vector<1x16xf32>,
        %get3A_194 = vector.shape_cast %get3A_193 : vector<1x16xf32> to vector<16xf32>
        %add3A_195 = arith.addf %add3A_167, %get3A_194 : vector<16xf32>
        %add3A_196 = arith.constant 4 : i32
        %add3A_197 = arith.addi %mul3A_62, %add3A_196 : i32
        %get3A_198 = arith.index_cast %add3A_197 : i32 to index
        %get3A_199 = arith.constant 32 : index
        %get3A_200 = tpu.vector_load %arg7[%get3A_198, %get3A_199] {strides = array<i32>} : memref<800x64xf32, #tpu.memory_space<vmem>>, vector<1x16xf32>,
        %get3A_201 = vector.shape_cast %get3A_200 : vector<1x16xf32> to vector<16xf32>
        %add3A_202 = arith.addf %add3A_174, %get3A_201 : vector<16xf32>
        %add3A_203 = arith.constant 4 : i32
        %add3A_204 = arith.addi %mul3A_62, %add3A_203 : i32
        %get3A_205 = arith.index_cast %add3A_204 : i32 to index
        %get3A_206 = arith.constant 48 : index
        %get3A_207 = tpu.vector_load %arg7[%get3A_205, %get3A_206] {strides = array<i32>} : memref<800x64xf32, #tpu.memory_space<vmem>>, vector<1x16xf32>,
        %get3A_208 = vector.shape_cast %get3A_207 : vector<1x16xf32> to vector<16xf32>
        %add3A_209 = arith.addf %add3A_181, %get3A_208 : vector<16xf32>
        %add3A_210 = arith.constant 5 : i32
        %add3A_211 = arith.addi %mul3A_62, %add3A_210 : i32
        %get3A_212 = arith.index_cast %add3A_211 : i32 to index
        %get3A_213 = arith.constant 0 : index
        %get3A_214 = tpu.vector_load %arg7[%get3A_212, %get3A_213] {strides = array<i32>} : memref<800x64xf32, #tpu.memory_space<vmem>>, vector<1x16xf32>,
        %get3A_215 = vector.shape_cast %get3A_214 : vector<1x16xf32> to vector<16xf32>
        %add3A_216 = arith.addf %add3A_188, %get3A_215 : vector<16xf32>
        %add3A_217 = arith.constant 5 : i32
        %add3A_218 = arith.addi %mul3A_62, %add3A_217 : i32
        %get3A_219 = arith.index_cast %add3A_218 : i32 to index
        %get3A_220 = arith.constant 16 : index
        %get3A_221 = tpu.vector_load %arg7[%get3A_219, %get3A_220] {strides = array<i32>} : memref<800x64xf32, #tpu.memory_space<vmem>>, vector<1x16xf32>,
        %get3A_222 = vector.shape_cast %get3A_221 : vector<1x16xf32> to vector<16xf32>
        %add3A_223 = arith.addf %add3A_195, %get3A_222 : vector<16xf32>
        %add3A_224 = arith.constant 5 : i32
        %add3A_225 = arith.addi %mul3A_62, %add3A_224 : i32
        %get3A_226 = arith.index_cast %add3A_225 : i32 to index
        %get3A_227 = arith.constant 32 : index
        %get3A_228 = tpu.vector_load %arg7[%get3A_226, %get3A_227] {strides = array<i32>} : memref<800x64xf32, #tpu.memory_space<vmem>>, vector<1x16xf32>,
        %get3A_229 = vector.shape_cast %get3A_228 : vector<1x16xf32> to vector<16xf32>
        %add3A_230 = arith.addf %add3A_202, %get3A_229 : vector<16xf32>
        %add3A_231 = arith.constant 5 : i32
        %add3A_232 = arith.addi %mul3A_62, %add3A_231 : i32
        %get3A_233 = arith.index_cast %add3A_232 : i32 to index
        %get3A_234 = arith.constant 48 : index
        %get3A_235 = tpu.vector_load %arg7[%get3A_233, %get3A_234] {strides = array<i32>} : memref<800x64xf32, #tpu.memory_space<vmem>>, vector<1x16xf32>,
        %get3A_236 = vector.shape_cast %get3A_235 : vector<1x16xf32> to vector<16xf32>
        %add3A_237 = arith.addf %add3A_209, %get3A_236 : vector<16xf32>
        %add3A_238 = arith.constant 6 : i32
        %add3A_239 = arith.addi %mul3A_62, %add3A_238 : i32
        %get3A_240 = arith.index_cast %add3A_239 : i32 to index
        %get3A_241 = arith.constant 0 : index
        %get3A_242 = tpu.vector_load %arg7[%get3A_240, %get3A_241] {strides = array<i32>} : memref<800x64xf32, #tpu.memory_space<vmem>>, vector<1x16xf32>,
        %get3A_243 = vector.shape_cast %get3A_242 : vector<1x16xf32> to vector<16xf32>
        %add3A_244 = arith.addf %add3A_216, %get3A_243 : vector<16xf32>
        %add3A_245 = arith.constant 6 : i32
        %add3A_246 = arith.addi %mul3A_62, %add3A_245 : i32
        %get3A_247 = arith.index_cast %add3A_246 : i32 to index
        %get3A_248 = arith.constant 16 : index
        %get3A_249 = tpu.vector_load %arg7[%get3A_247, %get3A_248] {strides = array<i32>} : memref<800x64xf32, #tpu.memory_space<vmem>>, vector<1x16xf32>,
        %get3A_250 = vector.shape_cast %get3A_249 : vector<1x16xf32> to vector<16xf32>
        %add3A_251 = arith.addf %add3A_223, %get3A_250 : vector<16xf32>
        %add3A_252 = arith.constant 6 : i32
        %add3A_253 = arith.addi %mul3A_62, %add3A_252 : i32
        %get3A_254 = arith.index_cast %add3A_253 : i32 to index
        %get3A_255 = arith.constant 32 : index
        %get3A_256 = tpu.vector_load %arg7[%get3A_254, %get3A_255] {strides = array<i32>} : memref<800x64xf32, #tpu.memory_space<vmem>>, vector<1x16xf32>,
        %get3A_257 = vector.shape_cast %get3A_256 : vector<1x16xf32> to vector<16xf32>
        %add3A_258 = arith.addf %add3A_230, %get3A_257 : vector<16xf32>
        %add3A_259 = arith.constant 6 : i32
        %add3A_260 = arith.addi %mul3A_62, %add3A_259 : i32
        %get3A_261 = arith.index_cast %add3A_260 : i32 to index
        %get3A_262 = arith.constant 48 : index
        %get3A_263 = tpu.vector_load %arg7[%get3A_261, %get3A_262] {strides = array<i32>} : memref<800x64xf32, #tpu.memory_space<vmem>>, vector<1x16xf32>,
        %get3A_264 = vector.shape_cast %get3A_263 : vector<1x16xf32> to vector<16xf32>
        %add3A_265 = arith.addf %add3A_237, %get3A_264 : vector<16xf32>
        %add3A_266 = arith.constant 7 : i32
        %add3A_267 = arith.addi %mul3A_62, %add3A_266 : i32
        %get3A_268 = arith.index_cast %add3A_267 : i32 to index
        %get3A_269 = arith.constant 0 : index
        %get3A_270 = tpu.vector_load %arg7[%get3A_268, %get3A_269] {strides = array<i32>} : memref<800x64xf32, #tpu.memory_space<vmem>>, vector<1x16xf32>,
        %get3A_271 = vector.shape_cast %get3A_270 : vector<1x16xf32> to vector<16xf32>
        %add3A_272 = arith.addf %add3A_244, %get3A_271 : vector<16xf32>
        %add3A_273 = arith.constant 7 : i32
        %add3A_274 = arith.addi %mul3A_62, %add3A_273 : i32
        %get3A_275 = arith.index_cast %add3A_274 : i32 to index
        %get3A_276 = arith.constant 16 : index
        %get3A_277 = tpu.vector_load %arg7[%get3A_275, %get3A_276] {strides = array<i32>} : memref<800x64xf32, #tpu.memory_space<vmem>>, vector<1x16xf32>,
        %get3A_278 = vector.shape_cast %get3A_277 : vector<1x16xf32> to vector<16xf32>
        %add3A_279 = arith.addf %add3A_251, %get3A_278 : vector<16xf32>
        %add3A_280 = arith.constant 7 : i32
        %add3A_281 = arith.addi %mul3A_62, %add3A_280 : i32
        %get3A_282 = arith.index_cast %add3A_281 : i32 to index
        %get3A_283 = arith.constant 32 : index
        %get3A_284 = tpu.vector_load %arg7[%get3A_282, %get3A_283] {strides = array<i32>} : memref<800x64xf32, #tpu.memory_space<vmem>>, vector<1x16xf32>,
        %get3A_285 = vector.shape_cast %get3A_284 : vector<1x16xf32> to vector<16xf32>
        %add3A_286 = arith.addf %add3A_258, %get3A_285 : vector<16xf32>
        %add3A_287 = arith.constant 7 : i32
        %add3A_288 = arith.addi %mul3A_62, %add3A_287 : i32
        %get3A_289 = arith.index_cast %add3A_288 : i32 to index
        %get3A_290 = arith.constant 48 : index
        %get3A_291 = tpu.vector_load %arg7[%get3A_289, %get3A_290] {strides = array<i32>} : memref<800x64xf32, #tpu.memory_space<vmem>>, vector<1x16xf32>,
        %get3A_292 = vector.shape_cast %get3A_291 : vector<1x16xf32> to vector<16xf32>
        %add3A_293 = arith.addf %add3A_265, %get3A_292 : vector<16xf32>
        %add3A_294 = arith.constant 8 : i32
        %add3A_295 = arith.addi %mul3A_62, %add3A_294 : i32
        %get3A_296 = arith.index_cast %add3A_295 : i32 to index
        %get3A_297 = arith.constant 0 : index
        %get3A_298 = tpu.vector_load %arg7[%get3A_296, %get3A_297] {strides = array<i32>} : memref<800x64xf32, #tpu.memory_space<vmem>>, vector<1x16xf32>,
        %get3A_299 = vector.shape_cast %get3A_298 : vector<1x16xf32> to vector<16xf32>
        %add3A_300 = arith.addf %add3A_272, %get3A_299 : vector<16xf32>
        %add3A_301 = arith.constant 8 : i32
        %add3A_302 = arith.addi %mul3A_62, %add3A_301 : i32
        %get3A_303 = arith.index_cast %add3A_302 : i32 to index
        %get3A_304 = arith.constant 16 : index
        %get3A_305 = tpu.vector_load %arg7[%get3A_303, %get3A_304] {strides = array<i32>} : memref<800x64xf32, #tpu.memory_space<vmem>>, vector<1x16xf32>,
        %get3A_306 = vector.shape_cast %get3A_305 : vector<1x16xf32> to vector<16xf32>
        %add3A_307 = arith.addf %add3A_279, %get3A_306 : vector<16xf32>
        %add3A_308 = arith.constant 8 : i32
        %add3A_309 = arith.addi %mul3A_62, %add3A_308 : i32
        %get3A_310 = arith.index_cast %add3A_309 : i32 to index
        %get3A_311 = arith.constant 32 : index
        %get3A_312 = tpu.vector_load %arg7[%get3A_310, %get3A_311] {strides = array<i32>} : memref<800x64xf32, #tpu.memory_space<vmem>>, vector<1x16xf32>,
        %get3A_313 = vector.shape_cast %get3A_312 : vector<1x16xf32> to vector<16xf32>
        %add3A_314 = arith.addf %add3A_286, %get3A_313 : vector<16xf32>
        %add3A_315 = arith.constant 8 : i32
        %add3A_316 = arith.addi %mul3A_62, %add3A_315 : i32
        %get3A_317 = arith.index_cast %add3A_316 : i32 to index
        %get3A_318 = arith.constant 48 : index
        %get3A_319 = tpu.vector_load %arg7[%get3A_317, %get3A_318] {strides = array<i32>} : memref<800x64xf32, #tpu.memory_space<vmem>>, vector<1x16xf32>,
        %get3A_320 = vector.shape_cast %get3A_319 : vector<1x16xf32> to vector<16xf32>
        %add3A_321 = arith.addf %add3A_293, %get3A_320 : vector<16xf32>
        %add3A_322 = arith.constant 9 : i32
        %add3A_323 = arith.addi %mul3A_62, %add3A_322 : i32
        %get3A_324 = arith.index_cast %add3A_323 : i32 to index
        %get3A_325 = arith.constant 0 : index
        %get3A_326 = tpu.vector_load %arg7[%get3A_324, %get3A_325] {strides = array<i32>} : memref<800x64xf32, #tpu.memory_space<vmem>>, vector<1x16xf32>,
        %get3A_327 = vector.shape_cast %get3A_326 : vector<1x16xf32> to vector<16xf32>
        %add3A_328 = arith.addf %add3A_300, %get3A_327 : vector<16xf32>
        %add3A_329 = arith.constant 9 : i32
        %add3A_330 = arith.addi %mul3A_62, %add3A_329 : i32
        %get3A_331 = arith.index_cast %add3A_330 : i32 to index
        %get3A_332 = arith.constant 16 : index
        %get3A_333 = tpu.vector_load %arg7[%get3A_331, %get3A_332] {strides = array<i32>} : memref<800x64xf32, #tpu.memory_space<vmem>>, vector<1x16xf32>,
        %get3A_334 = vector.shape_cast %get3A_333 : vector<1x16xf32> to vector<16xf32>
        %add3A_335 = arith.addf %add3A_307, %get3A_334 : vector<16xf32>
        %add3A_336 = arith.constant 9 : i32
        %add3A_337 = arith.addi %mul3A_62, %add3A_336 : i32
        %get3A_338 = arith.index_cast %add3A_337 : i32 to index
        %get3A_339 = arith.constant 32 : index
        %get3A_340 = tpu.vector_load %arg7[%get3A_338, %get3A_339] {strides = array<i32>} : memref<800x64xf32, #tpu.memory_space<vmem>>, vector<1x16xf32>,
        %get3A_341 = vector.shape_cast %get3A_340 : vector<1x16xf32> to vector<16xf32>
        %add3A_342 = arith.addf %add3A_314, %get3A_341 : vector<16xf32>
        %add3A_343 = arith.constant 9 : i32
        %add3A_344 = arith.addi %mul3A_62, %add3A_343 : i32
        %get3A_345 = arith.index_cast %add3A_344 : i32 to index
        %get3A_346 = arith.constant 48 : index
        %get3A_347 = tpu.vector_load %arg7[%get3A_345, %get3A_346] {strides = array<i32>} : memref<800x64xf32, #tpu.memory_space<vmem>>, vector<1x16xf32>,
        %get3A_348 = vector.shape_cast %get3A_347 : vector<1x16xf32> to vector<16xf32>
        %add3A_349 = arith.addf %add3A_321, %get3A_348 : vector<16xf32>
        %add3A_350 = arith.constant 10 : i32
        %add3A_351 = arith.addi %mul3A_62, %add3A_350 : i32
        %get3A_352 = arith.index_cast %add3A_351 : i32 to index
        %get3A_353 = arith.constant 0 : index
        %get3A_354 = tpu.vector_load %arg7[%get3A_352, %get3A_353] {strides = array<i32>} : memref<800x64xf32, #tpu.memory_space<vmem>>, vector<1x16xf32>,
        %get3A_355 = vector.shape_cast %get3A_354 : vector<1x16xf32> to vector<16xf32>
        %add3A_356 = arith.addf %add3A_328, %get3A_355 : vector<16xf32>
        %add3A_357 = arith.constant 10 : i32
        %add3A_358 = arith.addi %mul3A_62, %add3A_357 : i32
        %get3A_359 = arith.index_cast %add3A_358 : i32 to index
        %get3A_360 = arith.constant 16 : index
        %get3A_361 = tpu.vector_load %arg7[%get3A_359, %get3A_360] {strides = array<i32>} : memref<800x64xf32, #tpu.memory_space<vmem>>, vector<1x16xf32>,
        %get3A_362 = vector.shape_cast %get3A_361 : vector<1x16xf32> to vector<16xf32>
        %add3A_363 = arith.addf %add3A_335, %get3A_362 : vector<16xf32>
        %add3A_364 = arith.constant 10 : i32
        %add3A_365 = arith.addi %mul3A_62, %add3A_364 : i32
        %get3A_366 = arith.index_cast %add3A_365 : i32 to index
        %get3A_367 = arith.constant 32 : index
        %get3A_368 = tpu.vector_load %arg7[%get3A_366, %get3A_367] {strides = array<i32>} : memref<800x64xf32, #tpu.memory_space<vmem>>, vector<1x16xf32>,
        %get3A_369 = vector.shape_cast %get3A_368 : vector<1x16xf32> to vector<16xf32>
        %add3A_370 = arith.addf %add3A_342, %get3A_369 : vector<16xf32>
        %add3A_371 = arith.constant 10 : i32
        %add3A_372 = arith.addi %mul3A_62, %add3A_371 : i32
        %get3A_373 = arith.index_cast %add3A_372 : i32 to index
        %get3A_374 = arith.constant 48 : index
        %get3A_375 = tpu.vector_load %arg7[%get3A_373, %get3A_374] {strides = array<i32>} : memref<800x64xf32, #tpu.memory_space<vmem>>, vector<1x16xf32>,
        %get3A_376 = vector.shape_cast %get3A_375 : vector<1x16xf32> to vector<16xf32>
        %add3A_377 = arith.addf %add3A_349, %get3A_376 : vector<16xf32>
        %add3A_378 = arith.constant 11 : i32
        %add3A_379 = arith.addi %mul3A_62, %add3A_378 : i32
        %get3A_380 = arith.index_cast %add3A_379 : i32 to index
        %get3A_381 = arith.constant 0 : index
        %get3A_382 = tpu.vector_load %arg7[%get3A_380, %get3A_381] {strides = array<i32>} : memref<800x64xf32, #tpu.memory_space<vmem>>, vector<1x16xf32>,
        %get3A_383 = vector.shape_cast %get3A_382 : vector<1x16xf32> to vector<16xf32>
        %add3A_384 = arith.addf %add3A_356, %get3A_383 : vector<16xf32>
        %add3A_385 = arith.constant 11 : i32
        %add3A_386 = arith.addi %mul3A_62, %add3A_385 : i32
        %get3A_387 = arith.index_cast %add3A_386 : i32 to index
        %get3A_388 = arith.constant 16 : index
        %get3A_389 = tpu.vector_load %arg7[%get3A_387, %get3A_388] {strides = array<i32>} : memref<800x64xf32, #tpu.memory_space<vmem>>, vector<1x16xf32>,
        %get3A_390 = vector.shape_cast %get3A_389 : vector<1x16xf32> to vector<16xf32>
        %add3A_391 = arith.addf %add3A_363, %get3A_390 : vector<16xf32>
        %add3A_392 = arith.constant 11 : i32
        %add3A_393 = arith.addi %mul3A_62, %add3A_392 : i32
        %get3A_394 = arith.index_cast %add3A_393 : i32 to index
        %get3A_395 = arith.constant 32 : index
        %get3A_396 = tpu.vector_load %arg7[%get3A_394, %get3A_395] {strides = array<i32>} : memref<800x64xf32, #tpu.memory_space<vmem>>, vector<1x16xf32>,
        %get3A_397 = vector.shape_cast %get3A_396 : vector<1x16xf32> to vector<16xf32>
        %add3A_398 = arith.addf %add3A_370, %get3A_397 : vector<16xf32>
        %add3A_399 = arith.constant 11 : i32
        %add3A_400 = arith.addi %mul3A_62, %add3A_399 : i32
        %get3A_401 = arith.index_cast %add3A_400 : i32 to index
        %get3A_402 = arith.constant 48 : index
        %get3A_403 = tpu.vector_load %arg7[%get3A_401, %get3A_402] {strides = array<i32>} : memref<800x64xf32, #tpu.memory_space<vmem>>, vector<1x16xf32>,
        %get3A_404 = vector.shape_cast %get3A_403 : vector<1x16xf32> to vector<16xf32>
        %add3A_405 = arith.addf %add3A_377, %get3A_404 : vector<16xf32>
        %add3A_406 = arith.constant 12 : i32
        %add3A_407 = arith.addi %mul3A_62, %add3A_406 : i32
        %get3A_408 = arith.index_cast %add3A_407 : i32 to index
        %get3A_409 = arith.constant 0 : index
        %get3A_410 = tpu.vector_load %arg7[%get3A_408, %get3A_409] {strides = array<i32>} : memref<800x64xf32, #tpu.memory_space<vmem>>, vector<1x16xf32>,
        %get3A_411 = vector.shape_cast %get3A_410 : vector<1x16xf32> to vector<16xf32>
        %add3A_412 = arith.addf %add3A_384, %get3A_411 : vector<16xf32>
        %add3A_413 = arith.constant 12 : i32
        %add3A_414 = arith.addi %mul3A_62, %add3A_413 : i32
        %get3A_415 = arith.index_cast %add3A_414 : i32 to index
        %get3A_416 = arith.constant 16 : index
        %get3A_417 = tpu.vector_load %arg7[%get3A_415, %get3A_416] {strides = array<i32>} : memref<800x64xf32, #tpu.memory_space<vmem>>, vector<1x16xf32>,
        %get3A_418 = vector.shape_cast %get3A_417 : vector<1x16xf32> to vector<16xf32>
        %add3A_419 = arith.addf %add3A_391, %get3A_418 : vector<16xf32>
        %add3A_420 = arith.constant 12 : i32
        %add3A_421 = arith.addi %mul3A_62, %add3A_420 : i32
        %get3A_422 = arith.index_cast %add3A_421 : i32 to index
        %get3A_423 = arith.constant 32 : index
        %get3A_424 = tpu.vector_load %arg7[%get3A_422, %get3A_423] {strides = array<i32>} : memref<800x64xf32, #tpu.memory_space<vmem>>, vector<1x16xf32>,
        %get3A_425 = vector.shape_cast %get3A_424 : vector<1x16xf32> to vector<16xf32>
        %add3A_426 = arith.addf %add3A_398, %get3A_425 : vector<16xf32>
        %add3A_427 = arith.constant 12 : i32
        %add3A_428 = arith.addi %mul3A_62, %add3A_427 : i32
        %get3A_429 = arith.index_cast %add3A_428 : i32 to index
        %get3A_430 = arith.constant 48 : index
        %get3A_431 = tpu.vector_load %arg7[%get3A_429, %get3A_430] {strides = array<i32>} : memref<800x64xf32, #tpu.memory_space<vmem>>, vector<1x16xf32>,
        %get3A_432 = vector.shape_cast %get3A_431 : vector<1x16xf32> to vector<16xf32>
        %add3A_433 = arith.addf %add3A_405, %get3A_432 : vector<16xf32>
        %add3A_434 = arith.constant 13 : i32
        %add3A_435 = arith.addi %mul3A_62, %add3A_434 : i32
        %get3A_436 = arith.index_cast %add3A_435 : i32 to index
        %get3A_437 = arith.constant 0 : index
        %get3A_438 = tpu.vector_load %arg7[%get3A_436, %get3A_437] {strides = array<i32>} : memref<800x64xf32, #tpu.memory_space<vmem>>, vector<1x16xf32>,
        %get3A_439 = vector.shape_cast %get3A_438 : vector<1x16xf32> to vector<16xf32>
        %add3A_440 = arith.addf %add3A_412, %get3A_439 : vector<16xf32>
        %add3A_441 = arith.constant 13 : i32
        %add3A_442 = arith.addi %mul3A_62, %add3A_441 : i32
        %get3A_443 = arith.index_cast %add3A_442 : i32 to index
        %get3A_444 = arith.constant 16 : index
        %get3A_445 = tpu.vector_load %arg7[%get3A_443, %get3A_444] {strides = array<i32>} : memref<800x64xf32, #tpu.memory_space<vmem>>, vector<1x16xf32>,
        %get3A_446 = vector.shape_cast %get3A_445 : vector<1x16xf32> to vector<16xf32>
        %add3A_447 = arith.addf %add3A_419, %get3A_446 : vector<16xf32>
        %add3A_448 = arith.constant 13 : i32
        %add3A_449 = arith.addi %mul3A_62, %add3A_448 : i32
        %get3A_450 = arith.index_cast %add3A_449 : i32 to index
        %get3A_451 = arith.constant 32 : index
        %get3A_452 = tpu.vector_load %arg7[%get3A_450, %get3A_451] {strides = array<i32>} : memref<800x64xf32, #tpu.memory_space<vmem>>, vector<1x16xf32>,
        %get3A_453 = vector.shape_cast %get3A_452 : vector<1x16xf32> to vector<16xf32>
        %add3A_454 = arith.addf %add3A_426, %get3A_453 : vector<16xf32>
        %add3A_455 = arith.constant 13 : i32
        %add3A_456 = arith.addi %mul3A_62, %add3A_455 : i32
        %get3A_457 = arith.index_cast %add3A_456 : i32 to index
        %get3A_458 = arith.constant 48 : index
        %get3A_459 = tpu.vector_load %arg7[%get3A_457, %get3A_458] {strides = array<i32>} : memref<800x64xf32, #tpu.memory_space<vmem>>, vector<1x16xf32>,
        %get3A_460 = vector.shape_cast %get3A_459 : vector<1x16xf32> to vector<16xf32>
        %add3A_461 = arith.addf %add3A_433, %get3A_460 : vector<16xf32>
        %add3A_462 = arith.constant 14 : i32
        %add3A_463 = arith.addi %mul3A_62, %add3A_462 : i32
        %get3A_464 = arith.index_cast %add3A_463 : i32 to index
        %get3A_465 = arith.constant 0 : index
        %get3A_466 = tpu.vector_load %arg7[%get3A_464, %get3A_465] {strides = array<i32>} : memref<800x64xf32, #tpu.memory_space<vmem>>, vector<1x16xf32>,
        %get3A_467 = vector.shape_cast %get3A_466 : vector<1x16xf32> to vector<16xf32>
        %add3A_468 = arith.addf %add3A_440, %get3A_467 : vector<16xf32>
        %add3A_469 = arith.constant 14 : i32
        %add3A_470 = arith.addi %mul3A_62, %add3A_469 : i32
        %get3A_471 = arith.index_cast %add3A_470 : i32 to index
        %get3A_472 = arith.constant 16 : index
        %get3A_473 = tpu.vector_load %arg7[%get3A_471, %get3A_472] {strides = array<i32>} : memref<800x64xf32, #tpu.memory_space<vmem>>, vector<1x16xf32>,
        %get3A_474 = vector.shape_cast %get3A_473 : vector<1x16xf32> to vector<16xf32>
        %add3A_475 = arith.addf %add3A_447, %get3A_474 : vector<16xf32>
        %add3A_476 = arith.constant 14 : i32
        %add3A_477 = arith.addi %mul3A_62, %add3A_476 : i32
        %get3A_478 = arith.index_cast %add3A_477 : i32 to index
        %get3A_479 = arith.constant 32 : index
        %get3A_480 = tpu.vector_load %arg7[%get3A_478, %get3A_479] {strides = array<i32>} : memref<800x64xf32, #tpu.memory_space<vmem>>, vector<1x16xf32>,
        %get3A_481 = vector.shape_cast %get3A_480 : vector<1x16xf32> to vector<16xf32>
        %add3A_482 = arith.addf %add3A_454, %get3A_481 : vector<16xf32>
        %add3A_483 = arith.constant 14 : i32
        %add3A_484 = arith.addi %mul3A_62, %add3A_483 : i32
        %get3A_485 = arith.index_cast %add3A_484 : i32 to index
        %get3A_486 = arith.constant 48 : index
        %get3A_487 = tpu.vector_load %arg7[%get3A_485, %get3A_486] {strides = array<i32>} : memref<800x64xf32, #tpu.memory_space<vmem>>, vector<1x16xf32>,
        %get3A_488 = vector.shape_cast %get3A_487 : vector<1x16xf32> to vector<16xf32>
        %add3A_489 = arith.addf %add3A_461, %get3A_488 : vector<16xf32>
        %add3A_490 = arith.constant 15 : i32
        %add3A_491 = arith.addi %mul3A_62, %add3A_490 : i32
        %get3A_492 = arith.index_cast %add3A_491 : i32 to index
        %get3A_493 = arith.constant 0 : index
        %get3A_494 = tpu.vector_load %arg7[%get3A_492, %get3A_493] {strides = array<i32>} : memref<800x64xf32, #tpu.memory_space<vmem>>, vector<1x16xf32>,
        %get3A_495 = vector.shape_cast %get3A_494 : vector<1x16xf32> to vector<16xf32>
        %add3A_496 = arith.addf %add3A_468, %get3A_495 : vector<16xf32>
        %add3A_497 = arith.constant 15 : i32
        %add3A_498 = arith.addi %mul3A_62, %add3A_497 : i32
        %get3A_499 = arith.index_cast %add3A_498 : i32 to index
        %get3A_500 = arith.constant 16 : index
        %get3A_501 = tpu.vector_load %arg7[%get3A_499, %get3A_500] {strides = array<i32>} : memref<800x64xf32, #tpu.memory_space<vmem>>, vector<1x16xf32>,
        %get3A_502 = vector.shape_cast %get3A_501 : vector<1x16xf32> to vector<16xf32>
        %add3A_503 = arith.addf %add3A_475, %get3A_502 : vector<16xf32>
        %add3A_504 = arith.constant 15 : i32
        %add3A_505 = arith.addi %mul3A_62, %add3A_504 : i32
        %get3A_506 = arith.index_cast %add3A_505 : i32 to index
        %get3A_507 = arith.constant 32 : index
        %get3A_508 = tpu.vector_load %arg7[%get3A_506, %get3A_507] {strides = array<i32>} : memref<800x64xf32, #tpu.memory_space<vmem>>, vector<1x16xf32>,
        %get3A_509 = vector.shape_cast %get3A_508 : vector<1x16xf32> to vector<16xf32>
        %add3A_510 = arith.addf %add3A_482, %get3A_509 : vector<16xf32>
        %add3A_511 = arith.constant 15 : i32
        %add3A_512 = arith.addi %mul3A_62, %add3A_511 : i32
        %get3A_513 = arith.index_cast %add3A_512 : i32 to index
        %get3A_514 = arith.constant 48 : index
        %get3A_515 = tpu.vector_load %arg7[%get3A_513, %get3A_514] {strides = array<i32>} : memref<800x64xf32, #tpu.memory_space<vmem>>, vector<1x16xf32>,
        %get3A_516 = vector.shape_cast %get3A_515 : vector<1x16xf32> to vector<16xf32>
        %add3A_517 = arith.addf %add3A_489, %get3A_516 : vector<16xf32>
        %add3A_518 = arith.constant 16 : i32
        %add3A_519 = arith.addi %mul3A_62, %add3A_518 : i32
        %get3A_520 = arith.index_cast %add3A_519 : i32 to index
        %get3A_521 = arith.constant 0 : index
        %get3A_522 = tpu.vector_load %arg7[%get3A_520, %get3A_521] {strides = array<i32>} : memref<800x64xf32, #tpu.memory_space<vmem>>, vector<1x16xf32>,
        %get3A_523 = vector.shape_cast %get3A_522 : vector<1x16xf32> to vector<16xf32>
        %add3A_524 = arith.addf %add3A_496, %get3A_523 : vector<16xf32>
        %add3A_525 = arith.constant 16 : i32
        %add3A_526 = arith.addi %mul3A_62, %add3A_525 : i32
        %get3A_527 = arith.index_cast %add3A_526 : i32 to index
        %get3A_528 = arith.constant 16 : index
        %get3A_529 = tpu.vector_load %arg7[%get3A_527, %get3A_528] {strides = array<i32>} : memref<800x64xf32, #tpu.memory_space<vmem>>, vector<1x16xf32>,
        %get3A_530 = vector.shape_cast %get3A_529 : vector<1x16xf32> to vector<16xf32>
        %add3A_531 = arith.addf %add3A_503, %get3A_530 : vector<16xf32>
        %add3A_532 = arith.constant 16 : i32
        %add3A_533 = arith.addi %mul3A_62, %add3A_532 : i32
        %get3A_534 = arith.index_cast %add3A_533 : i32 to index
        %get3A_535 = arith.constant 32 : index
        %get3A_536 = tpu.vector_load %arg7[%get3A_534, %get3A_535] {strides = array<i32>} : memref<800x64xf32, #tpu.memory_space<vmem>>, vector<1x16xf32>,
        %get3A_537 = vector.shape_cast %get3A_536 : vector<1x16xf32> to vector<16xf32>
        %add3A_538 = arith.addf %add3A_510, %get3A_537 : vector<16xf32>
        %add3A_539 = arith.constant 16 : i32
        %add3A_540 = arith.addi %mul3A_62, %add3A_539 : i32
        %get3A_541 = arith.index_cast %add3A_540 : i32 to index
        %get3A_542 = arith.constant 48 : index
        %get3A_543 = tpu.vector_load %arg7[%get3A_541, %get3A_542] {strides = array<i32>} : memref<800x64xf32, #tpu.memory_space<vmem>>, vector<1x16xf32>,
        %get3A_544 = vector.shape_cast %get3A_543 : vector<1x16xf32> to vector<16xf32>
        %add3A_545 = arith.addf %add3A_517, %get3A_544 : vector<16xf32>
        %add3A_546 = arith.constant 17 : i32
        %add3A_547 = arith.addi %mul3A_62, %add3A_546 : i32
        %get3A_548 = arith.index_cast %add3A_547 : i32 to index
        %get3A_549 = arith.constant 0 : index
        %get3A_550 = tpu.vector_load %arg7[%get3A_548, %get3A_549] {strides = array<i32>} : memref<800x64xf32, #tpu.memory_space<vmem>>, vector<1x16xf32>,
        %get3A_551 = vector.shape_cast %get3A_550 : vector<1x16xf32> to vector<16xf32>
        %add3A_552 = arith.addf %add3A_524, %get3A_551 : vector<16xf32>
        %add3A_553 = arith.constant 17 : i32
        %add3A_554 = arith.addi %mul3A_62, %add3A_553 : i32
        %get3A_555 = arith.index_cast %add3A_554 : i32 to index
        %get3A_556 = arith.constant 16 : index
        %get3A_557 = tpu.vector_load %arg7[%get3A_555, %get3A_556] {strides = array<i32>} : memref<800x64xf32, #tpu.memory_space<vmem>>, vector<1x16xf32>,
        %get3A_558 = vector.shape_cast %get3A_557 : vector<1x16xf32> to vector<16xf32>
        %add3A_559 = arith.addf %add3A_531, %get3A_558 : vector<16xf32>
        %add3A_560 = arith.constant 17 : i32
        %add3A_561 = arith.addi %mul3A_62, %add3A_560 : i32
        %get3A_562 = arith.index_cast %add3A_561 : i32 to index
        %get3A_563 = arith.constant 32 : index
        %get3A_564 = tpu.vector_load %arg7[%get3A_562, %get3A_563] {strides = array<i32>} : memref<800x64xf32, #tpu.memory_space<vmem>>, vector<1x16xf32>,
        %get3A_565 = vector.shape_cast %get3A_564 : vector<1x16xf32> to vector<16xf32>
        %add3A_566 = arith.addf %add3A_538, %get3A_565 : vector<16xf32>
        %add3A_567 = arith.constant 17 : i32
        %add3A_568 = arith.addi %mul3A_62, %add3A_567 : i32
        %get3A_569 = arith.index_cast %add3A_568 : i32 to index
        %get3A_570 = arith.constant 48 : index
        %get3A_571 = tpu.vector_load %arg7[%get3A_569, %get3A_570] {strides = array<i32>} : memref<800x64xf32, #tpu.memory_space<vmem>>, vector<1x16xf32>,
        %get3A_572 = vector.shape_cast %get3A_571 : vector<1x16xf32> to vector<16xf32>
        %add3A_573 = arith.addf %add3A_545, %get3A_572 : vector<16xf32>
        %add3A_574 = arith.constant 18 : i32
        %add3A_575 = arith.addi %mul3A_62, %add3A_574 : i32
        %get3A_576 = arith.index_cast %add3A_575 : i32 to index
        %get3A_577 = arith.constant 0 : index
        %get3A_578 = tpu.vector_load %arg7[%get3A_576, %get3A_577] {strides = array<i32>} : memref<800x64xf32, #tpu.memory_space<vmem>>, vector<1x16xf32>,
        %get3A_579 = vector.shape_cast %get3A_578 : vector<1x16xf32> to vector<16xf32>
        %add3A_580 = arith.addf %add3A_552, %get3A_579 : vector<16xf32>
        %add3A_581 = arith.constant 18 : i32
        %add3A_582 = arith.addi %mul3A_62, %add3A_581 : i32
        %get3A_583 = arith.index_cast %add3A_582 : i32 to index
        %get3A_584 = arith.constant 16 : index
        %get3A_585 = tpu.vector_load %arg7[%get3A_583, %get3A_584] {strides = array<i32>} : memref<800x64xf32, #tpu.memory_space<vmem>>, vector<1x16xf32>,
        %get3A_586 = vector.shape_cast %get3A_585 : vector<1x16xf32> to vector<16xf32>
        %add3A_587 = arith.addf %add3A_559, %get3A_586 : vector<16xf32>
        %add3A_588 = arith.constant 18 : i32
        %add3A_589 = arith.addi %mul3A_62, %add3A_588 : i32
        %get3A_590 = arith.index_cast %add3A_589 : i32 to index
        %get3A_591 = arith.constant 32 : index
        %get3A_592 = tpu.vector_load %arg7[%get3A_590, %get3A_591] {strides = array<i32>} : memref<800x64xf32, #tpu.memory_space<vmem>>, vector<1x16xf32>,
        %get3A_593 = vector.shape_cast %get3A_592 : vector<1x16xf32> to vector<16xf32>
        %add3A_594 = arith.addf %add3A_566, %get3A_593 : vector<16xf32>
        %add3A_595 = arith.constant 18 : i32
        %add3A_596 = arith.addi %mul3A_62, %add3A_595 : i32
        %get3A_597 = arith.index_cast %add3A_596 : i32 to index
        %get3A_598 = arith.constant 48 : index
        %get3A_599 = tpu.vector_load %arg7[%get3A_597, %get3A_598] {strides = array<i32>} : memref<800x64xf32, #tpu.memory_space<vmem>>, vector<1x16xf32>,
        %get3A_600 = vector.shape_cast %get3A_599 : vector<1x16xf32> to vector<16xf32>
        %add3A_601 = arith.addf %add3A_573, %get3A_600 : vector<16xf32>
        %add3A_602 = arith.constant 19 : i32
        %add3A_603 = arith.addi %mul3A_62, %add3A_602 : i32
        %get3A_604 = arith.index_cast %add3A_603 : i32 to index
        %get3A_605 = arith.constant 0 : index
        %get3A_606 = tpu.vector_load %arg7[%get3A_604, %get3A_605] {strides = array<i32>} : memref<800x64xf32, #tpu.memory_space<vmem>>, vector<1x16xf32>,
        %get3A_607 = vector.shape_cast %get3A_606 : vector<1x16xf32> to vector<16xf32>
        %add3A_608 = arith.addf %add3A_580, %get3A_607 : vector<16xf32>
        %add3A_609 = arith.constant 19 : i32
        %add3A_610 = arith.addi %mul3A_62, %add3A_609 : i32
        %get3A_611 = arith.index_cast %add3A_610 : i32 to index
        %get3A_612 = arith.constant 16 : index
        %get3A_613 = tpu.vector_load %arg7[%get3A_611, %get3A_612] {strides = array<i32>} : memref<800x64xf32, #tpu.memory_space<vmem>>, vector<1x16xf32>,
        %get3A_614 = vector.shape_cast %get3A_613 : vector<1x16xf32> to vector<16xf32>
        %add3A_615 = arith.addf %add3A_587, %get3A_614 : vector<16xf32>
        %add3A_616 = arith.constant 19 : i32
        %add3A_617 = arith.addi %mul3A_62, %add3A_616 : i32
        %get3A_618 = arith.index_cast %add3A_617 : i32 to index
        %get3A_619 = arith.constant 32 : index
        %get3A_620 = tpu.vector_load %arg7[%get3A_618, %get3A_619] {strides = array<i32>} : memref<800x64xf32, #tpu.memory_space<vmem>>, vector<1x16xf32>,
        %get3A_621 = vector.shape_cast %get3A_620 : vector<1x16xf32> to vector<16xf32>
        %add3A_622 = arith.addf %add3A_594, %get3A_621 : vector<16xf32>
        %add3A_623 = arith.constant 19 : i32
        %add3A_624 = arith.addi %mul3A_62, %add3A_623 : i32
        %get3A_625 = arith.index_cast %add3A_624 : i32 to index
        %get3A_626 = arith.constant 48 : index
        %get3A_627 = tpu.vector_load %arg7[%get3A_625, %get3A_626] {strides = array<i32>} : memref<800x64xf32, #tpu.memory_space<vmem>>, vector<1x16xf32>,
        %get3A_628 = vector.shape_cast %get3A_627 : vector<1x16xf32> to vector<16xf32>
        %add3A_629 = arith.addf %add3A_601, %get3A_628 : vector<16xf32>
        %add3A_630 = arith.constant 20 : i32
        %add3A_631 = arith.addi %mul3A_62, %add3A_630 : i32
        %get3A_632 = arith.index_cast %add3A_631 : i32 to index
        %get3A_633 = arith.constant 0 : index
        %get3A_634 = tpu.vector_load %arg7[%get3A_632, %get3A_633] {strides = array<i32>} : memref<800x64xf32, #tpu.memory_space<vmem>>, vector<1x16xf32>,
        %get3A_635 = vector.shape_cast %get3A_634 : vector<1x16xf32> to vector<16xf32>
        %add3A_636 = arith.addf %add3A_608, %get3A_635 : vector<16xf32>
        %add3A_637 = arith.constant 20 : i32
        %add3A_638 = arith.addi %mul3A_62, %add3A_637 : i32
        %get3A_639 = arith.index_cast %add3A_638 : i32 to index
        %get3A_640 = arith.constant 16 : index
        %get3A_641 = tpu.vector_load %arg7[%get3A_639, %get3A_640] {strides = array<i32>} : memref<800x64xf32, #tpu.memory_space<vmem>>, vector<1x16xf32>,
        %get3A_642 = vector.shape_cast %get3A_641 : vector<1x16xf32> to vector<16xf32>
        %add3A_643 = arith.addf %add3A_615, %get3A_642 : vector<16xf32>
        %add3A_644 = arith.constant 20 : i32
        %add3A_645 = arith.addi %mul3A_62, %add3A_644 : i32
        %get3A_646 = arith.index_cast %add3A_645 : i32 to index
        %get3A_647 = arith.constant 32 : index
        %get3A_648 = tpu.vector_load %arg7[%get3A_646, %get3A_647] {strides = array<i32>} : memref<800x64xf32, #tpu.memory_space<vmem>>, vector<1x16xf32>,
        %get3A_649 = vector.shape_cast %get3A_648 : vector<1x16xf32> to vector<16xf32>
        %add3A_650 = arith.addf %add3A_622, %get3A_649 : vector<16xf32>
        %add3A_651 = arith.constant 20 : i32
        %add3A_652 = arith.addi %mul3A_62, %add3A_651 : i32
        %get3A_653 = arith.index_cast %add3A_652 : i32 to index
        %get3A_654 = arith.constant 48 : index
        %get3A_655 = tpu.vector_load %arg7[%get3A_653, %get3A_654] {strides = array<i32>} : memref<800x64xf32, #tpu.memory_space<vmem>>, vector<1x16xf32>,
        %get3A_656 = vector.shape_cast %get3A_655 : vector<1x16xf32> to vector<16xf32>
        %add3A_657 = arith.addf %add3A_629, %get3A_656 : vector<16xf32>
        %add3A_658 = arith.constant 21 : i32
        %add3A_659 = arith.addi %mul3A_62, %add3A_658 : i32
        %get3A_660 = arith.index_cast %add3A_659 : i32 to index
        %get3A_661 = arith.constant 0 : index
        %get3A_662 = tpu.vector_load %arg7[%get3A_660, %get3A_661] {strides = array<i32>} : memref<800x64xf32, #tpu.memory_space<vmem>>, vector<1x16xf32>,
        %get3A_663 = vector.shape_cast %get3A_662 : vector<1x16xf32> to vector<16xf32>
        %add3A_664 = arith.addf %add3A_636, %get3A_663 : vector<16xf32>
        %add3A_665 = arith.constant 21 : i32
        %add3A_666 = arith.addi %mul3A_62, %add3A_665 : i32
        %get3A_667 = arith.index_cast %add3A_666 : i32 to index
        %get3A_668 = arith.constant 16 : index
        %get3A_669 = tpu.vector_load %arg7[%get3A_667, %get3A_668] {strides = array<i32>} : memref<800x64xf32, #tpu.memory_space<vmem>>, vector<1x16xf32>,
        %get3A_670 = vector.shape_cast %get3A_669 : vector<1x16xf32> to vector<16xf32>
        %add3A_671 = arith.addf %add3A_643, %get3A_670 : vector<16xf32>
        %add3A_672 = arith.constant 21 : i32
        %add3A_673 = arith.addi %mul3A_62, %add3A_672 : i32
        %get3A_674 = arith.index_cast %add3A_673 : i32 to index
        %get3A_675 = arith.constant 32 : index
        %get3A_676 = tpu.vector_load %arg7[%get3A_674, %get3A_675] {strides = array<i32>} : memref<800x64xf32, #tpu.memory_space<vmem>>, vector<1x16xf32>,
        %get3A_677 = vector.shape_cast %get3A_676 : vector<1x16xf32> to vector<16xf32>
        %add3A_678 = arith.addf %add3A_650, %get3A_677 : vector<16xf32>
        %add3A_679 = arith.constant 21 : i32
        %add3A_680 = arith.addi %mul3A_62, %add3A_679 : i32
        %get3A_681 = arith.index_cast %add3A_680 : i32 to index
        %get3A_682 = arith.constant 48 : index
        %get3A_683 = tpu.vector_load %arg7[%get3A_681, %get3A_682] {strides = array<i32>} : memref<800x64xf32, #tpu.memory_space<vmem>>, vector<1x16xf32>,
        %get3A_684 = vector.shape_cast %get3A_683 : vector<1x16xf32> to vector<16xf32>
        %add3A_685 = arith.addf %add3A_657, %get3A_684 : vector<16xf32>
        %add3A_686 = arith.constant 22 : i32
        %add3A_687 = arith.addi %mul3A_62, %add3A_686 : i32
        %get3A_688 = arith.index_cast %add3A_687 : i32 to index
        %get3A_689 = arith.constant 0 : index
        %get3A_690 = tpu.vector_load %arg7[%get3A_688, %get3A_689] {strides = array<i32>} : memref<800x64xf32, #tpu.memory_space<vmem>>, vector<1x16xf32>,
        %get3A_691 = vector.shape_cast %get3A_690 : vector<1x16xf32> to vector<16xf32>
        %add3A_692 = arith.addf %add3A_664, %get3A_691 : vector<16xf32>
        %add3A_693 = arith.constant 22 : i32
        %add3A_694 = arith.addi %mul3A_62, %add3A_693 : i32
        %get3A_695 = arith.index_cast %add3A_694 : i32 to index
        %get3A_696 = arith.constant 16 : index
        %get3A_697 = tpu.vector_load %arg7[%get3A_695, %get3A_696] {strides = array<i32>} : memref<800x64xf32, #tpu.memory_space<vmem>>, vector<1x16xf32>,
        %get3A_698 = vector.shape_cast %get3A_697 : vector<1x16xf32> to vector<16xf32>
        %add3A_699 = arith.addf %add3A_671, %get3A_698 : vector<16xf32>
        %add3A_700 = arith.constant 22 : i32
        %add3A_701 = arith.addi %mul3A_62, %add3A_700 : i32
        %get3A_702 = arith.index_cast %add3A_701 : i32 to index
        %get3A_703 = arith.constant 32 : index
        %get3A_704 = tpu.vector_load %arg7[%get3A_702, %get3A_703] {strides = array<i32>} : memref<800x64xf32, #tpu.memory_space<vmem>>, vector<1x16xf32>,
        %get3A_705 = vector.shape_cast %get3A_704 : vector<1x16xf32> to vector<16xf32>
        %add3A_706 = arith.addf %add3A_678, %get3A_705 : vector<16xf32>
        %add3A_707 = arith.constant 22 : i32
        %add3A_708 = arith.addi %mul3A_62, %add3A_707 : i32
        %get3A_709 = arith.index_cast %add3A_708 : i32 to index
        %get3A_710 = arith.constant 48 : index
        %get3A_711 = tpu.vector_load %arg7[%get3A_709, %get3A_710] {strides = array<i32>} : memref<800x64xf32, #tpu.memory_space<vmem>>, vector<1x16xf32>,
        %get3A_712 = vector.shape_cast %get3A_711 : vector<1x16xf32> to vector<16xf32>
        %add3A_713 = arith.addf %add3A_685, %get3A_712 : vector<16xf32>
        %add3A_714 = arith.constant 23 : i32
        %add3A_715 = arith.addi %mul3A_62, %add3A_714 : i32
        %get3A_716 = arith.index_cast %add3A_715 : i32 to index
        %get3A_717 = arith.constant 0 : index
        %get3A_718 = tpu.vector_load %arg7[%get3A_716, %get3A_717] {strides = array<i32>} : memref<800x64xf32, #tpu.memory_space<vmem>>, vector<1x16xf32>,
        %get3A_719 = vector.shape_cast %get3A_718 : vector<1x16xf32> to vector<16xf32>
        %add3A_720 = arith.addf %add3A_692, %get3A_719 : vector<16xf32>
        %add3A_721 = arith.constant 23 : i32
        %add3A_722 = arith.addi %mul3A_62, %add3A_721 : i32
        %get3A_723 = arith.index_cast %add3A_722 : i32 to index
        %get3A_724 = arith.constant 16 : index
        %get3A_725 = tpu.vector_load %arg7[%get3A_723, %get3A_724] {strides = array<i32>} : memref<800x64xf32, #tpu.memory_space<vmem>>, vector<1x16xf32>,
        %get3A_726 = vector.shape_cast %get3A_725 : vector<1x16xf32> to vector<16xf32>
        %add3A_727 = arith.addf %add3A_699, %get3A_726 : vector<16xf32>
        %add3A_728 = arith.constant 23 : i32
        %add3A_729 = arith.addi %mul3A_62, %add3A_728 : i32
        %get3A_730 = arith.index_cast %add3A_729 : i32 to index
        %get3A_731 = arith.constant 32 : index
        %get3A_732 = tpu.vector_load %arg7[%get3A_730, %get3A_731] {strides = array<i32>} : memref<800x64xf32, #tpu.memory_space<vmem>>, vector<1x16xf32>,
        %get3A_733 = vector.shape_cast %get3A_732 : vector<1x16xf32> to vector<16xf32>
        %add3A_734 = arith.addf %add3A_706, %get3A_733 : vector<16xf32>
        %add3A_735 = arith.constant 23 : i32
        %add3A_736 = arith.addi %mul3A_62, %add3A_735 : i32
        %get3A_737 = arith.index_cast %add3A_736 : i32 to index
        %get3A_738 = arith.constant 48 : index
        %get3A_739 = tpu.vector_load %arg7[%get3A_737, %get3A_738] {strides = array<i32>} : memref<800x64xf32, #tpu.memory_space<vmem>>, vector<1x16xf32>,
        %get3A_740 = vector.shape_cast %get3A_739 : vector<1x16xf32> to vector<16xf32>
        %add3A_741 = arith.addf %add3A_713, %get3A_740 : vector<16xf32>
        %add3A_742 = arith.constant 24 : i32
        %add3A_743 = arith.addi %mul3A_62, %add3A_742 : i32
        %get3A_744 = arith.index_cast %add3A_743 : i32 to index
        %get3A_745 = arith.constant 0 : index
        %get3A_746 = tpu.vector_load %arg7[%get3A_744, %get3A_745] {strides = array<i32>} : memref<800x64xf32, #tpu.memory_space<vmem>>, vector<1x16xf32>,
        %get3A_747 = vector.shape_cast %get3A_746 : vector<1x16xf32> to vector<16xf32>
        %add3A_748 = arith.addf %add3A_720, %get3A_747 : vector<16xf32>
        %add3A_749 = arith.constant 24 : i32
        %add3A_750 = arith.addi %mul3A_62, %add3A_749 : i32
        %get3A_751 = arith.index_cast %add3A_750 : i32 to index
        %get3A_752 = arith.constant 16 : index
        %get3A_753 = tpu.vector_load %arg7[%get3A_751, %get3A_752] {strides = array<i32>} : memref<800x64xf32, #tpu.memory_space<vmem>>, vector<1x16xf32>,
        %get3A_754 = vector.shape_cast %get3A_753 : vector<1x16xf32> to vector<16xf32>
        %add3A_755 = arith.addf %add3A_727, %get3A_754 : vector<16xf32>
        %add3A_756 = arith.constant 24 : i32
        %add3A_757 = arith.addi %mul3A_62, %add3A_756 : i32
        %get3A_758 = arith.index_cast %add3A_757 : i32 to index
        %get3A_759 = arith.constant 32 : index
        %get3A_760 = tpu.vector_load %arg7[%get3A_758, %get3A_759] {strides = array<i32>} : memref<800x64xf32, #tpu.memory_space<vmem>>, vector<1x16xf32>,
        %get3A_761 = vector.shape_cast %get3A_760 : vector<1x16xf32> to vector<16xf32>
        %add3A_762 = arith.addf %add3A_734, %get3A_761 : vector<16xf32>
        %add3A_763 = arith.constant 24 : i32
        %add3A_764 = arith.addi %mul3A_62, %add3A_763 : i32
        %get3A_765 = arith.index_cast %add3A_764 : i32 to index
        %get3A_766 = arith.constant 48 : index
        %get3A_767 = tpu.vector_load %arg7[%get3A_765, %get3A_766] {strides = array<i32>} : memref<800x64xf32, #tpu.memory_space<vmem>>, vector<1x16xf32>,
        %get3A_768 = vector.shape_cast %get3A_767 : vector<1x16xf32> to vector<16xf32>
        %add3A_769 = arith.addf %add3A_741, %get3A_768 : vector<16xf32>
        %add3A_770 = arith.constant 25 : i32
        %add3A_771 = arith.addi %mul3A_62, %add3A_770 : i32
        %get3A_772 = arith.index_cast %add3A_771 : i32 to index
        %get3A_773 = arith.constant 0 : index
        %get3A_774 = tpu.vector_load %arg7[%get3A_772, %get3A_773] {strides = array<i32>} : memref<800x64xf32, #tpu.memory_space<vmem>>, vector<1x16xf32>,
        %get3A_775 = vector.shape_cast %get3A_774 : vector<1x16xf32> to vector<16xf32>
        %add3A_776 = arith.addf %add3A_748, %get3A_775 : vector<16xf32>
        %add3A_777 = arith.constant 25 : i32
        %add3A_778 = arith.addi %mul3A_62, %add3A_777 : i32
        %get3A_779 = arith.index_cast %add3A_778 : i32 to index
        %get3A_780 = arith.constant 16 : index
        %get3A_781 = tpu.vector_load %arg7[%get3A_779, %get3A_780] {strides = array<i32>} : memref<800x64xf32, #tpu.memory_space<vmem>>, vector<1x16xf32>,
        %get3A_782 = vector.shape_cast %get3A_781 : vector<1x16xf32> to vector<16xf32>
        %add3A_783 = arith.addf %add3A_755, %get3A_782 : vector<16xf32>
        %add3A_784 = arith.constant 25 : i32
        %add3A_785 = arith.addi %mul3A_62, %add3A_784 : i32
        %get3A_786 = arith.index_cast %add3A_785 : i32 to index
        %get3A_787 = arith.constant 32 : index
        %get3A_788 = tpu.vector_load %arg7[%get3A_786, %get3A_787] {strides = array<i32>} : memref<800x64xf32, #tpu.memory_space<vmem>>, vector<1x16xf32>,
        %get3A_789 = vector.shape_cast %get3A_788 : vector<1x16xf32> to vector<16xf32>
        %add3A_790 = arith.addf %add3A_762, %get3A_789 : vector<16xf32>
        %add3A_791 = arith.constant 25 : i32
        %add3A_792 = arith.addi %mul3A_62, %add3A_791 : i32
        %get3A_793 = arith.index_cast %add3A_792 : i32 to index
        %get3A_794 = arith.constant 48 : index
        %get3A_795 = tpu.vector_load %arg7[%get3A_793, %get3A_794] {strides = array<i32>} : memref<800x64xf32, #tpu.memory_space<vmem>>, vector<1x16xf32>,
        %get3A_796 = vector.shape_cast %get3A_795 : vector<1x16xf32> to vector<16xf32>
        %add3A_797 = arith.addf %add3A_769, %get3A_796 : vector<16xf32>
        %add3A_798 = arith.constant 26 : i32
        %add3A_799 = arith.addi %mul3A_62, %add3A_798 : i32
        %get3A_800 = arith.index_cast %add3A_799 : i32 to index
        %get3A_801 = arith.constant 0 : index
        %get3A_802 = tpu.vector_load %arg7[%get3A_800, %get3A_801] {strides = array<i32>} : memref<800x64xf32, #tpu.memory_space<vmem>>, vector<1x16xf32>,
        %get3A_803 = vector.shape_cast %get3A_802 : vector<1x16xf32> to vector<16xf32>
        %add3A_804 = arith.addf %add3A_776, %get3A_803 : vector<16xf32>
        %add3A_805 = arith.constant 26 : i32
        %add3A_806 = arith.addi %mul3A_62, %add3A_805 : i32
        %get3A_807 = arith.index_cast %add3A_806 : i32 to index
        %get3A_808 = arith.constant 16 : index
        %get3A_809 = tpu.vector_load %arg7[%get3A_807, %get3A_808] {strides = array<i32>} : memref<800x64xf32, #tpu.memory_space<vmem>>, vector<1x16xf32>,
        %get3A_810 = vector.shape_cast %get3A_809 : vector<1x16xf32> to vector<16xf32>
        %add3A_811 = arith.addf %add3A_783, %get3A_810 : vector<16xf32>
        %add3A_812 = arith.constant 26 : i32
        %add3A_813 = arith.addi %mul3A_62, %add3A_812 : i32
        %get3A_814 = arith.index_cast %add3A_813 : i32 to index
        %get3A_815 = arith.constant 32 : index
        %get3A_816 = tpu.vector_load %arg7[%get3A_814, %get3A_815] {strides = array<i32>} : memref<800x64xf32, #tpu.memory_space<vmem>>, vector<1x16xf32>,
        %get3A_817 = vector.shape_cast %get3A_816 : vector<1x16xf32> to vector<16xf32>
        %add3A_818 = arith.addf %add3A_790, %get3A_817 : vector<16xf32>
        %add3A_819 = arith.constant 26 : i32
        %add3A_820 = arith.addi %mul3A_62, %add3A_819 : i32
        %get3A_821 = arith.index_cast %add3A_820 : i32 to index
        %get3A_822 = arith.constant 48 : index
        %get3A_823 = tpu.vector_load %arg7[%get3A_821, %get3A_822] {strides = array<i32>} : memref<800x64xf32, #tpu.memory_space<vmem>>, vector<1x16xf32>,
        %get3A_824 = vector.shape_cast %get3A_823 : vector<1x16xf32> to vector<16xf32>
        %add3A_825 = arith.addf %add3A_797, %get3A_824 : vector<16xf32>
        %add3A_826 = arith.constant 27 : i32
        %add3A_827 = arith.addi %mul3A_62, %add3A_826 : i32
        %get3A_828 = arith.index_cast %add3A_827 : i32 to index
        %get3A_829 = arith.constant 0 : index
        %get3A_830 = tpu.vector_load %arg7[%get3A_828, %get3A_829] {strides = array<i32>} : memref<800x64xf32, #tpu.memory_space<vmem>>, vector<1x16xf32>,
        %get3A_831 = vector.shape_cast %get3A_830 : vector<1x16xf32> to vector<16xf32>
        %add3A_832 = arith.addf %add3A_804, %get3A_831 : vector<16xf32>
        %add3A_833 = arith.constant 27 : i32
        %add3A_834 = arith.addi %mul3A_62, %add3A_833 : i32
        %get3A_835 = arith.index_cast %add3A_834 : i32 to index
        %get3A_836 = arith.constant 16 : index
        %get3A_837 = tpu.vector_load %arg7[%get3A_835, %get3A_836] {strides = array<i32>} : memref<800x64xf32, #tpu.memory_space<vmem>>, vector<1x16xf32>,
        %get3A_838 = vector.shape_cast %get3A_837 : vector<1x16xf32> to vector<16xf32>
        %add3A_839 = arith.addf %add3A_811, %get3A_838 : vector<16xf32>
        %add3A_840 = arith.constant 27 : i32
        %add3A_841 = arith.addi %mul3A_62, %add3A_840 : i32
        %get3A_842 = arith.index_cast %add3A_841 : i32 to index
        %get3A_843 = arith.constant 32 : index
        %get3A_844 = tpu.vector_load %arg7[%get3A_842, %get3A_843] {strides = array<i32>} : memref<800x64xf32, #tpu.memory_space<vmem>>, vector<1x16xf32>,
        %get3A_845 = vector.shape_cast %get3A_844 : vector<1x16xf32> to vector<16xf32>
        %add3A_846 = arith.addf %add3A_818, %get3A_845 : vector<16xf32>
        %add3A_847 = arith.constant 27 : i32
        %add3A_848 = arith.addi %mul3A_62, %add3A_847 : i32
        %get3A_849 = arith.index_cast %add3A_848 : i32 to index
        %get3A_850 = arith.constant 48 : index
        %get3A_851 = tpu.vector_load %arg7[%get3A_849, %get3A_850] {strides = array<i32>} : memref<800x64xf32, #tpu.memory_space<vmem>>, vector<1x16xf32>,
        %get3A_852 = vector.shape_cast %get3A_851 : vector<1x16xf32> to vector<16xf32>
        %add3A_853 = arith.addf %add3A_825, %get3A_852 : vector<16xf32>
        %add3A_854 = arith.constant 28 : i32
        %add3A_855 = arith.addi %mul3A_62, %add3A_854 : i32
        %get3A_856 = arith.index_cast %add3A_855 : i32 to index
        %get3A_857 = arith.constant 0 : index
        %get3A_858 = tpu.vector_load %arg7[%get3A_856, %get3A_857] {strides = array<i32>} : memref<800x64xf32, #tpu.memory_space<vmem>>, vector<1x16xf32>,
        %get3A_859 = vector.shape_cast %get3A_858 : vector<1x16xf32> to vector<16xf32>
        %add3A_860 = arith.addf %add3A_832, %get3A_859 : vector<16xf32>
        %add3A_861 = arith.constant 28 : i32
        %add3A_862 = arith.addi %mul3A_62, %add3A_861 : i32
        %get3A_863 = arith.index_cast %add3A_862 : i32 to index
        %get3A_864 = arith.constant 16 : index
        %get3A_865 = tpu.vector_load %arg7[%get3A_863, %get3A_864] {strides = array<i32>} : memref<800x64xf32, #tpu.memory_space<vmem>>, vector<1x16xf32>,
        %get3A_866 = vector.shape_cast %get3A_865 : vector<1x16xf32> to vector<16xf32>
        %add3A_867 = arith.addf %add3A_839, %get3A_866 : vector<16xf32>
        %add3A_868 = arith.constant 28 : i32
        %add3A_869 = arith.addi %mul3A_62, %add3A_868 : i32
        %get3A_870 = arith.index_cast %add3A_869 : i32 to index
        %get3A_871 = arith.constant 32 : index
        %get3A_872 = tpu.vector_load %arg7[%get3A_870, %get3A_871] {strides = array<i32>} : memref<800x64xf32, #tpu.memory_space<vmem>>, vector<1x16xf32>,
        %get3A_873 = vector.shape_cast %get3A_872 : vector<1x16xf32> to vector<16xf32>
        %add3A_874 = arith.addf %add3A_846, %get3A_873 : vector<16xf32>
        %add3A_875 = arith.constant 28 : i32
        %add3A_876 = arith.addi %mul3A_62, %add3A_875 : i32
        %get3A_877 = arith.index_cast %add3A_876 : i32 to index
        %get3A_878 = arith.constant 48 : index
        %get3A_879 = tpu.vector_load %arg7[%get3A_877, %get3A_878] {strides = array<i32>} : memref<800x64xf32, #tpu.memory_space<vmem>>, vector<1x16xf32>,
        %get3A_880 = vector.shape_cast %get3A_879 : vector<1x16xf32> to vector<16xf32>
        %add3A_881 = arith.addf %add3A_853, %get3A_880 : vector<16xf32>
        %add3A_882 = arith.constant 29 : i32
        %add3A_883 = arith.addi %mul3A_62, %add3A_882 : i32
        %get3A_884 = arith.index_cast %add3A_883 : i32 to index
        %get3A_885 = arith.constant 0 : index
        %get3A_886 = tpu.vector_load %arg7[%get3A_884, %get3A_885] {strides = array<i32>} : memref<800x64xf32, #tpu.memory_space<vmem>>, vector<1x16xf32>,
        %get3A_887 = vector.shape_cast %get3A_886 : vector<1x16xf32> to vector<16xf32>
        %add3A_888 = arith.addf %add3A_860, %get3A_887 : vector<16xf32>
        %add3A_889 = arith.constant 29 : i32
        %add3A_890 = arith.addi %mul3A_62, %add3A_889 : i32
        %get3A_891 = arith.index_cast %add3A_890 : i32 to index
        %get3A_892 = arith.constant 16 : index
        %get3A_893 = tpu.vector_load %arg7[%get3A_891, %get3A_892] {strides = array<i32>} : memref<800x64xf32, #tpu.memory_space<vmem>>, vector<1x16xf32>,
        %get3A_894 = vector.shape_cast %get3A_893 : vector<1x16xf32> to vector<16xf32>
        %add3A_895 = arith.addf %add3A_867, %get3A_894 : vector<16xf32>
        %add3A_896 = arith.constant 29 : i32
        %add3A_897 = arith.addi %mul3A_62, %add3A_896 : i32
        %get3A_898 = arith.index_cast %add3A_897 : i32 to index
        %get3A_899 = arith.constant 32 : index
        %get3A_900 = tpu.vector_load %arg7[%get3A_898, %get3A_899] {strides = array<i32>} : memref<800x64xf32, #tpu.memory_space<vmem>>, vector<1x16xf32>,
        %get3A_901 = vector.shape_cast %get3A_900 : vector<1x16xf32> to vector<16xf32>
        %add3A_902 = arith.addf %add3A_874, %get3A_901 : vector<16xf32>
        %add3A_903 = arith.constant 29 : i32
        %add3A_904 = arith.addi %mul3A_62, %add3A_903 : i32
        %get3A_905 = arith.index_cast %add3A_904 : i32 to index
        %get3A_906 = arith.constant 48 : index
        %get3A_907 = tpu.vector_load %arg7[%get3A_905, %get3A_906] {strides = array<i32>} : memref<800x64xf32, #tpu.memory_space<vmem>>, vector<1x16xf32>,
        %get3A_908 = vector.shape_cast %get3A_907 : vector<1x16xf32> to vector<16xf32>
        %add3A_909 = arith.addf %add3A_881, %get3A_908 : vector<16xf32>
        %add3A_910 = arith.constant 30 : i32
        %add3A_911 = arith.addi %mul3A_62, %add3A_910 : i32
        %get3A_912 = arith.index_cast %add3A_911 : i32 to index
        %get3A_913 = arith.constant 0 : index
        %get3A_914 = tpu.vector_load %arg7[%get3A_912, %get3A_913] {strides = array<i32>} : memref<800x64xf32, #tpu.memory_space<vmem>>, vector<1x16xf32>,
        %get3A_915 = vector.shape_cast %get3A_914 : vector<1x16xf32> to vector<16xf32>
        %add3A_916 = arith.addf %add3A_888, %get3A_915 : vector<16xf32>
        %add3A_917 = arith.constant 30 : i32
        %add3A_918 = arith.addi %mul3A_62, %add3A_917 : i32
        %get3A_919 = arith.index_cast %add3A_918 : i32 to index
        %get3A_920 = arith.constant 16 : index
        %get3A_921 = tpu.vector_load %arg7[%get3A_919, %get3A_920] {strides = array<i32>} : memref<800x64xf32, #tpu.memory_space<vmem>>, vector<1x16xf32>,
        %get3A_922 = vector.shape_cast %get3A_921 : vector<1x16xf32> to vector<16xf32>
        %add3A_923 = arith.addf %add3A_895, %get3A_922 : vector<16xf32>
        %add3A_924 = arith.constant 30 : i32
        %add3A_925 = arith.addi %mul3A_62, %add3A_924 : i32
        %get3A_926 = arith.index_cast %add3A_925 : i32 to index
        %get3A_927 = arith.constant 32 : index
        %get3A_928 = tpu.vector_load %arg7[%get3A_926, %get3A_927] {strides = array<i32>} : memref<800x64xf32, #tpu.memory_space<vmem>>, vector<1x16xf32>,
        %get3A_929 = vector.shape_cast %get3A_928 : vector<1x16xf32> to vector<16xf32>
        %add3A_930 = arith.addf %add3A_902, %get3A_929 : vector<16xf32>
        %add3A_931 = arith.constant 30 : i32
        %add3A_932 = arith.addi %mul3A_62, %add3A_931 : i32
        %get3A_933 = arith.index_cast %add3A_932 : i32 to index
        %get3A_934 = arith.constant 48 : index
        %get3A_935 = tpu.vector_load %arg7[%get3A_933, %get3A_934] {strides = array<i32>} : memref<800x64xf32, #tpu.memory_space<vmem>>, vector<1x16xf32>,
        %get3A_936 = vector.shape_cast %get3A_935 : vector<1x16xf32> to vector<16xf32>
        %add3A_937 = arith.addf %add3A_909, %get3A_936 : vector<16xf32>
        %add3A_938 = arith.constant 31 : i32
        %add3A_939 = arith.addi %mul3A_62, %add3A_938 : i32
        %get3A_940 = arith.index_cast %add3A_939 : i32 to index
        %get3A_941 = arith.constant 0 : index
        %get3A_942 = tpu.vector_load %arg7[%get3A_940, %get3A_941] {strides = array<i32>} : memref<800x64xf32, #tpu.memory_space<vmem>>, vector<1x16xf32>,
        %get3A_943 = vector.shape_cast %get3A_942 : vector<1x16xf32> to vector<16xf32>
        %add3A_944 = arith.addf %add3A_916, %get3A_943 : vector<16xf32>
        %add3A_945 = arith.constant 31 : i32
        %add3A_946 = arith.addi %mul3A_62, %add3A_945 : i32
        %get3A_947 = arith.index_cast %add3A_946 : i32 to index
        %get3A_948 = arith.constant 16 : index
        %get3A_949 = tpu.vector_load %arg7[%get3A_947, %get3A_948] {strides = array<i32>} : memref<800x64xf32, #tpu.memory_space<vmem>>, vector<1x16xf32>,
        %get3A_950 = vector.shape_cast %get3A_949 : vector<1x16xf32> to vector<16xf32>
        %add3A_951 = arith.addf %add3A_923, %get3A_950 : vector<16xf32>
        %add3A_952 = arith.constant 31 : i32
        %add3A_953 = arith.addi %mul3A_62, %add3A_952 : i32
        %get3A_954 = arith.index_cast %add3A_953 : i32 to index
        %get3A_955 = arith.constant 32 : index
        %get3A_956 = tpu.vector_load %arg7[%get3A_954, %get3A_955] {strides = array<i32>} : memref<800x64xf32, #tpu.memory_space<vmem>>, vector<1x16xf32>,
        %get3A_957 = vector.shape_cast %get3A_956 : vector<1x16xf32> to vector<16xf32>
        %add3A_958 = arith.addf %add3A_930, %get3A_957 : vector<16xf32>
        %add3A_959 = arith.constant 31 : i32
        %add3A_960 = arith.addi %mul3A_62, %add3A_959 : i32
        %get3A_961 = arith.index_cast %add3A_960 : i32 to index
        %get3A_962 = arith.constant 48 : index
        %get3A_963 = tpu.vector_load %arg7[%get3A_961, %get3A_962] {strides = array<i32>} : memref<800x64xf32, #tpu.memory_space<vmem>>, vector<1x16xf32>,
        %get3A_964 = vector.shape_cast %get3A_963 : vector<1x16xf32> to vector<16xf32>
        %add3A_965 = arith.addf %add3A_937, %get3A_964 : vector<16xf32>
        %add3A_966 = arith.constant 32 : i32
        %add3A_967 = arith.addi %mul3A_62, %add3A_966 : i32
        %get3A_968 = arith.index_cast %add3A_967 : i32 to index
        %get3A_969 = arith.constant 0 : index
        %get3A_970 = tpu.vector_load %arg7[%get3A_968, %get3A_969] {strides = array<i32>} : memref<800x64xf32, #tpu.memory_space<vmem>>, vector<1x16xf32>,
        %get3A_971 = vector.shape_cast %get3A_970 : vector<1x16xf32> to vector<16xf32>
        %add3A_972 = arith.addf %add3A_944, %get3A_971 : vector<16xf32>
        %add3A_973 = arith.constant 32 : i32
        %add3A_974 = arith.addi %mul3A_62, %add3A_973 : i32
        %get3A_975 = arith.index_cast %add3A_974 : i32 to index
        %get3A_976 = arith.constant 16 : index
        %get3A_977 = tpu.vector_load %arg7[%get3A_975, %get3A_976] {strides = array<i32>} : memref<800x64xf32, #tpu.memory_space<vmem>>, vector<1x16xf32>,
        %get3A_978 = vector.shape_cast %get3A_977 : vector<1x16xf32> to vector<16xf32>
        %add3A_979 = arith.addf %add3A_951, %get3A_978 : vector<16xf32>
        %add3A_980 = arith.constant 32 : i32
        %add3A_981 = arith.addi %mul3A_62, %add3A_980 : i32
        %get3A_982 = arith.index_cast %add3A_981 : i32 to index
        %get3A_983 = arith.constant 32 : index
        %get3A_984 = tpu.vector_load %arg7[%get3A_982, %get3A_983] {strides = array<i32>} : memref<800x64xf32, #tpu.memory_space<vmem>>, vector<1x16xf32>,
        %get3A_985 = vector.shape_cast %get3A_984 : vector<1x16xf32> to vector<16xf32>
        %add3A_986 = arith.addf %add3A_958, %get3A_985 : vector<16xf32>
        %add3A_987 = arith.constant 32 : i32
        %add3A_988 = arith.addi %mul3A_62, %add3A_987 : i32
        %get3A_989 = arith.index_cast %add3A_988 : i32 to index
        %get3A_990 = arith.constant 48 : index
        %get3A_991 = tpu.vector_load %arg7[%get3A_989, %get3A_990] {strides = array<i32>} : memref<800x64xf32, #tpu.memory_space<vmem>>, vector<1x16xf32>,
        %get3A_992 = vector.shape_cast %get3A_991 : vector<1x16xf32> to vector<16xf32>
        %add3A_993 = arith.addf %add3A_965, %get3A_992 : vector<16xf32>
        %add3A_994 = arith.constant 33 : i32
        %add3A_995 = arith.addi %mul3A_62, %add3A_994 : i32
        %get3A_996 = arith.index_cast %add3A_995 : i32 to index
        %get3A_997 = arith.constant 0 : index
        %get3A_998 = tpu.vector_load %arg7[%get3A_996, %get3A_997] {strides = array<i32>} : memref<800x64xf32, #tpu.memory_space<vmem>>, vector<1x16xf32>,
        %get3A_999 = vector.shape_cast %get3A_998 : vector<1x16xf32> to vector<16xf32>
        %add3A_1000 = arith.addf %add3A_972, %get3A_999 : vector<16xf32>
        %add3A_1001 = arith.constant 33 : i32
        %add3A_1002 = arith.addi %mul3A_62, %add3A_1001 : i32
        %get3A_1003 = arith.index_cast %add3A_1002 : i32 to index
        %get3A_1004 = arith.constant 16 : index
        %get3A_1005 = tpu.vector_load %arg7[%get3A_1003, %get3A_1004] {strides = array<i32>} : memref<800x64xf32, #tpu.memory_space<vmem>>, vector<1x16xf32>,
        %get3A_1006 = vector.shape_cast %get3A_1005 : vector<1x16xf32> to vector<16xf32>
        %add3A_1007 = arith.addf %add3A_979, %get3A_1006 : vector<16xf32>
        %add3A_1008 = arith.constant 33 : i32
        %add3A_1009 = arith.addi %mul3A_62, %add3A_1008 : i32
        %get3A_1010 = arith.index_cast %add3A_1009 : i32 to index
        %get3A_1011 = arith.constant 32 : index
        %get3A_1012 = tpu.vector_load %arg7[%get3A_1010, %get3A_1011] {strides = array<i32>} : memref<800x64xf32, #tpu.memory_space<vmem>>, vector<1x16xf32>,
        %get3A_1013 = vector.shape_cast %get3A_1012 : vector<1x16xf32> to vector<16xf32>
        %add3A_1014 = arith.addf %add3A_986, %get3A_1013 : vector<16xf32>
        %add3A_1015 = arith.constant 33 : i32
        %add3A_1016 = arith.addi %mul3A_62, %add3A_1015 : i32
        %get3A_1017 = arith.index_cast %add3A_1016 : i32 to index
        %get3A_1018 = arith.constant 48 : index
        %get3A_1019 = tpu.vector_load %arg7[%get3A_1017, %get3A_1018] {strides = array<i32>} : memref<800x64xf32, #tpu.memory_space<vmem>>, vector<1x16xf32>,
        %get3A_1020 = vector.shape_cast %get3A_1019 : vector<1x16xf32> to vector<16xf32>
        %add3A_1021 = arith.addf %add3A_993, %get3A_1020 : vector<16xf32>
        %add3A_1022 = arith.constant 34 : i32
        %add3A_1023 = arith.addi %mul3A_62, %add3A_1022 : i32
        %get3A_1024 = arith.index_cast %add3A_1023 : i32 to index
        %get3A_1025 = arith.constant 0 : index
        %get3A_1026 = tpu.vector_load %arg7[%get3A_1024, %get3A_1025] {strides = array<i32>} : memref<800x64xf32, #tpu.memory_space<vmem>>, vector<1x16xf32>,
        %get3A_1027 = vector.shape_cast %get3A_1026 : vector<1x16xf32> to vector<16xf32>
        %add3A_1028 = arith.addf %add3A_1000, %get3A_1027 : vector<16xf32>
        %add3A_1029 = arith.constant 34 : i32
        %add3A_1030 = arith.addi %mul3A_62, %add3A_1029 : i32
        %get3A_1031 = arith.index_cast %add3A_1030 : i32 to index
        %get3A_1032 = arith.constant 16 : index
        %get3A_1033 = tpu.vector_load %arg7[%get3A_1031, %get3A_1032] {strides = array<i32>} : memref<800x64xf32, #tpu.memory_space<vmem>>, vector<1x16xf32>,
        %get3A_1034 = vector.shape_cast %get3A_1033 : vector<1x16xf32> to vector<16xf32>
        %add3A_1035 = arith.addf %add3A_1007, %get3A_1034 : vector<16xf32>
        %add3A_1036 = arith.constant 34 : i32
        %add3A_1037 = arith.addi %mul3A_62, %add3A_1036 : i32
        %get3A_1038 = arith.index_cast %add3A_1037 : i32 to index
        %get3A_1039 = arith.constant 32 : index
        %get3A_1040 = tpu.vector_load %arg7[%get3A_1038, %get3A_1039] {strides = array<i32>} : memref<800x64xf32, #tpu.memory_space<vmem>>, vector<1x16xf32>,
        %get3A_1041 = vector.shape_cast %get3A_1040 : vector<1x16xf32> to vector<16xf32>
        %add3A_1042 = arith.addf %add3A_1014, %get3A_1041 : vector<16xf32>
        %add3A_1043 = arith.constant 34 : i32
        %add3A_1044 = arith.addi %mul3A_62, %add3A_1043 : i32
        %get3A_1045 = arith.index_cast %add3A_1044 : i32 to index
        %get3A_1046 = arith.constant 48 : index
        %get3A_1047 = tpu.vector_load %arg7[%get3A_1045, %get3A_1046] {strides = array<i32>} : memref<800x64xf32, #tpu.memory_space<vmem>>, vector<1x16xf32>,
        %get3A_1048 = vector.shape_cast %get3A_1047 : vector<1x16xf32> to vector<16xf32>
        %add3A_1049 = arith.addf %add3A_1021, %get3A_1048 : vector<16xf32>
        %add3A_1050 = arith.constant 35 : i32
        %add3A_1051 = arith.addi %mul3A_62, %add3A_1050 : i32
        %get3A_1052 = arith.index_cast %add3A_1051 : i32 to index
        %get3A_1053 = arith.constant 0 : index
        %get3A_1054 = tpu.vector_load %arg7[%get3A_1052, %get3A_1053] {strides = array<i32>} : memref<800x64xf32, #tpu.memory_space<vmem>>, vector<1x16xf32>,
        %get3A_1055 = vector.shape_cast %get3A_1054 : vector<1x16xf32> to vector<16xf32>
        %add3A_1056 = arith.addf %add3A_1028, %get3A_1055 : vector<16xf32>
        %add3A_1057 = arith.constant 35 : i32
        %add3A_1058 = arith.addi %mul3A_62, %add3A_1057 : i32
        %get3A_1059 = arith.index_cast %add3A_1058 : i32 to index
        %get3A_1060 = arith.constant 16 : index
        %get3A_1061 = tpu.vector_load %arg7[%get3A_1059, %get3A_1060] {strides = array<i32>} : memref<800x64xf32, #tpu.memory_space<vmem>>, vector<1x16xf32>,
        %get3A_1062 = vector.shape_cast %get3A_1061 : vector<1x16xf32> to vector<16xf32>
        %add3A_1063 = arith.addf %add3A_1035, %get3A_1062 : vector<16xf32>
        %add3A_1064 = arith.constant 35 : i32
        %add3A_1065 = arith.addi %mul3A_62, %add3A_1064 : i32
        %get3A_1066 = arith.index_cast %add3A_1065 : i32 to index
        %get3A_1067 = arith.constant 32 : index
        %get3A_1068 = tpu.vector_load %arg7[%get3A_1066, %get3A_1067] {strides = array<i32>} : memref<800x64xf32, #tpu.memory_space<vmem>>, vector<1x16xf32>,
        %get3A_1069 = vector.shape_cast %get3A_1068 : vector<1x16xf32> to vector<16xf32>
        %add3A_1070 = arith.addf %add3A_1042, %get3A_1069 : vector<16xf32>
        %add3A_1071 = arith.constant 35 : i32
        %add3A_1072 = arith.addi %mul3A_62, %add3A_1071 : i32
        %get3A_1073 = arith.index_cast %add3A_1072 : i32 to index
        %get3A_1074 = arith.constant 48 : index
        %get3A_1075 = tpu.vector_load %arg7[%get3A_1073, %get3A_1074] {strides = array<i32>} : memref<800x64xf32, #tpu.memory_space<vmem>>, vector<1x16xf32>,
        %get3A_1076 = vector.shape_cast %get3A_1075 : vector<1x16xf32> to vector<16xf32>
        %add3A_1077 = arith.addf %add3A_1049, %get3A_1076 : vector<16xf32>
        %add3A_1078 = arith.constant 36 : i32
        %add3A_1079 = arith.addi %mul3A_62, %add3A_1078 : i32
        %get3A_1080 = arith.index_cast %add3A_1079 : i32 to index
        %get3A_1081 = arith.constant 0 : index
        %get3A_1082 = tpu.vector_load %arg7[%get3A_1080, %get3A_1081] {strides = array<i32>} : memref<800x64xf32, #tpu.memory_space<vmem>>, vector<1x16xf32>,
        %get3A_1083 = vector.shape_cast %get3A_1082 : vector<1x16xf32> to vector<16xf32>
        %add3A_1084 = arith.addf %add3A_1056, %get3A_1083 : vector<16xf32>
        %add3A_1085 = arith.constant 36 : i32
        %add3A_1086 = arith.addi %mul3A_62, %add3A_1085 : i32
        %get3A_1087 = arith.index_cast %add3A_1086 : i32 to index
        %get3A_1088 = arith.constant 16 : index
        %get3A_1089 = tpu.vector_load %arg7[%get3A_1087, %get3A_1088] {strides = array<i32>} : memref<800x64xf32, #tpu.memory_space<vmem>>, vector<1x16xf32>,
        %get3A_1090 = vector.shape_cast %get3A_1089 : vector<1x16xf32> to vector<16xf32>
        %add3A_1091 = arith.addf %add3A_1063, %get3A_1090 : vector<16xf32>
        %add3A_1092 = arith.constant 36 : i32
        %add3A_1093 = arith.addi %mul3A_62, %add3A_1092 : i32
        %get3A_1094 = arith.index_cast %add3A_1093 : i32 to index
        %get3A_1095 = arith.constant 32 : index
        %get3A_1096 = tpu.vector_load %arg7[%get3A_1094, %get3A_1095] {strides = array<i32>} : memref<800x64xf32, #tpu.memory_space<vmem>>, vector<1x16xf32>,
        %get3A_1097 = vector.shape_cast %get3A_1096 : vector<1x16xf32> to vector<16xf32>
        %add3A_1098 = arith.addf %add3A_1070, %get3A_1097 : vector<16xf32>
        %add3A_1099 = arith.constant 36 : i32
        %add3A_1100 = arith.addi %mul3A_62, %add3A_1099 : i32
        %get3A_1101 = arith.index_cast %add3A_1100 : i32 to index
        %get3A_1102 = arith.constant 48 : index
        %get3A_1103 = tpu.vector_load %arg7[%get3A_1101, %get3A_1102] {strides = array<i32>} : memref<800x64xf32, #tpu.memory_space<vmem>>, vector<1x16xf32>,
        %get3A_1104 = vector.shape_cast %get3A_1103 : vector<1x16xf32> to vector<16xf32>
        %add3A_1105 = arith.addf %add3A_1077, %get3A_1104 : vector<16xf32>
        %add3A_1106 = arith.constant 37 : i32
        %add3A_1107 = arith.addi %mul3A_62, %add3A_1106 : i32
        %get3A_1108 = arith.index_cast %add3A_1107 : i32 to index
        %get3A_1109 = arith.constant 0 : index
        %get3A_1110 = tpu.vector_load %arg7[%get3A_1108, %get3A_1109] {strides = array<i32>} : memref<800x64xf32, #tpu.memory_space<vmem>>, vector<1x16xf32>,
        %get3A_1111 = vector.shape_cast %get3A_1110 : vector<1x16xf32> to vector<16xf32>
        %add3A_1112 = arith.addf %add3A_1084, %get3A_1111 : vector<16xf32>
        %add3A_1113 = arith.constant 37 : i32
        %add3A_1114 = arith.addi %mul3A_62, %add3A_1113 : i32
        %get3A_1115 = arith.index_cast %add3A_1114 : i32 to index
        %get3A_1116 = arith.constant 16 : index
        %get3A_1117 = tpu.vector_load %arg7[%get3A_1115, %get3A_1116] {strides = array<i32>} : memref<800x64xf32, #tpu.memory_space<vmem>>, vector<1x16xf32>,
        %get3A_1118 = vector.shape_cast %get3A_1117 : vector<1x16xf32> to vector<16xf32>
        %add3A_1119 = arith.addf %add3A_1091, %get3A_1118 : vector<16xf32>
        %add3A_1120 = arith.constant 37 : i32
        %add3A_1121 = arith.addi %mul3A_62, %add3A_1120 : i32
        %get3A_1122 = arith.index_cast %add3A_1121 : i32 to index
        %get3A_1123 = arith.constant 32 : index
        %get3A_1124 = tpu.vector_load %arg7[%get3A_1122, %get3A_1123] {strides = array<i32>} : memref<800x64xf32, #tpu.memory_space<vmem>>, vector<1x16xf32>,
        %get3A_1125 = vector.shape_cast %get3A_1124 : vector<1x16xf32> to vector<16xf32>
        %add3A_1126 = arith.addf %add3A_1098, %get3A_1125 : vector<16xf32>
        %add3A_1127 = arith.constant 37 : i32
        %add3A_1128 = arith.addi %mul3A_62, %add3A_1127 : i32
        %get3A_1129 = arith.index_cast %add3A_1128 : i32 to index
        %get3A_1130 = arith.constant 48 : index
        %get3A_1131 = tpu.vector_load %arg7[%get3A_1129, %get3A_1130] {strides = array<i32>} : memref<800x64xf32, #tpu.memory_space<vmem>>, vector<1x16xf32>,
        %get3A_1132 = vector.shape_cast %get3A_1131 : vector<1x16xf32> to vector<16xf32>
        %add3A_1133 = arith.addf %add3A_1105, %get3A_1132 : vector<16xf32>
        %add3A_1134 = arith.constant 38 : i32
        %add3A_1135 = arith.addi %mul3A_62, %add3A_1134 : i32
        %get3A_1136 = arith.index_cast %add3A_1135 : i32 to index
        %get3A_1137 = arith.constant 0 : index
        %get3A_1138 = tpu.vector_load %arg7[%get3A_1136, %get3A_1137] {strides = array<i32>} : memref<800x64xf32, #tpu.memory_space<vmem>>, vector<1x16xf32>,
        %get3A_1139 = vector.shape_cast %get3A_1138 : vector<1x16xf32> to vector<16xf32>
        %add3A_1140 = arith.addf %add3A_1112, %get3A_1139 : vector<16xf32>
        %add3A_1141 = arith.constant 38 : i32
        %add3A_1142 = arith.addi %mul3A_62, %add3A_1141 : i32
        %get3A_1143 = arith.index_cast %add3A_1142 : i32 to index
        %get3A_1144 = arith.constant 16 : index
        %get3A_1145 = tpu.vector_load %arg7[%get3A_1143, %get3A_1144] {strides = array<i32>} : memref<800x64xf32, #tpu.memory_space<vmem>>, vector<1x16xf32>,
        %get3A_1146 = vector.shape_cast %get3A_1145 : vector<1x16xf32> to vector<16xf32>
        %add3A_1147 = arith.addf %add3A_1119, %get3A_1146 : vector<16xf32>
        %add3A_1148 = arith.constant 38 : i32
        %add3A_1149 = arith.addi %mul3A_62, %add3A_1148 : i32
        %get3A_1150 = arith.index_cast %add3A_1149 : i32 to index
        %get3A_1151 = arith.constant 32 : index
        %get3A_1152 = tpu.vector_load %arg7[%get3A_1150, %get3A_1151] {strides = array<i32>} : memref<800x64xf32, #tpu.memory_space<vmem>>, vector<1x16xf32>,
        %get3A_1153 = vector.shape_cast %get3A_1152 : vector<1x16xf32> to vector<16xf32>
        %add3A_1154 = arith.addf %add3A_1126, %get3A_1153 : vector<16xf32>
        %add3A_1155 = arith.constant 38 : i32
        %add3A_1156 = arith.addi %mul3A_62, %add3A_1155 : i32
        %get3A_1157 = arith.index_cast %add3A_1156 : i32 to index
        %get3A_1158 = arith.constant 48 : index
        %get3A_1159 = tpu.vector_load %arg7[%get3A_1157, %get3A_1158] {strides = array<i32>} : memref<800x64xf32, #tpu.memory_space<vmem>>, vector<1x16xf32>,
        %get3A_1160 = vector.shape_cast %get3A_1159 : vector<1x16xf32> to vector<16xf32>
        %add3A_1161 = arith.addf %add3A_1133, %get3A_1160 : vector<16xf32>
        %add3A_1162 = arith.constant 39 : i32
        %add3A_1163 = arith.addi %mul3A_62, %add3A_1162 : i32
        %get3A_1164 = arith.index_cast %add3A_1163 : i32 to index
        %get3A_1165 = arith.constant 0 : index
        %get3A_1166 = tpu.vector_load %arg7[%get3A_1164, %get3A_1165] {strides = array<i32>} : memref<800x64xf32, #tpu.memory_space<vmem>>, vector<1x16xf32>,
        %get3A_1167 = vector.shape_cast %get3A_1166 : vector<1x16xf32> to vector<16xf32>
        %add3A_1168 = arith.addf %add3A_1140, %get3A_1167 : vector<16xf32>
        %add3A_1169 = arith.constant 39 : i32
        %add3A_1170 = arith.addi %mul3A_62, %add3A_1169 : i32
        %get3A_1171 = arith.index_cast %add3A_1170 : i32 to index
        %get3A_1172 = arith.constant 16 : index
        %get3A_1173 = tpu.vector_load %arg7[%get3A_1171, %get3A_1172] {strides = array<i32>} : memref<800x64xf32, #tpu.memory_space<vmem>>, vector<1x16xf32>,
        %get3A_1174 = vector.shape_cast %get3A_1173 : vector<1x16xf32> to vector<16xf32>
        %add3A_1175 = arith.addf %add3A_1147, %get3A_1174 : vector<16xf32>
        %add3A_1176 = arith.constant 39 : i32
        %add3A_1177 = arith.addi %mul3A_62, %add3A_1176 : i32
        %get3A_1178 = arith.index_cast %add3A_1177 : i32 to index
        %get3A_1179 = arith.constant 32 : index
        %get3A_1180 = tpu.vector_load %arg7[%get3A_1178, %get3A_1179] {strides = array<i32>} : memref<800x64xf32, #tpu.memory_space<vmem>>, vector<1x16xf32>,
        %get3A_1181 = vector.shape_cast %get3A_1180 : vector<1x16xf32> to vector<16xf32>
        %add3A_1182 = arith.addf %add3A_1154, %get3A_1181 : vector<16xf32>
        %add3A_1183 = arith.constant 39 : i32
        %add3A_1184 = arith.addi %mul3A_62, %add3A_1183 : i32
        %get3A_1185 = arith.index_cast %add3A_1184 : i32 to index
        %get3A_1186 = arith.constant 48 : index
        %get3A_1187 = tpu.vector_load %arg7[%get3A_1185, %get3A_1186] {strides = array<i32>} : memref<800x64xf32, #tpu.memory_space<vmem>>, vector<1x16xf32>,
        %get3A_1188 = vector.shape_cast %get3A_1187 : vector<1x16xf32> to vector<16xf32>
        %add3A_1189 = arith.addf %add3A_1161, %get3A_1188 : vector<16xf32>
        %add3A_1190 = arith.constant 40 : i32
        %add3A_1191 = arith.addi %mul3A_62, %add3A_1190 : i32
        %get3A_1192 = arith.index_cast %add3A_1191 : i32 to index
        %get3A_1193 = arith.constant 0 : index
        %get3A_1194 = tpu.vector_load %arg7[%get3A_1192, %get3A_1193] {strides = array<i32>} : memref<800x64xf32, #tpu.memory_space<vmem>>, vector<1x16xf32>,
        %get3A_1195 = vector.shape_cast %get3A_1194 : vector<1x16xf32> to vector<16xf32>
        %add3A_1196 = arith.addf %add3A_1168, %get3A_1195 : vector<16xf32>
        %add3A_1197 = arith.constant 40 : i32
        %add3A_1198 = arith.addi %mul3A_62, %add3A_1197 : i32
        %get3A_1199 = arith.index_cast %add3A_1198 : i32 to index
        %get3A_1200 = arith.constant 16 : index
        %get3A_1201 = tpu.vector_load %arg7[%get3A_1199, %get3A_1200] {strides = array<i32>} : memref<800x64xf32, #tpu.memory_space<vmem>>, vector<1x16xf32>,
        %get3A_1202 = vector.shape_cast %get3A_1201 : vector<1x16xf32> to vector<16xf32>
        %add3A_1203 = arith.addf %add3A_1175, %get3A_1202 : vector<16xf32>
        %add3A_1204 = arith.constant 40 : i32
        %add3A_1205 = arith.addi %mul3A_62, %add3A_1204 : i32
        %get3A_1206 = arith.index_cast %add3A_1205 : i32 to index
        %get3A_1207 = arith.constant 32 : index
        %get3A_1208 = tpu.vector_load %arg7[%get3A_1206, %get3A_1207] {strides = array<i32>} : memref<800x64xf32, #tpu.memory_space<vmem>>, vector<1x16xf32>,
        %get3A_1209 = vector.shape_cast %get3A_1208 : vector<1x16xf32> to vector<16xf32>
        %add3A_1210 = arith.addf %add3A_1182, %get3A_1209 : vector<16xf32>
        %add3A_1211 = arith.constant 40 : i32
        %add3A_1212 = arith.addi %mul3A_62, %add3A_1211 : i32
        %get3A_1213 = arith.index_cast %add3A_1212 : i32 to index
        %get3A_1214 = arith.constant 48 : index
        %get3A_1215 = tpu.vector_load %arg7[%get3A_1213, %get3A_1214] {strides = array<i32>} : memref<800x64xf32, #tpu.memory_space<vmem>>, vector<1x16xf32>,
        %get3A_1216 = vector.shape_cast %get3A_1215 : vector<1x16xf32> to vector<16xf32>
        %add3A_1217 = arith.addf %add3A_1189, %get3A_1216 : vector<16xf32>
        %add3A_1218 = arith.constant 41 : i32
        %add3A_1219 = arith.addi %mul3A_62, %add3A_1218 : i32
        %get3A_1220 = arith.index_cast %add3A_1219 : i32 to index
        %get3A_1221 = arith.constant 0 : index
        %get3A_1222 = tpu.vector_load %arg7[%get3A_1220, %get3A_1221] {strides = array<i32>} : memref<800x64xf32, #tpu.memory_space<vmem>>, vector<1x16xf32>,
        %get3A_1223 = vector.shape_cast %get3A_1222 : vector<1x16xf32> to vector<16xf32>
        %add3A_1224 = arith.addf %add3A_1196, %get3A_1223 : vector<16xf32>
        %add3A_1225 = arith.constant 41 : i32
        %add3A_1226 = arith.addi %mul3A_62, %add3A_1225 : i32
        %get3A_1227 = arith.index_cast %add3A_1226 : i32 to index
        %get3A_1228 = arith.constant 16 : index
        %get3A_1229 = tpu.vector_load %arg7[%get3A_1227, %get3A_1228] {strides = array<i32>} : memref<800x64xf32, #tpu.memory_space<vmem>>, vector<1x16xf32>,
        %get3A_1230 = vector.shape_cast %get3A_1229 : vector<1x16xf32> to vector<16xf32>
        %add3A_1231 = arith.addf %add3A_1203, %get3A_1230 : vector<16xf32>
        %add3A_1232 = arith.constant 41 : i32
        %add3A_1233 = arith.addi %mul3A_62, %add3A_1232 : i32
        %get3A_1234 = arith.index_cast %add3A_1233 : i32 to index
        %get3A_1235 = arith.constant 32 : index
        %get3A_1236 = tpu.vector_load %arg7[%get3A_1234, %get3A_1235] {strides = array<i32>} : memref<800x64xf32, #tpu.memory_space<vmem>>, vector<1x16xf32>,
        %get3A_1237 = vector.shape_cast %get3A_1236 : vector<1x16xf32> to vector<16xf32>
        %add3A_1238 = arith.addf %add3A_1210, %get3A_1237 : vector<16xf32>
        %add3A_1239 = arith.constant 41 : i32
        %add3A_1240 = arith.addi %mul3A_62, %add3A_1239 : i32
        %get3A_1241 = arith.index_cast %add3A_1240 : i32 to index
        %get3A_1242 = arith.constant 48 : index
        %get3A_1243 = tpu.vector_load %arg7[%get3A_1241, %get3A_1242] {strides = array<i32>} : memref<800x64xf32, #tpu.memory_space<vmem>>, vector<1x16xf32>,
        %get3A_1244 = vector.shape_cast %get3A_1243 : vector<1x16xf32> to vector<16xf32>
        %add3A_1245 = arith.addf %add3A_1217, %get3A_1244 : vector<16xf32>
        %add3A_1246 = arith.constant 42 : i32
        %add3A_1247 = arith.addi %mul3A_62, %add3A_1246 : i32
        %get3A_1248 = arith.index_cast %add3A_1247 : i32 to index
        %get3A_1249 = arith.constant 0 : index
        %get3A_1250 = tpu.vector_load %arg7[%get3A_1248, %get3A_1249] {strides = array<i32>} : memref<800x64xf32, #tpu.memory_space<vmem>>, vector<1x16xf32>,
        %get3A_1251 = vector.shape_cast %get3A_1250 : vector<1x16xf32> to vector<16xf32>
        %add3A_1252 = arith.addf %add3A_1224, %get3A_1251 : vector<16xf32>
        %add3A_1253 = arith.constant 42 : i32
        %add3A_1254 = arith.addi %mul3A_62, %add3A_1253 : i32
        %get3A_1255 = arith.index_cast %add3A_1254 : i32 to index
        %get3A_1256 = arith.constant 16 : index
        %get3A_1257 = tpu.vector_load %arg7[%get3A_1255, %get3A_1256] {strides = array<i32>} : memref<800x64xf32, #tpu.memory_space<vmem>>, vector<1x16xf32>,
        %get3A_1258 = vector.shape_cast %get3A_1257 : vector<1x16xf32> to vector<16xf32>
        %add3A_1259 = arith.addf %add3A_1231, %get3A_1258 : vector<16xf32>
        %add3A_1260 = arith.constant 42 : i32
        %add3A_1261 = arith.addi %mul3A_62, %add3A_1260 : i32
        %get3A_1262 = arith.index_cast %add3A_1261 : i32 to index
        %get3A_1263 = arith.constant 32 : index
        %get3A_1264 = tpu.vector_load %arg7[%get3A_1262, %get3A_1263] {strides = array<i32>} : memref<800x64xf32, #tpu.memory_space<vmem>>, vector<1x16xf32>,
        %get3A_1265 = vector.shape_cast %get3A_1264 : vector<1x16xf32> to vector<16xf32>
        %add3A_1266 = arith.addf %add3A_1238, %get3A_1265 : vector<16xf32>
        %add3A_1267 = arith.constant 42 : i32
        %add3A_1268 = arith.addi %mul3A_62, %add3A_1267 : i32
        %get3A_1269 = arith.index_cast %add3A_1268 : i32 to index
        %get3A_1270 = arith.constant 48 : index
        %get3A_1271 = tpu.vector_load %arg7[%get3A_1269, %get3A_1270] {strides = array<i32>} : memref<800x64xf32, #tpu.memory_space<vmem>>, vector<1x16xf32>,
        %get3A_1272 = vector.shape_cast %get3A_1271 : vector<1x16xf32> to vector<16xf32>
        %add3A_1273 = arith.addf %add3A_1245, %get3A_1272 : vector<16xf32>
        %add3A_1274 = arith.constant 43 : i32
        %add3A_1275 = arith.addi %mul3A_62, %add3A_1274 : i32
        %get3A_1276 = arith.index_cast %add3A_1275 : i32 to index
        %get3A_1277 = arith.constant 0 : index
        %get3A_1278 = tpu.vector_load %arg7[%get3A_1276, %get3A_1277] {strides = array<i32>} : memref<800x64xf32, #tpu.memory_space<vmem>>, vector<1x16xf32>,
        %get3A_1279 = vector.shape_cast %get3A_1278 : vector<1x16xf32> to vector<16xf32>
        %add3A_1280 = arith.addf %add3A_1252, %get3A_1279 : vector<16xf32>
        %add3A_1281 = arith.constant 43 : i32
        %add3A_1282 = arith.addi %mul3A_62, %add3A_1281 : i32
        %get3A_1283 = arith.index_cast %add3A_1282 : i32 to index
        %get3A_1284 = arith.constant 16 : index
        %get3A_1285 = tpu.vector_load %arg7[%get3A_1283, %get3A_1284] {strides = array<i32>} : memref<800x64xf32, #tpu.memory_space<vmem>>, vector<1x16xf32>,
        %get3A_1286 = vector.shape_cast %get3A_1285 : vector<1x16xf32> to vector<16xf32>
        %add3A_1287 = arith.addf %add3A_1259, %get3A_1286 : vector<16xf32>
        %add3A_1288 = arith.constant 43 : i32
        %add3A_1289 = arith.addi %mul3A_62, %add3A_1288 : i32
        %get3A_1290 = arith.index_cast %add3A_1289 : i32 to index
        %get3A_1291 = arith.constant 32 : index
        %get3A_1292 = tpu.vector_load %arg7[%get3A_1290, %get3A_1291] {strides = array<i32>} : memref<800x64xf32, #tpu.memory_space<vmem>>, vector<1x16xf32>,
        %get3A_1293 = vector.shape_cast %get3A_1292 : vector<1x16xf32> to vector<16xf32>
        %add3A_1294 = arith.addf %add3A_1266, %get3A_1293 : vector<16xf32>
        %add3A_1295 = arith.constant 43 : i32
        %add3A_1296 = arith.addi %mul3A_62, %add3A_1295 : i32
        %get3A_1297 = arith.index_cast %add3A_1296 : i32 to index
        %get3A_1298 = arith.constant 48 : index
        %get3A_1299 = tpu.vector_load %arg7[%get3A_1297, %get3A_1298] {strides = array<i32>} : memref<800x64xf32, #tpu.memory_space<vmem>>, vector<1x16xf32>,
        %get3A_1300 = vector.shape_cast %get3A_1299 : vector<1x16xf32> to vector<16xf32>
        %add3A_1301 = arith.addf %add3A_1273, %get3A_1300 : vector<16xf32>
        %add3A_1302 = arith.constant 44 : i32
        %add3A_1303 = arith.addi %mul3A_62, %add3A_1302 : i32
        %get3A_1304 = arith.index_cast %add3A_1303 : i32 to index
        %get3A_1305 = arith.constant 0 : index
        %get3A_1306 = tpu.vector_load %arg7[%get3A_1304, %get3A_1305] {strides = array<i32>} : memref<800x64xf32, #tpu.memory_space<vmem>>, vector<1x16xf32>,
        %get3A_1307 = vector.shape_cast %get3A_1306 : vector<1x16xf32> to vector<16xf32>
        %add3A_1308 = arith.addf %add3A_1280, %get3A_1307 : vector<16xf32>
        %add3A_1309 = arith.constant 44 : i32
        %add3A_1310 = arith.addi %mul3A_62, %add3A_1309 : i32
        %get3A_1311 = arith.index_cast %add3A_1310 : i32 to index
        %get3A_1312 = arith.constant 16 : index
        %get3A_1313 = tpu.vector_load %arg7[%get3A_1311, %get3A_1312] {strides = array<i32>} : memref<800x64xf32, #tpu.memory_space<vmem>>, vector<1x16xf32>,
        %get3A_1314 = vector.shape_cast %get3A_1313 : vector<1x16xf32> to vector<16xf32>
        %add3A_1315 = arith.addf %add3A_1287, %get3A_1314 : vector<16xf32>
        %add3A_1316 = arith.constant 44 : i32
        %add3A_1317 = arith.addi %mul3A_62, %add3A_1316 : i32
        %get3A_1318 = arith.index_cast %add3A_1317 : i32 to index
        %get3A_1319 = arith.constant 32 : index
        %get3A_1320 = tpu.vector_load %arg7[%get3A_1318, %get3A_1319] {strides = array<i32>} : memref<800x64xf32, #tpu.memory_space<vmem>>, vector<1x16xf32>,
        %get3A_1321 = vector.shape_cast %get3A_1320 : vector<1x16xf32> to vector<16xf32>
        %add3A_1322 = arith.addf %add3A_1294, %get3A_1321 : vector<16xf32>
        %add3A_1323 = arith.constant 44 : i32
        %add3A_1324 = arith.addi %mul3A_62, %add3A_1323 : i32
        %get3A_1325 = arith.index_cast %add3A_1324 : i32 to index
        %get3A_1326 = arith.constant 48 : index
        %get3A_1327 = tpu.vector_load %arg7[%get3A_1325, %get3A_1326] {strides = array<i32>} : memref<800x64xf32, #tpu.memory_space<vmem>>, vector<1x16xf32>,
        %get3A_1328 = vector.shape_cast %get3A_1327 : vector<1x16xf32> to vector<16xf32>
        %add3A_1329 = arith.addf %add3A_1301, %get3A_1328 : vector<16xf32>
        %add3A_1330 = arith.constant 45 : i32
        %add3A_1331 = arith.addi %mul3A_62, %add3A_1330 : i32
        %get3A_1332 = arith.index_cast %add3A_1331 : i32 to index
        %get3A_1333 = arith.constant 0 : index
        %get3A_1334 = tpu.vector_load %arg7[%get3A_1332, %get3A_1333] {strides = array<i32>} : memref<800x64xf32, #tpu.memory_space<vmem>>, vector<1x16xf32>,
        %get3A_1335 = vector.shape_cast %get3A_1334 : vector<1x16xf32> to vector<16xf32>
        %add3A_1336 = arith.addf %add3A_1308, %get3A_1335 : vector<16xf32>
        %add3A_1337 = arith.constant 45 : i32
        %add3A_1338 = arith.addi %mul3A_62, %add3A_1337 : i32
        %get3A_1339 = arith.index_cast %add3A_1338 : i32 to index
        %get3A_1340 = arith.constant 16 : index
        %get3A_1341 = tpu.vector_load %arg7[%get3A_1339, %get3A_1340] {strides = array<i32>} : memref<800x64xf32, #tpu.memory_space<vmem>>, vector<1x16xf32>,
        %get3A_1342 = vector.shape_cast %get3A_1341 : vector<1x16xf32> to vector<16xf32>
        %add3A_1343 = arith.addf %add3A_1315, %get3A_1342 : vector<16xf32>
        %add3A_1344 = arith.constant 45 : i32
        %add3A_1345 = arith.addi %mul3A_62, %add3A_1344 : i32
        %get3A_1346 = arith.index_cast %add3A_1345 : i32 to index
        %get3A_1347 = arith.constant 32 : index
        %get3A_1348 = tpu.vector_load %arg7[%get3A_1346, %get3A_1347] {strides = array<i32>} : memref<800x64xf32, #tpu.memory_space<vmem>>, vector<1x16xf32>,
        %get3A_1349 = vector.shape_cast %get3A_1348 : vector<1x16xf32> to vector<16xf32>
        %add3A_1350 = arith.addf %add3A_1322, %get3A_1349 : vector<16xf32>
        %add3A_1351 = arith.constant 45 : i32
        %add3A_1352 = arith.addi %mul3A_62, %add3A_1351 : i32
        %get3A_1353 = arith.index_cast %add3A_1352 : i32 to index
        %get3A_1354 = arith.constant 48 : index
        %get3A_1355 = tpu.vector_load %arg7[%get3A_1353, %get3A_1354] {strides = array<i32>} : memref<800x64xf32, #tpu.memory_space<vmem>>, vector<1x16xf32>,
        %get3A_1356 = vector.shape_cast %get3A_1355 : vector<1x16xf32> to vector<16xf32>
        %add3A_1357 = arith.addf %add3A_1329, %get3A_1356 : vector<16xf32>
        %add3A_1358 = arith.constant 46 : i32
        %add3A_1359 = arith.addi %mul3A_62, %add3A_1358 : i32
        %get3A_1360 = arith.index_cast %add3A_1359 : i32 to index
        %get3A_1361 = arith.constant 0 : index
        %get3A_1362 = tpu.vector_load %arg7[%get3A_1360, %get3A_1361] {strides = array<i32>} : memref<800x64xf32, #tpu.memory_space<vmem>>, vector<1x16xf32>,
        %get3A_1363 = vector.shape_cast %get3A_1362 : vector<1x16xf32> to vector<16xf32>
        %add3A_1364 = arith.addf %add3A_1336, %get3A_1363 : vector<16xf32>
        %add3A_1365 = arith.constant 46 : i32
        %add3A_1366 = arith.addi %mul3A_62, %add3A_1365 : i32
        %get3A_1367 = arith.index_cast %add3A_1366 : i32 to index
        %get3A_1368 = arith.constant 16 : index
        %get3A_1369 = tpu.vector_load %arg7[%get3A_1367, %get3A_1368] {strides = array<i32>} : memref<800x64xf32, #tpu.memory_space<vmem>>, vector<1x16xf32>,
        %get3A_1370 = vector.shape_cast %get3A_1369 : vector<1x16xf32> to vector<16xf32>
        %add3A_1371 = arith.addf %add3A_1343, %get3A_1370 : vector<16xf32>
        %add3A_1372 = arith.constant 46 : i32
        %add3A_1373 = arith.addi %mul3A_62, %add3A_1372 : i32
        %get3A_1374 = arith.index_cast %add3A_1373 : i32 to index
        %get3A_1375 = arith.constant 32 : index
        %get3A_1376 = tpu.vector_load %arg7[%get3A_1374, %get3A_1375] {strides = array<i32>} : memref<800x64xf32, #tpu.memory_space<vmem>>, vector<1x16xf32>,
        %get3A_1377 = vector.shape_cast %get3A_1376 : vector<1x16xf32> to vector<16xf32>
        %add3A_1378 = arith.addf %add3A_1350, %get3A_1377 : vector<16xf32>
        %add3A_1379 = arith.constant 46 : i32
        %add3A_1380 = arith.addi %mul3A_62, %add3A_1379 : i32
        %get3A_1381 = arith.index_cast %add3A_1380 : i32 to index
        %get3A_1382 = arith.constant 48 : index
        %get3A_1383 = tpu.vector_load %arg7[%get3A_1381, %get3A_1382] {strides = array<i32>} : memref<800x64xf32, #tpu.memory_space<vmem>>, vector<1x16xf32>,
        %get3A_1384 = vector.shape_cast %get3A_1383 : vector<1x16xf32> to vector<16xf32>
        %add3A_1385 = arith.addf %add3A_1357, %get3A_1384 : vector<16xf32>
        %add3A_1386 = arith.constant 47 : i32
        %add3A_1387 = arith.addi %mul3A_62, %add3A_1386 : i32
        %get3A_1388 = arith.index_cast %add3A_1387 : i32 to index
        %get3A_1389 = arith.constant 0 : index
        %get3A_1390 = tpu.vector_load %arg7[%get3A_1388, %get3A_1389] {strides = array<i32>} : memref<800x64xf32, #tpu.memory_space<vmem>>, vector<1x16xf32>,
        %get3A_1391 = vector.shape_cast %get3A_1390 : vector<1x16xf32> to vector<16xf32>
        %add3A_1392 = arith.addf %add3A_1364, %get3A_1391 : vector<16xf32>
        %add3A_1393 = arith.constant 47 : i32
        %add3A_1394 = arith.addi %mul3A_62, %add3A_1393 : i32
        %get3A_1395 = arith.index_cast %add3A_1394 : i32 to index
        %get3A_1396 = arith.constant 16 : index
        %get3A_1397 = tpu.vector_load %arg7[%get3A_1395, %get3A_1396] {strides = array<i32>} : memref<800x64xf32, #tpu.memory_space<vmem>>, vector<1x16xf32>,
        %get3A_1398 = vector.shape_cast %get3A_1397 : vector<1x16xf32> to vector<16xf32>
        %add3A_1399 = arith.addf %add3A_1371, %get3A_1398 : vector<16xf32>
        %add3A_1400 = arith.constant 47 : i32
        %add3A_1401 = arith.addi %mul3A_62, %add3A_1400 : i32
        %get3A_1402 = arith.index_cast %add3A_1401 : i32 to index
        %get3A_1403 = arith.constant 32 : index
        %get3A_1404 = tpu.vector_load %arg7[%get3A_1402, %get3A_1403] {strides = array<i32>} : memref<800x64xf32, #tpu.memory_space<vmem>>, vector<1x16xf32>,
        %get3A_1405 = vector.shape_cast %get3A_1404 : vector<1x16xf32> to vector<16xf32>
        %add3A_1406 = arith.addf %add3A_1378, %get3A_1405 : vector<16xf32>
        %add3A_1407 = arith.constant 47 : i32
        %add3A_1408 = arith.addi %mul3A_62, %add3A_1407 : i32
        %get3A_1409 = arith.index_cast %add3A_1408 : i32 to index
        %get3A_1410 = arith.constant 48 : index
        %get3A_1411 = tpu.vector_load %arg7[%get3A_1409, %get3A_1410] {strides = array<i32>} : memref<800x64xf32, #tpu.memory_space<vmem>>, vector<1x16xf32>,
        %get3A_1412 = vector.shape_cast %get3A_1411 : vector<1x16xf32> to vector<16xf32>
        %add3A_1413 = arith.addf %add3A_1385, %get3A_1412 : vector<16xf32>
        %add3A_1414 = arith.constant 48 : i32
        %add3A_1415 = arith.addi %mul3A_62, %add3A_1414 : i32
        %get3A_1416 = arith.index_cast %add3A_1415 : i32 to index
        %get3A_1417 = arith.constant 0 : index
        %get3A_1418 = tpu.vector_load %arg7[%get3A_1416, %get3A_1417] {strides = array<i32>} : memref<800x64xf32, #tpu.memory_space<vmem>>, vector<1x16xf32>,
        %get3A_1419 = vector.shape_cast %get3A_1418 : vector<1x16xf32> to vector<16xf32>
        %add3A_1420 = arith.addf %add3A_1392, %get3A_1419 : vector<16xf32>
        %add3A_1421 = arith.constant 48 : i32
        %add3A_1422 = arith.addi %mul3A_62, %add3A_1421 : i32
        %get3A_1423 = arith.index_cast %add3A_1422 : i32 to index
        %get3A_1424 = arith.constant 16 : index
        %get3A_1425 = tpu.vector_load %arg7[%get3A_1423, %get3A_1424] {strides = array<i32>} : memref<800x64xf32, #tpu.memory_space<vmem>>, vector<1x16xf32>,
        %get3A_1426 = vector.shape_cast %get3A_1425 : vector<1x16xf32> to vector<16xf32>
        %add3A_1427 = arith.addf %add3A_1399, %get3A_1426 : vector<16xf32>
        %add3A_1428 = arith.constant 48 : i32
        %add3A_1429 = arith.addi %mul3A_62, %add3A_1428 : i32
        %get3A_1430 = arith.index_cast %add3A_1429 : i32 to index
        %get3A_1431 = arith.constant 32 : index
        %get3A_1432 = tpu.vector_load %arg7[%get3A_1430, %get3A_1431] {strides = array<i32>} : memref<800x64xf32, #tpu.memory_space<vmem>>, vector<1x16xf32>,
        %get3A_1433 = vector.shape_cast %get3A_1432 : vector<1x16xf32> to vector<16xf32>
        %add3A_1434 = arith.addf %add3A_1406, %get3A_1433 : vector<16xf32>
        %add3A_1435 = arith.constant 48 : i32
        %add3A_1436 = arith.addi %mul3A_62, %add3A_1435 : i32
        %get3A_1437 = arith.index_cast %add3A_1436 : i32 to index
        %get3A_1438 = arith.constant 48 : index
        %get3A_1439 = tpu.vector_load %arg7[%get3A_1437, %get3A_1438] {strides = array<i32>} : memref<800x64xf32, #tpu.memory_space<vmem>>, vector<1x16xf32>,
        %get3A_1440 = vector.shape_cast %get3A_1439 : vector<1x16xf32> to vector<16xf32>
        %add3A_1441 = arith.addf %add3A_1413, %get3A_1440 : vector<16xf32>
        %add3A_1442 = arith.constant 49 : i32
        %add3A_1443 = arith.addi %mul3A_62, %add3A_1442 : i32
        %get3A_1444 = arith.index_cast %add3A_1443 : i32 to index
        %get3A_1445 = arith.constant 0 : index
        %get3A_1446 = tpu.vector_load %arg7[%get3A_1444, %get3A_1445] {strides = array<i32>} : memref<800x64xf32, #tpu.memory_space<vmem>>, vector<1x16xf32>,
        %get3A_1447 = vector.shape_cast %get3A_1446 : vector<1x16xf32> to vector<16xf32>
        %add3A_1448 = arith.addf %add3A_1420, %get3A_1447 : vector<16xf32>
        %add3A_1449 = arith.constant 49 : i32
        %add3A_1450 = arith.addi %mul3A_62, %add3A_1449 : i32
        %get3A_1451 = arith.index_cast %add3A_1450 : i32 to index
        %get3A_1452 = arith.constant 16 : index
        %get3A_1453 = tpu.vector_load %arg7[%get3A_1451, %get3A_1452] {strides = array<i32>} : memref<800x64xf32, #tpu.memory_space<vmem>>, vector<1x16xf32>,
        %get3A_1454 = vector.shape_cast %get3A_1453 : vector<1x16xf32> to vector<16xf32>
        %add3A_1455 = arith.addf %add3A_1427, %get3A_1454 : vector<16xf32>
        %add3A_1456 = arith.constant 49 : i32
        %add3A_1457 = arith.addi %mul3A_62, %add3A_1456 : i32
        %get3A_1458 = arith.index_cast %add3A_1457 : i32 to index
        %get3A_1459 = arith.constant 32 : index
        %get3A_1460 = tpu.vector_load %arg7[%get3A_1458, %get3A_1459] {strides = array<i32>} : memref<800x64xf32, #tpu.memory_space<vmem>>, vector<1x16xf32>,
        %get3A_1461 = vector.shape_cast %get3A_1460 : vector<1x16xf32> to vector<16xf32>
        %add3A_1462 = arith.addf %add3A_1434, %get3A_1461 : vector<16xf32>
        %add3A_1463 = arith.constant 49 : i32
        %add3A_1464 = arith.addi %mul3A_62, %add3A_1463 : i32
        %get3A_1465 = arith.index_cast %add3A_1464 : i32 to index
        %get3A_1466 = arith.constant 48 : index
        %get3A_1467 = tpu.vector_load %arg7[%get3A_1465, %get3A_1466] {strides = array<i32>} : memref<800x64xf32, #tpu.memory_space<vmem>>, vector<1x16xf32>,
        %get3A_1468 = vector.shape_cast %get3A_1467 : vector<1x16xf32> to vector<16xf32>
        %add3A_1469 = arith.addf %add3A_1441, %get3A_1468 : vector<16xf32>
        %mul3A_1470 = arith.mulf %add3A_1448, %broadcast_in_dim3A_3 : vector<16xf32>
        %swap3A = arith.index_cast %scan3A_60 : i32 to index
        %swap3A_1471 = arith.constant 0 : index
        %swap3A_1472 = tpu.vector_load %arg9[%swap3A, %swap3A_1471] {strides = array<i32>} : memref<16x64xf32, #tpu.memory_space<vmem>>, vector<1x16xf32>,
        %swap3A_1473 = vector.shape_cast %swap3A_1472 : vector<1x16xf32> to vector<16xf32>
        %swap3A_1474 = vector.shape_cast %mul3A_1470 : vector<16xf32> to vector<1x16xf32>
        tpu.vector_store %arg9[%swap3A, %swap3A_1471], %swap3A_1474 {strides = array<i32>} : memref<16x64xf32, #tpu.memory_space<vmem>>, vector<1x16xf32>,
        %mul3A_1475 = arith.mulf %add3A_1455, %broadcast_in_dim3A_3 : vector<16xf32>
        %swap3A_1476 = arith.index_cast %scan3A_60 : i32 to index
        %swap3A_1477 = arith.constant 16 : index
        %swap3A_1478 = tpu.vector_load %arg9[%swap3A_1476, %swap3A_1477] {strides = array<i32>} : memref<16x64xf32, #tpu.memory_space<vmem>>, vector<1x16xf32>,
        %swap3A_1479 = vector.shape_cast %swap3A_1478 : vector<1x16xf32> to vector<16xf32>
        %swap3A_1480 = vector.shape_cast %mul3A_1475 : vector<16xf32> to vector<1x16xf32>
        tpu.vector_store %arg9[%swap3A_1476, %swap3A_1477], %swap3A_1480 {strides = array<i32>} : memref<16x64xf32, #tpu.memory_space<vmem>>, vector<1x16xf32>,
        %mul3A_1481 = arith.mulf %add3A_1462, %broadcast_in_dim3A_3 : vector<16xf32>
        %swap3A_1482 = arith.index_cast %scan3A_60 : i32 to index
        %swap3A_1483 = arith.constant 32 : index
        %swap3A_1484 = tpu.vector_load %arg9[%swap3A_1482, %swap3A_1483] {strides = array<i32>} : memref<16x64xf32, #tpu.memory_space<vmem>>, vector<1x16xf32>,
        %swap3A_1485 = vector.shape_cast %swap3A_1484 : vector<1x16xf32> to vector<16xf32>
        %swap3A_1486 = vector.shape_cast %mul3A_1481 : vector<16xf32> to vector<1x16xf32>
        tpu.vector_store %arg9[%swap3A_1482, %swap3A_1483], %swap3A_1486 {strides = array<i32>} : memref<16x64xf32, #tpu.memory_space<vmem>>, vector<1x16xf32>,
        %mul3A_1487 = arith.mulf %add3A_1469, %broadcast_in_dim3A_3 : vector<16xf32>
        %swap3A_1488 = arith.index_cast %scan3A_60 : i32 to index
        %swap3A_1489 = arith.constant 48 : index
        %swap3A_1490 = tpu.vector_load %arg9[%swap3A_1488, %swap3A_1489] {strides = array<i32>} : memref<16x64xf32, #tpu.memory_space<vmem>>, vector<1x16xf32>,
        %swap3A_1491 = vector.shape_cast %swap3A_1490 : vector<1x16xf32> to vector<16xf32>
        %swap3A_1492 = vector.shape_cast %mul3A_1487 : vector<16xf32> to vector<1x16xf32>
        tpu.vector_store %arg9[%swap3A_1488, %swap3A_1489], %swap3A_1492 {strides = array<i32>} : memref<16x64xf32, #tpu.memory_space<vmem>>, vector<1x16xf32>,
      }
      %scan3A_39 = arith.constant 16 : i32
      %mul3A_40 = arith.constant 16 : i32
      %mul3A_41 = arith.muli %mul3A_18, %mul3A_40 : i32
      %add3A_42 = arith.addi %mul3A_2, %mul3A_41 : i32
      "tpu.region"() ({
        %run_scoped3A = tpu.sem_alloc : memref<!tpu.dma_semaphore, #tpu.memory_space<semaphore_mem>>
        %dma_start3A_60 = arith.constant 0 : i32
        %dma_start3A_61 = tpu.memref_slice %arg4[%add3A_42, %dma_start3A_60] : memref<16384x64xf32, #tpu.memory_space<hbm>> -> memref<16x64xf32, #tpu.memory_space<hbm>>
        %dma_start3A_62 = arith.constant 0 : i32
        %dma_start3A_63 = tpu.memref_slice %arg4[%add3A_42, %dma_start3A_62] : memref<16384x64xf32, #tpu.memory_space<hbm>> -> memref<16x64xf32, #tpu.memory_space<hbm>>
        tpu.enqueue_dma source(%arg9 : memref<16x64xf32, #tpu.memory_space<vmem>>) target(%dma_start3A_63 : memref<16x64xf32, #tpu.memory_space<hbm>>) target_semaphore(%run_scoped3A : memref<!tpu.dma_semaphore, #tpu.memory_space<semaphore_mem>>)
        %dma_wait3A_64 = arith.constant 0 : i32
        %dma_wait3A_65 = tpu.memref_slice %arg4[%add3A_42, %dma_wait3A_64] : memref<16384x64xf32, #tpu.memory_space<hbm>> -> memref<16x64xf32, #tpu.memory_space<hbm>>
        %dma_wait3A_66 = arith.constant 0 : i32
        %dma_wait3A_67 = tpu.memref_slice %arg4[%add3A_42, %dma_wait3A_66] : memref<16384x64xf32, #tpu.memory_space<hbm>> -> memref<16x64xf32, #tpu.memory_space<hbm>>
        tpu.wait_dma2 semaphore(%run_scoped3A : memref<!tpu.dma_semaphore, #tpu.memory_space<semaphore_mem>>) src(%arg9 : memref<16x64xf32, #tpu.memory_space<vmem>>) dst(%dma_wait3A_67 : memref<16x64xf32, #tpu.memory_space<hbm>>)
        tpu.yield
      }) : () -> ()
      %lt3A = arith.constant 15 : i32
      %lt3A_43 = arith.cmpi slt, %scan3A_16, %lt3A : i32
      %convert_element_type3A = arith.extui %lt3A_43 : i1 to i32
      %cond3A = arith.constant 0 : i32
      %cond3A_44 = arith.cmpi ne, %convert_element_type3A, %cond3A : i32
      scf.if %cond3A_44 {
        %add3A_60 = arith.constant 2 : i32
        %add3A_61 = arith.addi %mul3A_18, %add3A_60 : i32
        %mul3A_62 = arith.constant 16 : i32
        %mul3A_63 = arith.muli %add3A_61, %mul3A_62 : i32
        %add3A_64 = arith.addi %mul3A_2, %mul3A_63 : i32
        %mul3A_65 = arith.constant 50 : i32
        %mul3A_66 = arith.muli %add3A_64, %mul3A_65 : i32
        "tpu.region"() ({
          %run_scoped3A = tpu.sem_alloc : memref<!tpu.dma_semaphore, #tpu.memory_space<semaphore_mem>>
          %dma_start3A_72 = tpu.memref_slice %arg2[%mul3A_66] : memref<819296xi32, #tpu.memory_space<hbm>> -> memref<896xi32, #tpu.memory_space<hbm>>
          %dma_start3A_73 = tpu.memref_slice %arg2[%mul3A_66] : memref<819296xi32, #tpu.memory_space<hbm>> -> memref<896xi32, #tpu.memory_space<hbm>>
          tpu.enqueue_dma source(%dma_start3A_73 : memref<896xi32, #tpu.memory_space<hbm>>) target(%arg5 : memref<896xi32, #tpu.memory_space<vmem>>) target_semaphore(%run_scoped3A : memref<!tpu.dma_semaphore, #tpu.memory_space<semaphore_mem>>)
          %dma_wait3A_74 = tpu.memref_slice %arg2[%mul3A_66] : memref<819296xi32, #tpu.memory_space<hbm>> -> memref<896xi32, #tpu.memory_space<hbm>>
          %dma_wait3A_75 = tpu.memref_slice %arg2[%mul3A_66] : memref<819296xi32, #tpu.memory_space<hbm>> -> memref<896xi32, #tpu.memory_space<hbm>>
          tpu.wait_dma2 semaphore(%run_scoped3A : memref<!tpu.dma_semaphore, #tpu.memory_space<semaphore_mem>>) src(%dma_wait3A_75 : memref<896xi32, #tpu.memory_space<hbm>>) dst(%arg5 : memref<896xi32, #tpu.memory_space<vmem>>)
          tpu.yield
        }) : () -> ()
        %dma_start3A_67 = arith.constant 0 : i32
        %dma_start3A_68 = tpu.memref_slice %arg5[%dma_start3A_67] : memref<896xi32, #tpu.memory_space<vmem>> -> memref<800xi32, #tpu.memory_space<vmem>>
        %dma_start3A_69 = arith.constant 0 : i32
        %dma_start3A_70 = arith.constant 0 : i32
        %dma_start3A_71 = tpu.memref_slice %arg3[%dma_start3A_69, %dma_start3A_70] : memref<1000000x64xf32, #tpu.memory_space<hbm>> -> memref<1000000x64xf32, #tpu.memory_space<hbm>>
        tpu.enqueue_indirect_dma source(%dma_start3A_71 : memref<1000000x64xf32, #tpu.memory_space<hbm>>) target(%arg7 : memref<800x64xf32, #tpu.memory_space<vmem>>) offsets(%dma_start3A_68 : memref<800xi32, #tpu.memory_space<vmem>>) semaphore(%arg10 : memref<!tpu.dma_semaphore, #tpu.memory_space<semaphore_mem>>)
      } else {
      }
      %add3A_45 = arith.constant 1 : i32
      %add3A_46 = arith.addi %mul3A_18, %add3A_45 : i32
      %dma_wait3A_47 = arith.constant 0 : i32
      %dma_wait3A_48 = tpu.memref_slice %arg6[%dma_wait3A_47] : memref<896xi32, #tpu.memory_space<vmem>> -> memref<800xi32, #tpu.memory_space<vmem>>
      %dma_wait3A_49 = arith.constant 0 : i32
      %dma_wait3A_50 = arith.constant 0 : i32
      %dma_wait3A_51 = tpu.memref_slice %arg3[%dma_wait3A_49, %dma_wait3A_50] : memref<1000000x64xf32, #tpu.memory_space<hbm>> -> memref<1000000x64xf32, #tpu.memory_space<hbm>>
      tpu.wait_indirect_dma semaphore(%arg11 : memref<!tpu.dma_semaphore, #tpu.memory_space<semaphore_mem>>) src(%dma_wait3A_51 : memref<1000000x64xf32, #tpu.memory_space<hbm>>) dst(%arg8 : memref<800x64xf32, #tpu.memory_space<vmem>>)
      %scan3A_52 = arith.constant 0 : i32
      %scan3A_53 = arith.constant 16 : i32
      %scan3A_54 = arith.addi %scan3A_52, %scan3A_53 : i32
      %scan3A_55 = arith.constant 1 : i32
      scf.for %scan3A_60 = %scan3A_52 to %scan3A_54 step %scan3A_55  : i32 {
        %mul3A_61 = arith.constant 50 : i32
        %mul3A_62 = arith.muli %scan3A_60, %mul3A_61 : i32
        %broadcast_in_dim3A_63 = arith.constant 0.000000e+00 : f32
        %broadcast_in_dim3A_64 = vector.broadcast %broadcast_in_dim3A_63 : f32 to vector<16xf32>
        %broadcast_in_dim3A_65 = arith.constant 0.000000e+00 : f32
        %broadcast_in_dim3A_66 = vector.broadcast %broadcast_in_dim3A_65 : f32 to vector<16xf32>
        %broadcast_in_dim3A_67 = arith.constant 0.000000e+00 : f32
        %broadcast_in_dim3A_68 = vector.broadcast %broadcast_in_dim3A_67 : f32 to vector<16xf32>
        %broadcast_in_dim3A_69 = arith.constant 0.000000e+00 : f32
        %broadcast_in_dim3A_70 = vector.broadcast %broadcast_in_dim3A_69 : f32 to vector<16xf32>
        %add3A_71 = arith.constant 0 : i32
        %add3A_72 = arith.addi %mul3A_62, %add3A_71 : i32
        %get3A = arith.index_cast %add3A_72 : i32 to index
        %get3A_73 = arith.constant 0 : index
        %get3A_74 = tpu.vector_load %arg8[%get3A, %get3A_73] {strides = array<i32>} : memref<800x64xf32, #tpu.memory_space<vmem>>, vector<1x16xf32>,
        %get3A_75 = vector.shape_cast %get3A_74 : vector<1x16xf32> to vector<16xf32>
        %add3A_76 = arith.addf %broadcast_in_dim3A_64, %get3A_75 : vector<16xf32>
        %add3A_77 = arith.constant 0 : i32
        %add3A_78 = arith.addi %mul3A_62, %add3A_77 : i32
        %get3A_79 = arith.index_cast %add3A_78 : i32 to index
        %get3A_80 = arith.constant 16 : index
        %get3A_81 = tpu.vector_load %arg8[%get3A_79, %get3A_80] {strides = array<i32>} : memref<800x64xf32, #tpu.memory_space<vmem>>, vector<1x16xf32>,
        %get3A_82 = vector.shape_cast %get3A_81 : vector<1x16xf32> to vector<16xf32>
        %add3A_83 = arith.addf %broadcast_in_dim3A_66, %get3A_82 : vector<16xf32>
        %add3A_84 = arith.constant 0 : i32
        %add3A_85 = arith.addi %mul3A_62, %add3A_84 : i32
        %get3A_86 = arith.index_cast %add3A_85 : i32 to index
        %get3A_87 = arith.constant 32 : index
        %get3A_88 = tpu.vector_load %arg8[%get3A_86, %get3A_87] {strides = array<i32>} : memref<800x64xf32, #tpu.memory_space<vmem>>, vector<1x16xf32>,
        %get3A_89 = vector.shape_cast %get3A_88 : vector<1x16xf32> to vector<16xf32>
        %add3A_90 = arith.addf %broadcast_in_dim3A_68, %get3A_89 : vector<16xf32>
        %add3A_91 = arith.constant 0 : i32
        %add3A_92 = arith.addi %mul3A_62, %add3A_91 : i32
        %get3A_93 = arith.index_cast %add3A_92 : i32 to index
        %get3A_94 = arith.constant 48 : index
        %get3A_95 = tpu.vector_load %arg8[%get3A_93, %get3A_94] {strides = array<i32>} : memref<800x64xf32, #tpu.memory_space<vmem>>, vector<1x16xf32>,
        %get3A_96 = vector.shape_cast %get3A_95 : vector<1x16xf32> to vector<16xf32>
        %add3A_97 = arith.addf %broadcast_in_dim3A_70, %get3A_96 : vector<16xf32>
        %add3A_98 = arith.constant 1 : i32
        %add3A_99 = arith.addi %mul3A_62, %add3A_98 : i32
        %get3A_100 = arith.index_cast %add3A_99 : i32 to index
        %get3A_101 = arith.constant 0 : index
        %get3A_102 = tpu.vector_load %arg8[%get3A_100, %get3A_101] {strides = array<i32>} : memref<800x64xf32, #tpu.memory_space<vmem>>, vector<1x16xf32>,
        %get3A_103 = vector.shape_cast %get3A_102 : vector<1x16xf32> to vector<16xf32>
        %add3A_104 = arith.addf %add3A_76, %get3A_103 : vector<16xf32>
        %add3A_105 = arith.constant 1 : i32
        %add3A_106 = arith.addi %mul3A_62, %add3A_105 : i32
        %get3A_107 = arith.index_cast %add3A_106 : i32 to index
        %get3A_108 = arith.constant 16 : index
        %get3A_109 = tpu.vector_load %arg8[%get3A_107, %get3A_108] {strides = array<i32>} : memref<800x64xf32, #tpu.memory_space<vmem>>, vector<1x16xf32>,
        %get3A_110 = vector.shape_cast %get3A_109 : vector<1x16xf32> to vector<16xf32>
        %add3A_111 = arith.addf %add3A_83, %get3A_110 : vector<16xf32>
        %add3A_112 = arith.constant 1 : i32
        %add3A_113 = arith.addi %mul3A_62, %add3A_112 : i32
        %get3A_114 = arith.index_cast %add3A_113 : i32 to index
        %get3A_115 = arith.constant 32 : index
        %get3A_116 = tpu.vector_load %arg8[%get3A_114, %get3A_115] {strides = array<i32>} : memref<800x64xf32, #tpu.memory_space<vmem>>, vector<1x16xf32>,
        %get3A_117 = vector.shape_cast %get3A_116 : vector<1x16xf32> to vector<16xf32>
        %add3A_118 = arith.addf %add3A_90, %get3A_117 : vector<16xf32>
        %add3A_119 = arith.constant 1 : i32
        %add3A_120 = arith.addi %mul3A_62, %add3A_119 : i32
        %get3A_121 = arith.index_cast %add3A_120 : i32 to index
        %get3A_122 = arith.constant 48 : index
        %get3A_123 = tpu.vector_load %arg8[%get3A_121, %get3A_122] {strides = array<i32>} : memref<800x64xf32, #tpu.memory_space<vmem>>, vector<1x16xf32>,
        %get3A_124 = vector.shape_cast %get3A_123 : vector<1x16xf32> to vector<16xf32>
        %add3A_125 = arith.addf %add3A_97, %get3A_124 : vector<16xf32>
        %add3A_126 = arith.constant 2 : i32
        %add3A_127 = arith.addi %mul3A_62, %add3A_126 : i32
        %get3A_128 = arith.index_cast %add3A_127 : i32 to index
        %get3A_129 = arith.constant 0 : index
        %get3A_130 = tpu.vector_load %arg8[%get3A_128, %get3A_129] {strides = array<i32>} : memref<800x64xf32, #tpu.memory_space<vmem>>, vector<1x16xf32>,
        %get3A_131 = vector.shape_cast %get3A_130 : vector<1x16xf32> to vector<16xf32>
        %add3A_132 = arith.addf %add3A_104, %get3A_131 : vector<16xf32>
        %add3A_133 = arith.constant 2 : i32
        %add3A_134 = arith.addi %mul3A_62, %add3A_133 : i32
        %get3A_135 = arith.index_cast %add3A_134 : i32 to index
        %get3A_136 = arith.constant 16 : index
        %get3A_137 = tpu.vector_load %arg8[%get3A_135, %get3A_136] {strides = array<i32>} : memref<800x64xf32, #tpu.memory_space<vmem>>, vector<1x16xf32>,
        %get3A_138 = vector.shape_cast %get3A_137 : vector<1x16xf32> to vector<16xf32>
        %add3A_139 = arith.addf %add3A_111, %get3A_138 : vector<16xf32>
        %add3A_140 = arith.constant 2 : i32
        %add3A_141 = arith.addi %mul3A_62, %add3A_140 : i32
        %get3A_142 = arith.index_cast %add3A_141 : i32 to index
        %get3A_143 = arith.constant 32 : index
        %get3A_144 = tpu.vector_load %arg8[%get3A_142, %get3A_143] {strides = array<i32>} : memref<800x64xf32, #tpu.memory_space<vmem>>, vector<1x16xf32>,
        %get3A_145 = vector.shape_cast %get3A_144 : vector<1x16xf32> to vector<16xf32>
        %add3A_146 = arith.addf %add3A_118, %get3A_145 : vector<16xf32>
        %add3A_147 = arith.constant 2 : i32
        %add3A_148 = arith.addi %mul3A_62, %add3A_147 : i32
        %get3A_149 = arith.index_cast %add3A_148 : i32 to index
        %get3A_150 = arith.constant 48 : index
        %get3A_151 = tpu.vector_load %arg8[%get3A_149, %get3A_150] {strides = array<i32>} : memref<800x64xf32, #tpu.memory_space<vmem>>, vector<1x16xf32>,
        %get3A_152 = vector.shape_cast %get3A_151 : vector<1x16xf32> to vector<16xf32>
        %add3A_153 = arith.addf %add3A_125, %get3A_152 : vector<16xf32>
        %add3A_154 = arith.constant 3 : i32
        %add3A_155 = arith.addi %mul3A_62, %add3A_154 : i32
        %get3A_156 = arith.index_cast %add3A_155 : i32 to index
        %get3A_157 = arith.constant 0 : index
        %get3A_158 = tpu.vector_load %arg8[%get3A_156, %get3A_157] {strides = array<i32>} : memref<800x64xf32, #tpu.memory_space<vmem>>, vector<1x16xf32>,
        %get3A_159 = vector.shape_cast %get3A_158 : vector<1x16xf32> to vector<16xf32>
        %add3A_160 = arith.addf %add3A_132, %get3A_159 : vector<16xf32>
        %add3A_161 = arith.constant 3 : i32
        %add3A_162 = arith.addi %mul3A_62, %add3A_161 : i32
        %get3A_163 = arith.index_cast %add3A_162 : i32 to index
        %get3A_164 = arith.constant 16 : index
        %get3A_165 = tpu.vector_load %arg8[%get3A_163, %get3A_164] {strides = array<i32>} : memref<800x64xf32, #tpu.memory_space<vmem>>, vector<1x16xf32>,
        %get3A_166 = vector.shape_cast %get3A_165 : vector<1x16xf32> to vector<16xf32>
        %add3A_167 = arith.addf %add3A_139, %get3A_166 : vector<16xf32>
        %add3A_168 = arith.constant 3 : i32
        %add3A_169 = arith.addi %mul3A_62, %add3A_168 : i32
        %get3A_170 = arith.index_cast %add3A_169 : i32 to index
        %get3A_171 = arith.constant 32 : index
        %get3A_172 = tpu.vector_load %arg8[%get3A_170, %get3A_171] {strides = array<i32>} : memref<800x64xf32, #tpu.memory_space<vmem>>, vector<1x16xf32>,
        %get3A_173 = vector.shape_cast %get3A_172 : vector<1x16xf32> to vector<16xf32>
        %add3A_174 = arith.addf %add3A_146, %get3A_173 : vector<16xf32>
        %add3A_175 = arith.constant 3 : i32
        %add3A_176 = arith.addi %mul3A_62, %add3A_175 : i32
        %get3A_177 = arith.index_cast %add3A_176 : i32 to index
        %get3A_178 = arith.constant 48 : index
        %get3A_179 = tpu.vector_load %arg8[%get3A_177, %get3A_178] {strides = array<i32>} : memref<800x64xf32, #tpu.memory_space<vmem>>, vector<1x16xf32>,
        %get3A_180 = vector.shape_cast %get3A_179 : vector<1x16xf32> to vector<16xf32>
        %add3A_181 = arith.addf %add3A_153, %get3A_180 : vector<16xf32>
        %add3A_182 = arith.constant 4 : i32
        %add3A_183 = arith.addi %mul3A_62, %add3A_182 : i32
        %get3A_184 = arith.index_cast %add3A_183 : i32 to index
        %get3A_185 = arith.constant 0 : index
        %get3A_186 = tpu.vector_load %arg8[%get3A_184, %get3A_185] {strides = array<i32>} : memref<800x64xf32, #tpu.memory_space<vmem>>, vector<1x16xf32>,
        %get3A_187 = vector.shape_cast %get3A_186 : vector<1x16xf32> to vector<16xf32>
        %add3A_188 = arith.addf %add3A_160, %get3A_187 : vector<16xf32>
        %add3A_189 = arith.constant 4 : i32
        %add3A_190 = arith.addi %mul3A_62, %add3A_189 : i32
        %get3A_191 = arith.index_cast %add3A_190 : i32 to index
        %get3A_192 = arith.constant 16 : index
        %get3A_193 = tpu.vector_load %arg8[%get3A_191, %get3A_192] {strides = array<i32>} : memref<800x64xf32, #tpu.memory_space<vmem>>, vector<1x16xf32>,
        %get3A_194 = vector.shape_cast %get3A_193 : vector<1x16xf32> to vector<16xf32>
        %add3A_195 = arith.addf %add3A_167, %get3A_194 : vector<16xf32>
        %add3A_196 = arith.constant 4 : i32
        %add3A_197 = arith.addi %mul3A_62, %add3A_196 : i32
        %get3A_198 = arith.index_cast %add3A_197 : i32 to index
        %get3A_199 = arith.constant 32 : index
        %get3A_200 = tpu.vector_load %arg8[%get3A_198, %get3A_199] {strides = array<i32>} : memref<800x64xf32, #tpu.memory_space<vmem>>, vector<1x16xf32>,
        %get3A_201 = vector.shape_cast %get3A_200 : vector<1x16xf32> to vector<16xf32>
        %add3A_202 = arith.addf %add3A_174, %get3A_201 : vector<16xf32>
        %add3A_203 = arith.constant 4 : i32
        %add3A_204 = arith.addi %mul3A_62, %add3A_203 : i32
        %get3A_205 = arith.index_cast %add3A_204 : i32 to index
        %get3A_206 = arith.constant 48 : index
        %get3A_207 = tpu.vector_load %arg8[%get3A_205, %get3A_206] {strides = array<i32>} : memref<800x64xf32, #tpu.memory_space<vmem>>, vector<1x16xf32>,
        %get3A_208 = vector.shape_cast %get3A_207 : vector<1x16xf32> to vector<16xf32>
        %add3A_209 = arith.addf %add3A_181, %get3A_208 : vector<16xf32>
        %add3A_210 = arith.constant 5 : i32
        %add3A_211 = arith.addi %mul3A_62, %add3A_210 : i32
        %get3A_212 = arith.index_cast %add3A_211 : i32 to index
        %get3A_213 = arith.constant 0 : index
        %get3A_214 = tpu.vector_load %arg8[%get3A_212, %get3A_213] {strides = array<i32>} : memref<800x64xf32, #tpu.memory_space<vmem>>, vector<1x16xf32>,
        %get3A_215 = vector.shape_cast %get3A_214 : vector<1x16xf32> to vector<16xf32>
        %add3A_216 = arith.addf %add3A_188, %get3A_215 : vector<16xf32>
        %add3A_217 = arith.constant 5 : i32
        %add3A_218 = arith.addi %mul3A_62, %add3A_217 : i32
        %get3A_219 = arith.index_cast %add3A_218 : i32 to index
        %get3A_220 = arith.constant 16 : index
        %get3A_221 = tpu.vector_load %arg8[%get3A_219, %get3A_220] {strides = array<i32>} : memref<800x64xf32, #tpu.memory_space<vmem>>, vector<1x16xf32>,
        %get3A_222 = vector.shape_cast %get3A_221 : vector<1x16xf32> to vector<16xf32>
        %add3A_223 = arith.addf %add3A_195, %get3A_222 : vector<16xf32>
        %add3A_224 = arith.constant 5 : i32
        %add3A_225 = arith.addi %mul3A_62, %add3A_224 : i32
        %get3A_226 = arith.index_cast %add3A_225 : i32 to index
        %get3A_227 = arith.constant 32 : index
        %get3A_228 = tpu.vector_load %arg8[%get3A_226, %get3A_227] {strides = array<i32>} : memref<800x64xf32, #tpu.memory_space<vmem>>, vector<1x16xf32>,
        %get3A_229 = vector.shape_cast %get3A_228 : vector<1x16xf32> to vector<16xf32>
        %add3A_230 = arith.addf %add3A_202, %get3A_229 : vector<16xf32>
        %add3A_231 = arith.constant 5 : i32
        %add3A_232 = arith.addi %mul3A_62, %add3A_231 : i32
        %get3A_233 = arith.index_cast %add3A_232 : i32 to index
        %get3A_234 = arith.constant 48 : index
        %get3A_235 = tpu.vector_load %arg8[%get3A_233, %get3A_234] {strides = array<i32>} : memref<800x64xf32, #tpu.memory_space<vmem>>, vector<1x16xf32>,
        %get3A_236 = vector.shape_cast %get3A_235 : vector<1x16xf32> to vector<16xf32>
        %add3A_237 = arith.addf %add3A_209, %get3A_236 : vector<16xf32>
        %add3A_238 = arith.constant 6 : i32
        %add3A_239 = arith.addi %mul3A_62, %add3A_238 : i32
        %get3A_240 = arith.index_cast %add3A_239 : i32 to index
        %get3A_241 = arith.constant 0 : index
        %get3A_242 = tpu.vector_load %arg8[%get3A_240, %get3A_241] {strides = array<i32>} : memref<800x64xf32, #tpu.memory_space<vmem>>, vector<1x16xf32>,
        %get3A_243 = vector.shape_cast %get3A_242 : vector<1x16xf32> to vector<16xf32>
        %add3A_244 = arith.addf %add3A_216, %get3A_243 : vector<16xf32>
        %add3A_245 = arith.constant 6 : i32
        %add3A_246 = arith.addi %mul3A_62, %add3A_245 : i32
        %get3A_247 = arith.index_cast %add3A_246 : i32 to index
        %get3A_248 = arith.constant 16 : index
        %get3A_249 = tpu.vector_load %arg8[%get3A_247, %get3A_248] {strides = array<i32>} : memref<800x64xf32, #tpu.memory_space<vmem>>, vector<1x16xf32>,
        %get3A_250 = vector.shape_cast %get3A_249 : vector<1x16xf32> to vector<16xf32>
        %add3A_251 = arith.addf %add3A_223, %get3A_250 : vector<16xf32>
        %add3A_252 = arith.constant 6 : i32
        %add3A_253 = arith.addi %mul3A_62, %add3A_252 : i32
        %get3A_254 = arith.index_cast %add3A_253 : i32 to index
        %get3A_255 = arith.constant 32 : index
        %get3A_256 = tpu.vector_load %arg8[%get3A_254, %get3A_255] {strides = array<i32>} : memref<800x64xf32, #tpu.memory_space<vmem>>, vector<1x16xf32>,
        %get3A_257 = vector.shape_cast %get3A_256 : vector<1x16xf32> to vector<16xf32>
        %add3A_258 = arith.addf %add3A_230, %get3A_257 : vector<16xf32>
        %add3A_259 = arith.constant 6 : i32
        %add3A_260 = arith.addi %mul3A_62, %add3A_259 : i32
        %get3A_261 = arith.index_cast %add3A_260 : i32 to index
        %get3A_262 = arith.constant 48 : index
        %get3A_263 = tpu.vector_load %arg8[%get3A_261, %get3A_262] {strides = array<i32>} : memref<800x64xf32, #tpu.memory_space<vmem>>, vector<1x16xf32>,
        %get3A_264 = vector.shape_cast %get3A_263 : vector<1x16xf32> to vector<16xf32>
        %add3A_265 = arith.addf %add3A_237, %get3A_264 : vector<16xf32>
        %add3A_266 = arith.constant 7 : i32
        %add3A_267 = arith.addi %mul3A_62, %add3A_266 : i32
        %get3A_268 = arith.index_cast %add3A_267 : i32 to index
        %get3A_269 = arith.constant 0 : index
        %get3A_270 = tpu.vector_load %arg8[%get3A_268, %get3A_269] {strides = array<i32>} : memref<800x64xf32, #tpu.memory_space<vmem>>, vector<1x16xf32>,
        %get3A_271 = vector.shape_cast %get3A_270 : vector<1x16xf32> to vector<16xf32>
        %add3A_272 = arith.addf %add3A_244, %get3A_271 : vector<16xf32>
        %add3A_273 = arith.constant 7 : i32
        %add3A_274 = arith.addi %mul3A_62, %add3A_273 : i32
        %get3A_275 = arith.index_cast %add3A_274 : i32 to index
        %get3A_276 = arith.constant 16 : index
        %get3A_277 = tpu.vector_load %arg8[%get3A_275, %get3A_276] {strides = array<i32>} : memref<800x64xf32, #tpu.memory_space<vmem>>, vector<1x16xf32>,
        %get3A_278 = vector.shape_cast %get3A_277 : vector<1x16xf32> to vector<16xf32>
        %add3A_279 = arith.addf %add3A_251, %get3A_278 : vector<16xf32>
        %add3A_280 = arith.constant 7 : i32
        %add3A_281 = arith.addi %mul3A_62, %add3A_280 : i32
        %get3A_282 = arith.index_cast %add3A_281 : i32 to index
        %get3A_283 = arith.constant 32 : index
        %get3A_284 = tpu.vector_load %arg8[%get3A_282, %get3A_283] {strides = array<i32>} : memref<800x64xf32, #tpu.memory_space<vmem>>, vector<1x16xf32>,
        %get3A_285 = vector.shape_cast %get3A_284 : vector<1x16xf32> to vector<16xf32>
        %add3A_286 = arith.addf %add3A_258, %get3A_285 : vector<16xf32>
        %add3A_287 = arith.constant 7 : i32
        %add3A_288 = arith.addi %mul3A_62, %add3A_287 : i32
        %get3A_289 = arith.index_cast %add3A_288 : i32 to index
        %get3A_290 = arith.constant 48 : index
        %get3A_291 = tpu.vector_load %arg8[%get3A_289, %get3A_290] {strides = array<i32>} : memref<800x64xf32, #tpu.memory_space<vmem>>, vector<1x16xf32>,
        %get3A_292 = vector.shape_cast %get3A_291 : vector<1x16xf32> to vector<16xf32>
        %add3A_293 = arith.addf %add3A_265, %get3A_292 : vector<16xf32>
        %add3A_294 = arith.constant 8 : i32
        %add3A_295 = arith.addi %mul3A_62, %add3A_294 : i32
        %get3A_296 = arith.index_cast %add3A_295 : i32 to index
        %get3A_297 = arith.constant 0 : index
        %get3A_298 = tpu.vector_load %arg8[%get3A_296, %get3A_297] {strides = array<i32>} : memref<800x64xf32, #tpu.memory_space<vmem>>, vector<1x16xf32>,
        %get3A_299 = vector.shape_cast %get3A_298 : vector<1x16xf32> to vector<16xf32>
        %add3A_300 = arith.addf %add3A_272, %get3A_299 : vector<16xf32>
        %add3A_301 = arith.constant 8 : i32
        %add3A_302 = arith.addi %mul3A_62, %add3A_301 : i32
        %get3A_303 = arith.index_cast %add3A_302 : i32 to index
        %get3A_304 = arith.constant 16 : index
        %get3A_305 = tpu.vector_load %arg8[%get3A_303, %get3A_304] {strides = array<i32>} : memref<800x64xf32, #tpu.memory_space<vmem>>, vector<1x16xf32>,
        %get3A_306 = vector.shape_cast %get3A_305 : vector<1x16xf32> to vector<16xf32>
        %add3A_307 = arith.addf %add3A_279, %get3A_306 : vector<16xf32>
        %add3A_308 = arith.constant 8 : i32
        %add3A_309 = arith.addi %mul3A_62, %add3A_308 : i32
        %get3A_310 = arith.index_cast %add3A_309 : i32 to index
        %get3A_311 = arith.constant 32 : index
        %get3A_312 = tpu.vector_load %arg8[%get3A_310, %get3A_311] {strides = array<i32>} : memref<800x64xf32, #tpu.memory_space<vmem>>, vector<1x16xf32>,
        %get3A_313 = vector.shape_cast %get3A_312 : vector<1x16xf32> to vector<16xf32>
        %add3A_314 = arith.addf %add3A_286, %get3A_313 : vector<16xf32>
        %add3A_315 = arith.constant 8 : i32
        %add3A_316 = arith.addi %mul3A_62, %add3A_315 : i32
        %get3A_317 = arith.index_cast %add3A_316 : i32 to index
        %get3A_318 = arith.constant 48 : index
        %get3A_319 = tpu.vector_load %arg8[%get3A_317, %get3A_318] {strides = array<i32>} : memref<800x64xf32, #tpu.memory_space<vmem>>, vector<1x16xf32>,
        %get3A_320 = vector.shape_cast %get3A_319 : vector<1x16xf32> to vector<16xf32>
        %add3A_321 = arith.addf %add3A_293, %get3A_320 : vector<16xf32>
        %add3A_322 = arith.constant 9 : i32
        %add3A_323 = arith.addi %mul3A_62, %add3A_322 : i32
        %get3A_324 = arith.index_cast %add3A_323 : i32 to index
        %get3A_325 = arith.constant 0 : index
        %get3A_326 = tpu.vector_load %arg8[%get3A_324, %get3A_325] {strides = array<i32>} : memref<800x64xf32, #tpu.memory_space<vmem>>, vector<1x16xf32>,
        %get3A_327 = vector.shape_cast %get3A_326 : vector<1x16xf32> to vector<16xf32>
        %add3A_328 = arith.addf %add3A_300, %get3A_327 : vector<16xf32>
        %add3A_329 = arith.constant 9 : i32
        %add3A_330 = arith.addi %mul3A_62, %add3A_329 : i32
        %get3A_331 = arith.index_cast %add3A_330 : i32 to index
        %get3A_332 = arith.constant 16 : index
        %get3A_333 = tpu.vector_load %arg8[%get3A_331, %get3A_332] {strides = array<i32>} : memref<800x64xf32, #tpu.memory_space<vmem>>, vector<1x16xf32>,
        %get3A_334 = vector.shape_cast %get3A_333 : vector<1x16xf32> to vector<16xf32>
        %add3A_335 = arith.addf %add3A_307, %get3A_334 : vector<16xf32>
        %add3A_336 = arith.constant 9 : i32
        %add3A_337 = arith.addi %mul3A_62, %add3A_336 : i32
        %get3A_338 = arith.index_cast %add3A_337 : i32 to index
        %get3A_339 = arith.constant 32 : index
        %get3A_340 = tpu.vector_load %arg8[%get3A_338, %get3A_339] {strides = array<i32>} : memref<800x64xf32, #tpu.memory_space<vmem>>, vector<1x16xf32>,
        %get3A_341 = vector.shape_cast %get3A_340 : vector<1x16xf32> to vector<16xf32>
        %add3A_342 = arith.addf %add3A_314, %get3A_341 : vector<16xf32>
        %add3A_343 = arith.constant 9 : i32
        %add3A_344 = arith.addi %mul3A_62, %add3A_343 : i32
        %get3A_345 = arith.index_cast %add3A_344 : i32 to index
        %get3A_346 = arith.constant 48 : index
        %get3A_347 = tpu.vector_load %arg8[%get3A_345, %get3A_346] {strides = array<i32>} : memref<800x64xf32, #tpu.memory_space<vmem>>, vector<1x16xf32>,
        %get3A_348 = vector.shape_cast %get3A_347 : vector<1x16xf32> to vector<16xf32>
        %add3A_349 = arith.addf %add3A_321, %get3A_348 : vector<16xf32>
        %add3A_350 = arith.constant 10 : i32
        %add3A_351 = arith.addi %mul3A_62, %add3A_350 : i32
        %get3A_352 = arith.index_cast %add3A_351 : i32 to index
        %get3A_353 = arith.constant 0 : index
        %get3A_354 = tpu.vector_load %arg8[%get3A_352, %get3A_353] {strides = array<i32>} : memref<800x64xf32, #tpu.memory_space<vmem>>, vector<1x16xf32>,
        %get3A_355 = vector.shape_cast %get3A_354 : vector<1x16xf32> to vector<16xf32>
        %add3A_356 = arith.addf %add3A_328, %get3A_355 : vector<16xf32>
        %add3A_357 = arith.constant 10 : i32
        %add3A_358 = arith.addi %mul3A_62, %add3A_357 : i32
        %get3A_359 = arith.index_cast %add3A_358 : i32 to index
        %get3A_360 = arith.constant 16 : index
        %get3A_361 = tpu.vector_load %arg8[%get3A_359, %get3A_360] {strides = array<i32>} : memref<800x64xf32, #tpu.memory_space<vmem>>, vector<1x16xf32>,
        %get3A_362 = vector.shape_cast %get3A_361 : vector<1x16xf32> to vector<16xf32>
        %add3A_363 = arith.addf %add3A_335, %get3A_362 : vector<16xf32>
        %add3A_364 = arith.constant 10 : i32
        %add3A_365 = arith.addi %mul3A_62, %add3A_364 : i32
        %get3A_366 = arith.index_cast %add3A_365 : i32 to index
        %get3A_367 = arith.constant 32 : index
        %get3A_368 = tpu.vector_load %arg8[%get3A_366, %get3A_367] {strides = array<i32>} : memref<800x64xf32, #tpu.memory_space<vmem>>, vector<1x16xf32>,
        %get3A_369 = vector.shape_cast %get3A_368 : vector<1x16xf32> to vector<16xf32>
        %add3A_370 = arith.addf %add3A_342, %get3A_369 : vector<16xf32>
        %add3A_371 = arith.constant 10 : i32
        %add3A_372 = arith.addi %mul3A_62, %add3A_371 : i32
        %get3A_373 = arith.index_cast %add3A_372 : i32 to index
        %get3A_374 = arith.constant 48 : index
        %get3A_375 = tpu.vector_load %arg8[%get3A_373, %get3A_374] {strides = array<i32>} : memref<800x64xf32, #tpu.memory_space<vmem>>, vector<1x16xf32>,
        %get3A_376 = vector.shape_cast %get3A_375 : vector<1x16xf32> to vector<16xf32>
        %add3A_377 = arith.addf %add3A_349, %get3A_376 : vector<16xf32>
        %add3A_378 = arith.constant 11 : i32
        %add3A_379 = arith.addi %mul3A_62, %add3A_378 : i32
        %get3A_380 = arith.index_cast %add3A_379 : i32 to index
        %get3A_381 = arith.constant 0 : index
        %get3A_382 = tpu.vector_load %arg8[%get3A_380, %get3A_381] {strides = array<i32>} : memref<800x64xf32, #tpu.memory_space<vmem>>, vector<1x16xf32>,
        %get3A_383 = vector.shape_cast %get3A_382 : vector<1x16xf32> to vector<16xf32>
        %add3A_384 = arith.addf %add3A_356, %get3A_383 : vector<16xf32>
        %add3A_385 = arith.constant 11 : i32
        %add3A_386 = arith.addi %mul3A_62, %add3A_385 : i32
        %get3A_387 = arith.index_cast %add3A_386 : i32 to index
        %get3A_388 = arith.constant 16 : index
        %get3A_389 = tpu.vector_load %arg8[%get3A_387, %get3A_388] {strides = array<i32>} : memref<800x64xf32, #tpu.memory_space<vmem>>, vector<1x16xf32>,
        %get3A_390 = vector.shape_cast %get3A_389 : vector<1x16xf32> to vector<16xf32>
        %add3A_391 = arith.addf %add3A_363, %get3A_390 : vector<16xf32>
        %add3A_392 = arith.constant 11 : i32
        %add3A_393 = arith.addi %mul3A_62, %add3A_392 : i32
        %get3A_394 = arith.index_cast %add3A_393 : i32 to index
        %get3A_395 = arith.constant 32 : index
        %get3A_396 = tpu.vector_load %arg8[%get3A_394, %get3A_395] {strides = array<i32>} : memref<800x64xf32, #tpu.memory_space<vmem>>, vector<1x16xf32>,
        %get3A_397 = vector.shape_cast %get3A_396 : vector<1x16xf32> to vector<16xf32>
        %add3A_398 = arith.addf %add3A_370, %get3A_397 : vector<16xf32>
        %add3A_399 = arith.constant 11 : i32
        %add3A_400 = arith.addi %mul3A_62, %add3A_399 : i32
        %get3A_401 = arith.index_cast %add3A_400 : i32 to index
        %get3A_402 = arith.constant 48 : index
        %get3A_403 = tpu.vector_load %arg8[%get3A_401, %get3A_402] {strides = array<i32>} : memref<800x64xf32, #tpu.memory_space<vmem>>, vector<1x16xf32>,
        %get3A_404 = vector.shape_cast %get3A_403 : vector<1x16xf32> to vector<16xf32>
        %add3A_405 = arith.addf %add3A_377, %get3A_404 : vector<16xf32>
        %add3A_406 = arith.constant 12 : i32
        %add3A_407 = arith.addi %mul3A_62, %add3A_406 : i32
        %get3A_408 = arith.index_cast %add3A_407 : i32 to index
        %get3A_409 = arith.constant 0 : index
        %get3A_410 = tpu.vector_load %arg8[%get3A_408, %get3A_409] {strides = array<i32>} : memref<800x64xf32, #tpu.memory_space<vmem>>, vector<1x16xf32>,
        %get3A_411 = vector.shape_cast %get3A_410 : vector<1x16xf32> to vector<16xf32>
        %add3A_412 = arith.addf %add3A_384, %get3A_411 : vector<16xf32>
        %add3A_413 = arith.constant 12 : i32
        %add3A_414 = arith.addi %mul3A_62, %add3A_413 : i32
        %get3A_415 = arith.index_cast %add3A_414 : i32 to index
        %get3A_416 = arith.constant 16 : index
        %get3A_417 = tpu.vector_load %arg8[%get3A_415, %get3A_416] {strides = array<i32>} : memref<800x64xf32, #tpu.memory_space<vmem>>, vector<1x16xf32>,
        %get3A_418 = vector.shape_cast %get3A_417 : vector<1x16xf32> to vector<16xf32>
        %add3A_419 = arith.addf %add3A_391, %get3A_418 : vector<16xf32>
        %add3A_420 = arith.constant 12 : i32
        %add3A_421 = arith.addi %mul3A_62, %add3A_420 : i32
        %get3A_422 = arith.index_cast %add3A_421 : i32 to index
        %get3A_423 = arith.constant 32 : index
        %get3A_424 = tpu.vector_load %arg8[%get3A_422, %get3A_423] {strides = array<i32>} : memref<800x64xf32, #tpu.memory_space<vmem>>, vector<1x16xf32>,
        %get3A_425 = vector.shape_cast %get3A_424 : vector<1x16xf32> to vector<16xf32>
        %add3A_426 = arith.addf %add3A_398, %get3A_425 : vector<16xf32>
        %add3A_427 = arith.constant 12 : i32
        %add3A_428 = arith.addi %mul3A_62, %add3A_427 : i32
        %get3A_429 = arith.index_cast %add3A_428 : i32 to index
        %get3A_430 = arith.constant 48 : index
        %get3A_431 = tpu.vector_load %arg8[%get3A_429, %get3A_430] {strides = array<i32>} : memref<800x64xf32, #tpu.memory_space<vmem>>, vector<1x16xf32>,
        %get3A_432 = vector.shape_cast %get3A_431 : vector<1x16xf32> to vector<16xf32>
        %add3A_433 = arith.addf %add3A_405, %get3A_432 : vector<16xf32>
        %add3A_434 = arith.constant 13 : i32
        %add3A_435 = arith.addi %mul3A_62, %add3A_434 : i32
        %get3A_436 = arith.index_cast %add3A_435 : i32 to index
        %get3A_437 = arith.constant 0 : index
        %get3A_438 = tpu.vector_load %arg8[%get3A_436, %get3A_437] {strides = array<i32>} : memref<800x64xf32, #tpu.memory_space<vmem>>, vector<1x16xf32>,
        %get3A_439 = vector.shape_cast %get3A_438 : vector<1x16xf32> to vector<16xf32>
        %add3A_440 = arith.addf %add3A_412, %get3A_439 : vector<16xf32>
        %add3A_441 = arith.constant 13 : i32
        %add3A_442 = arith.addi %mul3A_62, %add3A_441 : i32
        %get3A_443 = arith.index_cast %add3A_442 : i32 to index
        %get3A_444 = arith.constant 16 : index
        %get3A_445 = tpu.vector_load %arg8[%get3A_443, %get3A_444] {strides = array<i32>} : memref<800x64xf32, #tpu.memory_space<vmem>>, vector<1x16xf32>,
        %get3A_446 = vector.shape_cast %get3A_445 : vector<1x16xf32> to vector<16xf32>
        %add3A_447 = arith.addf %add3A_419, %get3A_446 : vector<16xf32>
        %add3A_448 = arith.constant 13 : i32
        %add3A_449 = arith.addi %mul3A_62, %add3A_448 : i32
        %get3A_450 = arith.index_cast %add3A_449 : i32 to index
        %get3A_451 = arith.constant 32 : index
        %get3A_452 = tpu.vector_load %arg8[%get3A_450, %get3A_451] {strides = array<i32>} : memref<800x64xf32, #tpu.memory_space<vmem>>, vector<1x16xf32>,
        %get3A_453 = vector.shape_cast %get3A_452 : vector<1x16xf32> to vector<16xf32>
        %add3A_454 = arith.addf %add3A_426, %get3A_453 : vector<16xf32>
        %add3A_455 = arith.constant 13 : i32
        %add3A_456 = arith.addi %mul3A_62, %add3A_455 : i32
        %get3A_457 = arith.index_cast %add3A_456 : i32 to index
        %get3A_458 = arith.constant 48 : index
        %get3A_459 = tpu.vector_load %arg8[%get3A_457, %get3A_458] {strides = array<i32>} : memref<800x64xf32, #tpu.memory_space<vmem>>, vector<1x16xf32>,
        %get3A_460 = vector.shape_cast %get3A_459 : vector<1x16xf32> to vector<16xf32>
        %add3A_461 = arith.addf %add3A_433, %get3A_460 : vector<16xf32>
        %add3A_462 = arith.constant 14 : i32
        %add3A_463 = arith.addi %mul3A_62, %add3A_462 : i32
        %get3A_464 = arith.index_cast %add3A_463 : i32 to index
        %get3A_465 = arith.constant 0 : index
        %get3A_466 = tpu.vector_load %arg8[%get3A_464, %get3A_465] {strides = array<i32>} : memref<800x64xf32, #tpu.memory_space<vmem>>, vector<1x16xf32>,
        %get3A_467 = vector.shape_cast %get3A_466 : vector<1x16xf32> to vector<16xf32>
        %add3A_468 = arith.addf %add3A_440, %get3A_467 : vector<16xf32>
        %add3A_469 = arith.constant 14 : i32
        %add3A_470 = arith.addi %mul3A_62, %add3A_469 : i32
        %get3A_471 = arith.index_cast %add3A_470 : i32 to index
        %get3A_472 = arith.constant 16 : index
        %get3A_473 = tpu.vector_load %arg8[%get3A_471, %get3A_472] {strides = array<i32>} : memref<800x64xf32, #tpu.memory_space<vmem>>, vector<1x16xf32>,
        %get3A_474 = vector.shape_cast %get3A_473 : vector<1x16xf32> to vector<16xf32>
        %add3A_475 = arith.addf %add3A_447, %get3A_474 : vector<16xf32>
        %add3A_476 = arith.constant 14 : i32
        %add3A_477 = arith.addi %mul3A_62, %add3A_476 : i32
        %get3A_478 = arith.index_cast %add3A_477 : i32 to index
        %get3A_479 = arith.constant 32 : index
        %get3A_480 = tpu.vector_load %arg8[%get3A_478, %get3A_479] {strides = array<i32>} : memref<800x64xf32, #tpu.memory_space<vmem>>, vector<1x16xf32>,
        %get3A_481 = vector.shape_cast %get3A_480 : vector<1x16xf32> to vector<16xf32>
        %add3A_482 = arith.addf %add3A_454, %get3A_481 : vector<16xf32>
        %add3A_483 = arith.constant 14 : i32
        %add3A_484 = arith.addi %mul3A_62, %add3A_483 : i32
        %get3A_485 = arith.index_cast %add3A_484 : i32 to index
        %get3A_486 = arith.constant 48 : index
        %get3A_487 = tpu.vector_load %arg8[%get3A_485, %get3A_486] {strides = array<i32>} : memref<800x64xf32, #tpu.memory_space<vmem>>, vector<1x16xf32>,
        %get3A_488 = vector.shape_cast %get3A_487 : vector<1x16xf32> to vector<16xf32>
        %add3A_489 = arith.addf %add3A_461, %get3A_488 : vector<16xf32>
        %add3A_490 = arith.constant 15 : i32
        %add3A_491 = arith.addi %mul3A_62, %add3A_490 : i32
        %get3A_492 = arith.index_cast %add3A_491 : i32 to index
        %get3A_493 = arith.constant 0 : index
        %get3A_494 = tpu.vector_load %arg8[%get3A_492, %get3A_493] {strides = array<i32>} : memref<800x64xf32, #tpu.memory_space<vmem>>, vector<1x16xf32>,
        %get3A_495 = vector.shape_cast %get3A_494 : vector<1x16xf32> to vector<16xf32>
        %add3A_496 = arith.addf %add3A_468, %get3A_495 : vector<16xf32>
        %add3A_497 = arith.constant 15 : i32
        %add3A_498 = arith.addi %mul3A_62, %add3A_497 : i32
        %get3A_499 = arith.index_cast %add3A_498 : i32 to index
        %get3A_500 = arith.constant 16 : index
        %get3A_501 = tpu.vector_load %arg8[%get3A_499, %get3A_500] {strides = array<i32>} : memref<800x64xf32, #tpu.memory_space<vmem>>, vector<1x16xf32>,
        %get3A_502 = vector.shape_cast %get3A_501 : vector<1x16xf32> to vector<16xf32>
        %add3A_503 = arith.addf %add3A_475, %get3A_502 : vector<16xf32>
        %add3A_504 = arith.constant 15 : i32
        %add3A_505 = arith.addi %mul3A_62, %add3A_504 : i32
        %get3A_506 = arith.index_cast %add3A_505 : i32 to index
        %get3A_507 = arith.constant 32 : index
        %get3A_508 = tpu.vector_load %arg8[%get3A_506, %get3A_507] {strides = array<i32>} : memref<800x64xf32, #tpu.memory_space<vmem>>, vector<1x16xf32>,
        %get3A_509 = vector.shape_cast %get3A_508 : vector<1x16xf32> to vector<16xf32>
        %add3A_510 = arith.addf %add3A_482, %get3A_509 : vector<16xf32>
        %add3A_511 = arith.constant 15 : i32
        %add3A_512 = arith.addi %mul3A_62, %add3A_511 : i32
        %get3A_513 = arith.index_cast %add3A_512 : i32 to index
        %get3A_514 = arith.constant 48 : index
        %get3A_515 = tpu.vector_load %arg8[%get3A_513, %get3A_514] {strides = array<i32>} : memref<800x64xf32, #tpu.memory_space<vmem>>, vector<1x16xf32>,
        %get3A_516 = vector.shape_cast %get3A_515 : vector<1x16xf32> to vector<16xf32>
        %add3A_517 = arith.addf %add3A_489, %get3A_516 : vector<16xf32>
        %add3A_518 = arith.constant 16 : i32
        %add3A_519 = arith.addi %mul3A_62, %add3A_518 : i32
        %get3A_520 = arith.index_cast %add3A_519 : i32 to index
        %get3A_521 = arith.constant 0 : index
        %get3A_522 = tpu.vector_load %arg8[%get3A_520, %get3A_521] {strides = array<i32>} : memref<800x64xf32, #tpu.memory_space<vmem>>, vector<1x16xf32>,
        %get3A_523 = vector.shape_cast %get3A_522 : vector<1x16xf32> to vector<16xf32>
        %add3A_524 = arith.addf %add3A_496, %get3A_523 : vector<16xf32>
        %add3A_525 = arith.constant 16 : i32
        %add3A_526 = arith.addi %mul3A_62, %add3A_525 : i32
        %get3A_527 = arith.index_cast %add3A_526 : i32 to index
        %get3A_528 = arith.constant 16 : index
        %get3A_529 = tpu.vector_load %arg8[%get3A_527, %get3A_528] {strides = array<i32>} : memref<800x64xf32, #tpu.memory_space<vmem>>, vector<1x16xf32>,
        %get3A_530 = vector.shape_cast %get3A_529 : vector<1x16xf32> to vector<16xf32>
        %add3A_531 = arith.addf %add3A_503, %get3A_530 : vector<16xf32>
        %add3A_532 = arith.constant 16 : i32
        %add3A_533 = arith.addi %mul3A_62, %add3A_532 : i32
        %get3A_534 = arith.index_cast %add3A_533 : i32 to index
        %get3A_535 = arith.constant 32 : index
        %get3A_536 = tpu.vector_load %arg8[%get3A_534, %get3A_535] {strides = array<i32>} : memref<800x64xf32, #tpu.memory_space<vmem>>, vector<1x16xf32>,
        %get3A_537 = vector.shape_cast %get3A_536 : vector<1x16xf32> to vector<16xf32>
        %add3A_538 = arith.addf %add3A_510, %get3A_537 : vector<16xf32>
        %add3A_539 = arith.constant 16 : i32
        %add3A_540 = arith.addi %mul3A_62, %add3A_539 : i32
        %get3A_541 = arith.index_cast %add3A_540 : i32 to index
        %get3A_542 = arith.constant 48 : index
        %get3A_543 = tpu.vector_load %arg8[%get3A_541, %get3A_542] {strides = array<i32>} : memref<800x64xf32, #tpu.memory_space<vmem>>, vector<1x16xf32>,
        %get3A_544 = vector.shape_cast %get3A_543 : vector<1x16xf32> to vector<16xf32>
        %add3A_545 = arith.addf %add3A_517, %get3A_544 : vector<16xf32>
        %add3A_546 = arith.constant 17 : i32
        %add3A_547 = arith.addi %mul3A_62, %add3A_546 : i32
        %get3A_548 = arith.index_cast %add3A_547 : i32 to index
        %get3A_549 = arith.constant 0 : index
        %get3A_550 = tpu.vector_load %arg8[%get3A_548, %get3A_549] {strides = array<i32>} : memref<800x64xf32, #tpu.memory_space<vmem>>, vector<1x16xf32>,
        %get3A_551 = vector.shape_cast %get3A_550 : vector<1x16xf32> to vector<16xf32>
        %add3A_552 = arith.addf %add3A_524, %get3A_551 : vector<16xf32>
        %add3A_553 = arith.constant 17 : i32
        %add3A_554 = arith.addi %mul3A_62, %add3A_553 : i32
        %get3A_555 = arith.index_cast %add3A_554 : i32 to index
        %get3A_556 = arith.constant 16 : index
        %get3A_557 = tpu.vector_load %arg8[%get3A_555, %get3A_556] {strides = array<i32>} : memref<800x64xf32, #tpu.memory_space<vmem>>, vector<1x16xf32>,
        %get3A_558 = vector.shape_cast %get3A_557 : vector<1x16xf32> to vector<16xf32>
        %add3A_559 = arith.addf %add3A_531, %get3A_558 : vector<16xf32>
        %add3A_560 = arith.constant 17 : i32
        %add3A_561 = arith.addi %mul3A_62, %add3A_560 : i32
        %get3A_562 = arith.index_cast %add3A_561 : i32 to index
        %get3A_563 = arith.constant 32 : index
        %get3A_564 = tpu.vector_load %arg8[%get3A_562, %get3A_563] {strides = array<i32>} : memref<800x64xf32, #tpu.memory_space<vmem>>, vector<1x16xf32>,
        %get3A_565 = vector.shape_cast %get3A_564 : vector<1x16xf32> to vector<16xf32>
        %add3A_566 = arith.addf %add3A_538, %get3A_565 : vector<16xf32>
        %add3A_567 = arith.constant 17 : i32
        %add3A_568 = arith.addi %mul3A_62, %add3A_567 : i32
        %get3A_569 = arith.index_cast %add3A_568 : i32 to index
        %get3A_570 = arith.constant 48 : index
        %get3A_571 = tpu.vector_load %arg8[%get3A_569, %get3A_570] {strides = array<i32>} : memref<800x64xf32, #tpu.memory_space<vmem>>, vector<1x16xf32>,
        %get3A_572 = vector.shape_cast %get3A_571 : vector<1x16xf32> to vector<16xf32>
        %add3A_573 = arith.addf %add3A_545, %get3A_572 : vector<16xf32>
        %add3A_574 = arith.constant 18 : i32
        %add3A_575 = arith.addi %mul3A_62, %add3A_574 : i32
        %get3A_576 = arith.index_cast %add3A_575 : i32 to index
        %get3A_577 = arith.constant 0 : index
        %get3A_578 = tpu.vector_load %arg8[%get3A_576, %get3A_577] {strides = array<i32>} : memref<800x64xf32, #tpu.memory_space<vmem>>, vector<1x16xf32>,
        %get3A_579 = vector.shape_cast %get3A_578 : vector<1x16xf32> to vector<16xf32>
        %add3A_580 = arith.addf %add3A_552, %get3A_579 : vector<16xf32>
        %add3A_581 = arith.constant 18 : i32
        %add3A_582 = arith.addi %mul3A_62, %add3A_581 : i32
        %get3A_583 = arith.index_cast %add3A_582 : i32 to index
        %get3A_584 = arith.constant 16 : index
        %get3A_585 = tpu.vector_load %arg8[%get3A_583, %get3A_584] {strides = array<i32>} : memref<800x64xf32, #tpu.memory_space<vmem>>, vector<1x16xf32>,
        %get3A_586 = vector.shape_cast %get3A_585 : vector<1x16xf32> to vector<16xf32>
        %add3A_587 = arith.addf %add3A_559, %get3A_586 : vector<16xf32>
        %add3A_588 = arith.constant 18 : i32
        %add3A_589 = arith.addi %mul3A_62, %add3A_588 : i32
        %get3A_590 = arith.index_cast %add3A_589 : i32 to index
        %get3A_591 = arith.constant 32 : index
        %get3A_592 = tpu.vector_load %arg8[%get3A_590, %get3A_591] {strides = array<i32>} : memref<800x64xf32, #tpu.memory_space<vmem>>, vector<1x16xf32>,
        %get3A_593 = vector.shape_cast %get3A_592 : vector<1x16xf32> to vector<16xf32>
        %add3A_594 = arith.addf %add3A_566, %get3A_593 : vector<16xf32>
        %add3A_595 = arith.constant 18 : i32
        %add3A_596 = arith.addi %mul3A_62, %add3A_595 : i32
        %get3A_597 = arith.index_cast %add3A_596 : i32 to index
        %get3A_598 = arith.constant 48 : index
        %get3A_599 = tpu.vector_load %arg8[%get3A_597, %get3A_598] {strides = array<i32>} : memref<800x64xf32, #tpu.memory_space<vmem>>, vector<1x16xf32>,
        %get3A_600 = vector.shape_cast %get3A_599 : vector<1x16xf32> to vector<16xf32>
        %add3A_601 = arith.addf %add3A_573, %get3A_600 : vector<16xf32>
        %add3A_602 = arith.constant 19 : i32
        %add3A_603 = arith.addi %mul3A_62, %add3A_602 : i32
        %get3A_604 = arith.index_cast %add3A_603 : i32 to index
        %get3A_605 = arith.constant 0 : index
        %get3A_606 = tpu.vector_load %arg8[%get3A_604, %get3A_605] {strides = array<i32>} : memref<800x64xf32, #tpu.memory_space<vmem>>, vector<1x16xf32>,
        %get3A_607 = vector.shape_cast %get3A_606 : vector<1x16xf32> to vector<16xf32>
        %add3A_608 = arith.addf %add3A_580, %get3A_607 : vector<16xf32>
        %add3A_609 = arith.constant 19 : i32
        %add3A_610 = arith.addi %mul3A_62, %add3A_609 : i32
        %get3A_611 = arith.index_cast %add3A_610 : i32 to index
        %get3A_612 = arith.constant 16 : index
        %get3A_613 = tpu.vector_load %arg8[%get3A_611, %get3A_612] {strides = array<i32>} : memref<800x64xf32, #tpu.memory_space<vmem>>, vector<1x16xf32>,
        %get3A_614 = vector.shape_cast %get3A_613 : vector<1x16xf32> to vector<16xf32>
        %add3A_615 = arith.addf %add3A_587, %get3A_614 : vector<16xf32>
        %add3A_616 = arith.constant 19 : i32
        %add3A_617 = arith.addi %mul3A_62, %add3A_616 : i32
        %get3A_618 = arith.index_cast %add3A_617 : i32 to index
        %get3A_619 = arith.constant 32 : index
        %get3A_620 = tpu.vector_load %arg8[%get3A_618, %get3A_619] {strides = array<i32>} : memref<800x64xf32, #tpu.memory_space<vmem>>, vector<1x16xf32>,
        %get3A_621 = vector.shape_cast %get3A_620 : vector<1x16xf32> to vector<16xf32>
        %add3A_622 = arith.addf %add3A_594, %get3A_621 : vector<16xf32>
        %add3A_623 = arith.constant 19 : i32
        %add3A_624 = arith.addi %mul3A_62, %add3A_623 : i32
        %get3A_625 = arith.index_cast %add3A_624 : i32 to index
        %get3A_626 = arith.constant 48 : index
        %get3A_627 = tpu.vector_load %arg8[%get3A_625, %get3A_626] {strides = array<i32>} : memref<800x64xf32, #tpu.memory_space<vmem>>, vector<1x16xf32>,
        %get3A_628 = vector.shape_cast %get3A_627 : vector<1x16xf32> to vector<16xf32>
        %add3A_629 = arith.addf %add3A_601, %get3A_628 : vector<16xf32>
        %add3A_630 = arith.constant 20 : i32
        %add3A_631 = arith.addi %mul3A_62, %add3A_630 : i32
        %get3A_632 = arith.index_cast %add3A_631 : i32 to index
        %get3A_633 = arith.constant 0 : index
        %get3A_634 = tpu.vector_load %arg8[%get3A_632, %get3A_633] {strides = array<i32>} : memref<800x64xf32, #tpu.memory_space<vmem>>, vector<1x16xf32>,
        %get3A_635 = vector.shape_cast %get3A_634 : vector<1x16xf32> to vector<16xf32>
        %add3A_636 = arith.addf %add3A_608, %get3A_635 : vector<16xf32>
        %add3A_637 = arith.constant 20 : i32
        %add3A_638 = arith.addi %mul3A_62, %add3A_637 : i32
        %get3A_639 = arith.index_cast %add3A_638 : i32 to index
        %get3A_640 = arith.constant 16 : index
        %get3A_641 = tpu.vector_load %arg8[%get3A_639, %get3A_640] {strides = array<i32>} : memref<800x64xf32, #tpu.memory_space<vmem>>, vector<1x16xf32>,
        %get3A_642 = vector.shape_cast %get3A_641 : vector<1x16xf32> to vector<16xf32>
        %add3A_643 = arith.addf %add3A_615, %get3A_642 : vector<16xf32>
        %add3A_644 = arith.constant 20 : i32
        %add3A_645 = arith.addi %mul3A_62, %add3A_644 : i32
        %get3A_646 = arith.index_cast %add3A_645 : i32 to index
        %get3A_647 = arith.constant 32 : index
        %get3A_648 = tpu.vector_load %arg8[%get3A_646, %get3A_647] {strides = array<i32>} : memref<800x64xf32, #tpu.memory_space<vmem>>, vector<1x16xf32>,
        %get3A_649 = vector.shape_cast %get3A_648 : vector<1x16xf32> to vector<16xf32>
        %add3A_650 = arith.addf %add3A_622, %get3A_649 : vector<16xf32>
        %add3A_651 = arith.constant 20 : i32
        %add3A_652 = arith.addi %mul3A_62, %add3A_651 : i32
        %get3A_653 = arith.index_cast %add3A_652 : i32 to index
        %get3A_654 = arith.constant 48 : index
        %get3A_655 = tpu.vector_load %arg8[%get3A_653, %get3A_654] {strides = array<i32>} : memref<800x64xf32, #tpu.memory_space<vmem>>, vector<1x16xf32>,
        %get3A_656 = vector.shape_cast %get3A_655 : vector<1x16xf32> to vector<16xf32>
        %add3A_657 = arith.addf %add3A_629, %get3A_656 : vector<16xf32>
        %add3A_658 = arith.constant 21 : i32
        %add3A_659 = arith.addi %mul3A_62, %add3A_658 : i32
        %get3A_660 = arith.index_cast %add3A_659 : i32 to index
        %get3A_661 = arith.constant 0 : index
        %get3A_662 = tpu.vector_load %arg8[%get3A_660, %get3A_661] {strides = array<i32>} : memref<800x64xf32, #tpu.memory_space<vmem>>, vector<1x16xf32>,
        %get3A_663 = vector.shape_cast %get3A_662 : vector<1x16xf32> to vector<16xf32>
        %add3A_664 = arith.addf %add3A_636, %get3A_663 : vector<16xf32>
        %add3A_665 = arith.constant 21 : i32
        %add3A_666 = arith.addi %mul3A_62, %add3A_665 : i32
        %get3A_667 = arith.index_cast %add3A_666 : i32 to index
        %get3A_668 = arith.constant 16 : index
        %get3A_669 = tpu.vector_load %arg8[%get3A_667, %get3A_668] {strides = array<i32>} : memref<800x64xf32, #tpu.memory_space<vmem>>, vector<1x16xf32>,
        %get3A_670 = vector.shape_cast %get3A_669 : vector<1x16xf32> to vector<16xf32>
        %add3A_671 = arith.addf %add3A_643, %get3A_670 : vector<16xf32>
        %add3A_672 = arith.constant 21 : i32
        %add3A_673 = arith.addi %mul3A_62, %add3A_672 : i32
        %get3A_674 = arith.index_cast %add3A_673 : i32 to index
        %get3A_675 = arith.constant 32 : index
        %get3A_676 = tpu.vector_load %arg8[%get3A_674, %get3A_675] {strides = array<i32>} : memref<800x64xf32, #tpu.memory_space<vmem>>, vector<1x16xf32>,
        %get3A_677 = vector.shape_cast %get3A_676 : vector<1x16xf32> to vector<16xf32>
        %add3A_678 = arith.addf %add3A_650, %get3A_677 : vector<16xf32>
        %add3A_679 = arith.constant 21 : i32
        %add3A_680 = arith.addi %mul3A_62, %add3A_679 : i32
        %get3A_681 = arith.index_cast %add3A_680 : i32 to index
        %get3A_682 = arith.constant 48 : index
        %get3A_683 = tpu.vector_load %arg8[%get3A_681, %get3A_682] {strides = array<i32>} : memref<800x64xf32, #tpu.memory_space<vmem>>, vector<1x16xf32>,
        %get3A_684 = vector.shape_cast %get3A_683 : vector<1x16xf32> to vector<16xf32>
        %add3A_685 = arith.addf %add3A_657, %get3A_684 : vector<16xf32>
        %add3A_686 = arith.constant 22 : i32
        %add3A_687 = arith.addi %mul3A_62, %add3A_686 : i32
        %get3A_688 = arith.index_cast %add3A_687 : i32 to index
        %get3A_689 = arith.constant 0 : index
        %get3A_690 = tpu.vector_load %arg8[%get3A_688, %get3A_689] {strides = array<i32>} : memref<800x64xf32, #tpu.memory_space<vmem>>, vector<1x16xf32>,
        %get3A_691 = vector.shape_cast %get3A_690 : vector<1x16xf32> to vector<16xf32>
        %add3A_692 = arith.addf %add3A_664, %get3A_691 : vector<16xf32>
        %add3A_693 = arith.constant 22 : i32
        %add3A_694 = arith.addi %mul3A_62, %add3A_693 : i32
        %get3A_695 = arith.index_cast %add3A_694 : i32 to index
        %get3A_696 = arith.constant 16 : index
        %get3A_697 = tpu.vector_load %arg8[%get3A_695, %get3A_696] {strides = array<i32>} : memref<800x64xf32, #tpu.memory_space<vmem>>, vector<1x16xf32>,
        %get3A_698 = vector.shape_cast %get3A_697 : vector<1x16xf32> to vector<16xf32>
        %add3A_699 = arith.addf %add3A_671, %get3A_698 : vector<16xf32>
        %add3A_700 = arith.constant 22 : i32
        %add3A_701 = arith.addi %mul3A_62, %add3A_700 : i32
        %get3A_702 = arith.index_cast %add3A_701 : i32 to index
        %get3A_703 = arith.constant 32 : index
        %get3A_704 = tpu.vector_load %arg8[%get3A_702, %get3A_703] {strides = array<i32>} : memref<800x64xf32, #tpu.memory_space<vmem>>, vector<1x16xf32>,
        %get3A_705 = vector.shape_cast %get3A_704 : vector<1x16xf32> to vector<16xf32>
        %add3A_706 = arith.addf %add3A_678, %get3A_705 : vector<16xf32>
        %add3A_707 = arith.constant 22 : i32
        %add3A_708 = arith.addi %mul3A_62, %add3A_707 : i32
        %get3A_709 = arith.index_cast %add3A_708 : i32 to index
        %get3A_710 = arith.constant 48 : index
        %get3A_711 = tpu.vector_load %arg8[%get3A_709, %get3A_710] {strides = array<i32>} : memref<800x64xf32, #tpu.memory_space<vmem>>, vector<1x16xf32>,
        %get3A_712 = vector.shape_cast %get3A_711 : vector<1x16xf32> to vector<16xf32>
        %add3A_713 = arith.addf %add3A_685, %get3A_712 : vector<16xf32>
        %add3A_714 = arith.constant 23 : i32
        %add3A_715 = arith.addi %mul3A_62, %add3A_714 : i32
        %get3A_716 = arith.index_cast %add3A_715 : i32 to index
        %get3A_717 = arith.constant 0 : index
        %get3A_718 = tpu.vector_load %arg8[%get3A_716, %get3A_717] {strides = array<i32>} : memref<800x64xf32, #tpu.memory_space<vmem>>, vector<1x16xf32>,
        %get3A_719 = vector.shape_cast %get3A_718 : vector<1x16xf32> to vector<16xf32>
        %add3A_720 = arith.addf %add3A_692, %get3A_719 : vector<16xf32>
        %add3A_721 = arith.constant 23 : i32
        %add3A_722 = arith.addi %mul3A_62, %add3A_721 : i32
        %get3A_723 = arith.index_cast %add3A_722 : i32 to index
        %get3A_724 = arith.constant 16 : index
        %get3A_725 = tpu.vector_load %arg8[%get3A_723, %get3A_724] {strides = array<i32>} : memref<800x64xf32, #tpu.memory_space<vmem>>, vector<1x16xf32>,
        %get3A_726 = vector.shape_cast %get3A_725 : vector<1x16xf32> to vector<16xf32>
        %add3A_727 = arith.addf %add3A_699, %get3A_726 : vector<16xf32>
        %add3A_728 = arith.constant 23 : i32
        %add3A_729 = arith.addi %mul3A_62, %add3A_728 : i32
        %get3A_730 = arith.index_cast %add3A_729 : i32 to index
        %get3A_731 = arith.constant 32 : index
        %get3A_732 = tpu.vector_load %arg8[%get3A_730, %get3A_731] {strides = array<i32>} : memref<800x64xf32, #tpu.memory_space<vmem>>, vector<1x16xf32>,
        %get3A_733 = vector.shape_cast %get3A_732 : vector<1x16xf32> to vector<16xf32>
        %add3A_734 = arith.addf %add3A_706, %get3A_733 : vector<16xf32>
        %add3A_735 = arith.constant 23 : i32
        %add3A_736 = arith.addi %mul3A_62, %add3A_735 : i32
        %get3A_737 = arith.index_cast %add3A_736 : i32 to index
        %get3A_738 = arith.constant 48 : index
        %get3A_739 = tpu.vector_load %arg8[%get3A_737, %get3A_738] {strides = array<i32>} : memref<800x64xf32, #tpu.memory_space<vmem>>, vector<1x16xf32>,
        %get3A_740 = vector.shape_cast %get3A_739 : vector<1x16xf32> to vector<16xf32>
        %add3A_741 = arith.addf %add3A_713, %get3A_740 : vector<16xf32>
        %add3A_742 = arith.constant 24 : i32
        %add3A_743 = arith.addi %mul3A_62, %add3A_742 : i32
        %get3A_744 = arith.index_cast %add3A_743 : i32 to index
        %get3A_745 = arith.constant 0 : index
        %get3A_746 = tpu.vector_load %arg8[%get3A_744, %get3A_745] {strides = array<i32>} : memref<800x64xf32, #tpu.memory_space<vmem>>, vector<1x16xf32>,
        %get3A_747 = vector.shape_cast %get3A_746 : vector<1x16xf32> to vector<16xf32>
        %add3A_748 = arith.addf %add3A_720, %get3A_747 : vector<16xf32>
        %add3A_749 = arith.constant 24 : i32
        %add3A_750 = arith.addi %mul3A_62, %add3A_749 : i32
        %get3A_751 = arith.index_cast %add3A_750 : i32 to index
        %get3A_752 = arith.constant 16 : index
        %get3A_753 = tpu.vector_load %arg8[%get3A_751, %get3A_752] {strides = array<i32>} : memref<800x64xf32, #tpu.memory_space<vmem>>, vector<1x16xf32>,
        %get3A_754 = vector.shape_cast %get3A_753 : vector<1x16xf32> to vector<16xf32>
        %add3A_755 = arith.addf %add3A_727, %get3A_754 : vector<16xf32>
        %add3A_756 = arith.constant 24 : i32
        %add3A_757 = arith.addi %mul3A_62, %add3A_756 : i32
        %get3A_758 = arith.index_cast %add3A_757 : i32 to index
        %get3A_759 = arith.constant 32 : index
        %get3A_760 = tpu.vector_load %arg8[%get3A_758, %get3A_759] {strides = array<i32>} : memref<800x64xf32, #tpu.memory_space<vmem>>, vector<1x16xf32>,
        %get3A_761 = vector.shape_cast %get3A_760 : vector<1x16xf32> to vector<16xf32>
        %add3A_762 = arith.addf %add3A_734, %get3A_761 : vector<16xf32>
        %add3A_763 = arith.constant 24 : i32
        %add3A_764 = arith.addi %mul3A_62, %add3A_763 : i32
        %get3A_765 = arith.index_cast %add3A_764 : i32 to index
        %get3A_766 = arith.constant 48 : index
        %get3A_767 = tpu.vector_load %arg8[%get3A_765, %get3A_766] {strides = array<i32>} : memref<800x64xf32, #tpu.memory_space<vmem>>, vector<1x16xf32>,
        %get3A_768 = vector.shape_cast %get3A_767 : vector<1x16xf32> to vector<16xf32>
        %add3A_769 = arith.addf %add3A_741, %get3A_768 : vector<16xf32>
        %add3A_770 = arith.constant 25 : i32
        %add3A_771 = arith.addi %mul3A_62, %add3A_770 : i32
        %get3A_772 = arith.index_cast %add3A_771 : i32 to index
        %get3A_773 = arith.constant 0 : index
        %get3A_774 = tpu.vector_load %arg8[%get3A_772, %get3A_773] {strides = array<i32>} : memref<800x64xf32, #tpu.memory_space<vmem>>, vector<1x16xf32>,
        %get3A_775 = vector.shape_cast %get3A_774 : vector<1x16xf32> to vector<16xf32>
        %add3A_776 = arith.addf %add3A_748, %get3A_775 : vector<16xf32>
        %add3A_777 = arith.constant 25 : i32
        %add3A_778 = arith.addi %mul3A_62, %add3A_777 : i32
        %get3A_779 = arith.index_cast %add3A_778 : i32 to index
        %get3A_780 = arith.constant 16 : index
        %get3A_781 = tpu.vector_load %arg8[%get3A_779, %get3A_780] {strides = array<i32>} : memref<800x64xf32, #tpu.memory_space<vmem>>, vector<1x16xf32>,
        %get3A_782 = vector.shape_cast %get3A_781 : vector<1x16xf32> to vector<16xf32>
        %add3A_783 = arith.addf %add3A_755, %get3A_782 : vector<16xf32>
        %add3A_784 = arith.constant 25 : i32
        %add3A_785 = arith.addi %mul3A_62, %add3A_784 : i32
        %get3A_786 = arith.index_cast %add3A_785 : i32 to index
        %get3A_787 = arith.constant 32 : index
        %get3A_788 = tpu.vector_load %arg8[%get3A_786, %get3A_787] {strides = array<i32>} : memref<800x64xf32, #tpu.memory_space<vmem>>, vector<1x16xf32>,
        %get3A_789 = vector.shape_cast %get3A_788 : vector<1x16xf32> to vector<16xf32>
        %add3A_790 = arith.addf %add3A_762, %get3A_789 : vector<16xf32>
        %add3A_791 = arith.constant 25 : i32
        %add3A_792 = arith.addi %mul3A_62, %add3A_791 : i32
        %get3A_793 = arith.index_cast %add3A_792 : i32 to index
        %get3A_794 = arith.constant 48 : index
        %get3A_795 = tpu.vector_load %arg8[%get3A_793, %get3A_794] {strides = array<i32>} : memref<800x64xf32, #tpu.memory_space<vmem>>, vector<1x16xf32>,
        %get3A_796 = vector.shape_cast %get3A_795 : vector<1x16xf32> to vector<16xf32>
        %add3A_797 = arith.addf %add3A_769, %get3A_796 : vector<16xf32>
        %add3A_798 = arith.constant 26 : i32
        %add3A_799 = arith.addi %mul3A_62, %add3A_798 : i32
        %get3A_800 = arith.index_cast %add3A_799 : i32 to index
        %get3A_801 = arith.constant 0 : index
        %get3A_802 = tpu.vector_load %arg8[%get3A_800, %get3A_801] {strides = array<i32>} : memref<800x64xf32, #tpu.memory_space<vmem>>, vector<1x16xf32>,
        %get3A_803 = vector.shape_cast %get3A_802 : vector<1x16xf32> to vector<16xf32>
        %add3A_804 = arith.addf %add3A_776, %get3A_803 : vector<16xf32>
        %add3A_805 = arith.constant 26 : i32
        %add3A_806 = arith.addi %mul3A_62, %add3A_805 : i32
        %get3A_807 = arith.index_cast %add3A_806 : i32 to index
        %get3A_808 = arith.constant 16 : index
        %get3A_809 = tpu.vector_load %arg8[%get3A_807, %get3A_808] {strides = array<i32>} : memref<800x64xf32, #tpu.memory_space<vmem>>, vector<1x16xf32>,
        %get3A_810 = vector.shape_cast %get3A_809 : vector<1x16xf32> to vector<16xf32>
        %add3A_811 = arith.addf %add3A_783, %get3A_810 : vector<16xf32>
        %add3A_812 = arith.constant 26 : i32
        %add3A_813 = arith.addi %mul3A_62, %add3A_812 : i32
        %get3A_814 = arith.index_cast %add3A_813 : i32 to index
        %get3A_815 = arith.constant 32 : index
        %get3A_816 = tpu.vector_load %arg8[%get3A_814, %get3A_815] {strides = array<i32>} : memref<800x64xf32, #tpu.memory_space<vmem>>, vector<1x16xf32>,
        %get3A_817 = vector.shape_cast %get3A_816 : vector<1x16xf32> to vector<16xf32>
        %add3A_818 = arith.addf %add3A_790, %get3A_817 : vector<16xf32>
        %add3A_819 = arith.constant 26 : i32
        %add3A_820 = arith.addi %mul3A_62, %add3A_819 : i32
        %get3A_821 = arith.index_cast %add3A_820 : i32 to index
        %get3A_822 = arith.constant 48 : index
        %get3A_823 = tpu.vector_load %arg8[%get3A_821, %get3A_822] {strides = array<i32>} : memref<800x64xf32, #tpu.memory_space<vmem>>, vector<1x16xf32>,
        %get3A_824 = vector.shape_cast %get3A_823 : vector<1x16xf32> to vector<16xf32>
        %add3A_825 = arith.addf %add3A_797, %get3A_824 : vector<16xf32>
        %add3A_826 = arith.constant 27 : i32
        %add3A_827 = arith.addi %mul3A_62, %add3A_826 : i32
        %get3A_828 = arith.index_cast %add3A_827 : i32 to index
        %get3A_829 = arith.constant 0 : index
        %get3A_830 = tpu.vector_load %arg8[%get3A_828, %get3A_829] {strides = array<i32>} : memref<800x64xf32, #tpu.memory_space<vmem>>, vector<1x16xf32>,
        %get3A_831 = vector.shape_cast %get3A_830 : vector<1x16xf32> to vector<16xf32>
        %add3A_832 = arith.addf %add3A_804, %get3A_831 : vector<16xf32>
        %add3A_833 = arith.constant 27 : i32
        %add3A_834 = arith.addi %mul3A_62, %add3A_833 : i32
        %get3A_835 = arith.index_cast %add3A_834 : i32 to index
        %get3A_836 = arith.constant 16 : index
        %get3A_837 = tpu.vector_load %arg8[%get3A_835, %get3A_836] {strides = array<i32>} : memref<800x64xf32, #tpu.memory_space<vmem>>, vector<1x16xf32>,
        %get3A_838 = vector.shape_cast %get3A_837 : vector<1x16xf32> to vector<16xf32>
        %add3A_839 = arith.addf %add3A_811, %get3A_838 : vector<16xf32>
        %add3A_840 = arith.constant 27 : i32
        %add3A_841 = arith.addi %mul3A_62, %add3A_840 : i32
        %get3A_842 = arith.index_cast %add3A_841 : i32 to index
        %get3A_843 = arith.constant 32 : index
        %get3A_844 = tpu.vector_load %arg8[%get3A_842, %get3A_843] {strides = array<i32>} : memref<800x64xf32, #tpu.memory_space<vmem>>, vector<1x16xf32>,
        %get3A_845 = vector.shape_cast %get3A_844 : vector<1x16xf32> to vector<16xf32>
        %add3A_846 = arith.addf %add3A_818, %get3A_845 : vector<16xf32>
        %add3A_847 = arith.constant 27 : i32
        %add3A_848 = arith.addi %mul3A_62, %add3A_847 : i32
        %get3A_849 = arith.index_cast %add3A_848 : i32 to index
        %get3A_850 = arith.constant 48 : index
        %get3A_851 = tpu.vector_load %arg8[%get3A_849, %get3A_850] {strides = array<i32>} : memref<800x64xf32, #tpu.memory_space<vmem>>, vector<1x16xf32>,
        %get3A_852 = vector.shape_cast %get3A_851 : vector<1x16xf32> to vector<16xf32>
        %add3A_853 = arith.addf %add3A_825, %get3A_852 : vector<16xf32>
        %add3A_854 = arith.constant 28 : i32
        %add3A_855 = arith.addi %mul3A_62, %add3A_854 : i32
        %get3A_856 = arith.index_cast %add3A_855 : i32 to index
        %get3A_857 = arith.constant 0 : index
        %get3A_858 = tpu.vector_load %arg8[%get3A_856, %get3A_857] {strides = array<i32>} : memref<800x64xf32, #tpu.memory_space<vmem>>, vector<1x16xf32>,
        %get3A_859 = vector.shape_cast %get3A_858 : vector<1x16xf32> to vector<16xf32>
        %add3A_860 = arith.addf %add3A_832, %get3A_859 : vector<16xf32>
        %add3A_861 = arith.constant 28 : i32
        %add3A_862 = arith.addi %mul3A_62, %add3A_861 : i32
        %get3A_863 = arith.index_cast %add3A_862 : i32 to index
        %get3A_864 = arith.constant 16 : index
        %get3A_865 = tpu.vector_load %arg8[%get3A_863, %get3A_864] {strides = array<i32>} : memref<800x64xf32, #tpu.memory_space<vmem>>, vector<1x16xf32>,
        %get3A_866 = vector.shape_cast %get3A_865 : vector<1x16xf32> to vector<16xf32>
        %add3A_867 = arith.addf %add3A_839, %get3A_866 : vector<16xf32>
        %add3A_868 = arith.constant 28 : i32
        %add3A_869 = arith.addi %mul3A_62, %add3A_868 : i32
        %get3A_870 = arith.index_cast %add3A_869 : i32 to index
        %get3A_871 = arith.constant 32 : index
        %get3A_872 = tpu.vector_load %arg8[%get3A_870, %get3A_871] {strides = array<i32>} : memref<800x64xf32, #tpu.memory_space<vmem>>, vector<1x16xf32>,
        %get3A_873 = vector.shape_cast %get3A_872 : vector<1x16xf32> to vector<16xf32>
        %add3A_874 = arith.addf %add3A_846, %get3A_873 : vector<16xf32>
        %add3A_875 = arith.constant 28 : i32
        %add3A_876 = arith.addi %mul3A_62, %add3A_875 : i32
        %get3A_877 = arith.index_cast %add3A_876 : i32 to index
        %get3A_878 = arith.constant 48 : index
        %get3A_879 = tpu.vector_load %arg8[%get3A_877, %get3A_878] {strides = array<i32>} : memref<800x64xf32, #tpu.memory_space<vmem>>, vector<1x16xf32>,
        %get3A_880 = vector.shape_cast %get3A_879 : vector<1x16xf32> to vector<16xf32>
        %add3A_881 = arith.addf %add3A_853, %get3A_880 : vector<16xf32>
        %add3A_882 = arith.constant 29 : i32
        %add3A_883 = arith.addi %mul3A_62, %add3A_882 : i32
        %get3A_884 = arith.index_cast %add3A_883 : i32 to index
        %get3A_885 = arith.constant 0 : index
        %get3A_886 = tpu.vector_load %arg8[%get3A_884, %get3A_885] {strides = array<i32>} : memref<800x64xf32, #tpu.memory_space<vmem>>, vector<1x16xf32>,
        %get3A_887 = vector.shape_cast %get3A_886 : vector<1x16xf32> to vector<16xf32>
        %add3A_888 = arith.addf %add3A_860, %get3A_887 : vector<16xf32>
        %add3A_889 = arith.constant 29 : i32
        %add3A_890 = arith.addi %mul3A_62, %add3A_889 : i32
        %get3A_891 = arith.index_cast %add3A_890 : i32 to index
        %get3A_892 = arith.constant 16 : index
        %get3A_893 = tpu.vector_load %arg8[%get3A_891, %get3A_892] {strides = array<i32>} : memref<800x64xf32, #tpu.memory_space<vmem>>, vector<1x16xf32>,
        %get3A_894 = vector.shape_cast %get3A_893 : vector<1x16xf32> to vector<16xf32>
        %add3A_895 = arith.addf %add3A_867, %get3A_894 : vector<16xf32>
        %add3A_896 = arith.constant 29 : i32
        %add3A_897 = arith.addi %mul3A_62, %add3A_896 : i32
        %get3A_898 = arith.index_cast %add3A_897 : i32 to index
        %get3A_899 = arith.constant 32 : index
        %get3A_900 = tpu.vector_load %arg8[%get3A_898, %get3A_899] {strides = array<i32>} : memref<800x64xf32, #tpu.memory_space<vmem>>, vector<1x16xf32>,
        %get3A_901 = vector.shape_cast %get3A_900 : vector<1x16xf32> to vector<16xf32>
        %add3A_902 = arith.addf %add3A_874, %get3A_901 : vector<16xf32>
        %add3A_903 = arith.constant 29 : i32
        %add3A_904 = arith.addi %mul3A_62, %add3A_903 : i32
        %get3A_905 = arith.index_cast %add3A_904 : i32 to index
        %get3A_906 = arith.constant 48 : index
        %get3A_907 = tpu.vector_load %arg8[%get3A_905, %get3A_906] {strides = array<i32>} : memref<800x64xf32, #tpu.memory_space<vmem>>, vector<1x16xf32>,
        %get3A_908 = vector.shape_cast %get3A_907 : vector<1x16xf32> to vector<16xf32>
        %add3A_909 = arith.addf %add3A_881, %get3A_908 : vector<16xf32>
        %add3A_910 = arith.constant 30 : i32
        %add3A_911 = arith.addi %mul3A_62, %add3A_910 : i32
        %get3A_912 = arith.index_cast %add3A_911 : i32 to index
        %get3A_913 = arith.constant 0 : index
        %get3A_914 = tpu.vector_load %arg8[%get3A_912, %get3A_913] {strides = array<i32>} : memref<800x64xf32, #tpu.memory_space<vmem>>, vector<1x16xf32>,
        %get3A_915 = vector.shape_cast %get3A_914 : vector<1x16xf32> to vector<16xf32>
        %add3A_916 = arith.addf %add3A_888, %get3A_915 : vector<16xf32>
        %add3A_917 = arith.constant 30 : i32
        %add3A_918 = arith.addi %mul3A_62, %add3A_917 : i32
        %get3A_919 = arith.index_cast %add3A_918 : i32 to index
        %get3A_920 = arith.constant 16 : index
        %get3A_921 = tpu.vector_load %arg8[%get3A_919, %get3A_920] {strides = array<i32>} : memref<800x64xf32, #tpu.memory_space<vmem>>, vector<1x16xf32>,
        %get3A_922 = vector.shape_cast %get3A_921 : vector<1x16xf32> to vector<16xf32>
        %add3A_923 = arith.addf %add3A_895, %get3A_922 : vector<16xf32>
        %add3A_924 = arith.constant 30 : i32
        %add3A_925 = arith.addi %mul3A_62, %add3A_924 : i32
        %get3A_926 = arith.index_cast %add3A_925 : i32 to index
        %get3A_927 = arith.constant 32 : index
        %get3A_928 = tpu.vector_load %arg8[%get3A_926, %get3A_927] {strides = array<i32>} : memref<800x64xf32, #tpu.memory_space<vmem>>, vector<1x16xf32>,
        %get3A_929 = vector.shape_cast %get3A_928 : vector<1x16xf32> to vector<16xf32>
        %add3A_930 = arith.addf %add3A_902, %get3A_929 : vector<16xf32>
        %add3A_931 = arith.constant 30 : i32
        %add3A_932 = arith.addi %mul3A_62, %add3A_931 : i32
        %get3A_933 = arith.index_cast %add3A_932 : i32 to index
        %get3A_934 = arith.constant 48 : index
        %get3A_935 = tpu.vector_load %arg8[%get3A_933, %get3A_934] {strides = array<i32>} : memref<800x64xf32, #tpu.memory_space<vmem>>, vector<1x16xf32>,
        %get3A_936 = vector.shape_cast %get3A_935 : vector<1x16xf32> to vector<16xf32>
        %add3A_937 = arith.addf %add3A_909, %get3A_936 : vector<16xf32>
        %add3A_938 = arith.constant 31 : i32
        %add3A_939 = arith.addi %mul3A_62, %add3A_938 : i32
        %get3A_940 = arith.index_cast %add3A_939 : i32 to index
        %get3A_941 = arith.constant 0 : index
        %get3A_942 = tpu.vector_load %arg8[%get3A_940, %get3A_941] {strides = array<i32>} : memref<800x64xf32, #tpu.memory_space<vmem>>, vector<1x16xf32>,
        %get3A_943 = vector.shape_cast %get3A_942 : vector<1x16xf32> to vector<16xf32>
        %add3A_944 = arith.addf %add3A_916, %get3A_943 : vector<16xf32>
        %add3A_945 = arith.constant 31 : i32
        %add3A_946 = arith.addi %mul3A_62, %add3A_945 : i32
        %get3A_947 = arith.index_cast %add3A_946 : i32 to index
        %get3A_948 = arith.constant 16 : index
        %get3A_949 = tpu.vector_load %arg8[%get3A_947, %get3A_948] {strides = array<i32>} : memref<800x64xf32, #tpu.memory_space<vmem>>, vector<1x16xf32>,
        %get3A_950 = vector.shape_cast %get3A_949 : vector<1x16xf32> to vector<16xf32>
        %add3A_951 = arith.addf %add3A_923, %get3A_950 : vector<16xf32>
        %add3A_952 = arith.constant 31 : i32
        %add3A_953 = arith.addi %mul3A_62, %add3A_952 : i32
        %get3A_954 = arith.index_cast %add3A_953 : i32 to index
        %get3A_955 = arith.constant 32 : index
        %get3A_956 = tpu.vector_load %arg8[%get3A_954, %get3A_955] {strides = array<i32>} : memref<800x64xf32, #tpu.memory_space<vmem>>, vector<1x16xf32>,
        %get3A_957 = vector.shape_cast %get3A_956 : vector<1x16xf32> to vector<16xf32>
        %add3A_958 = arith.addf %add3A_930, %get3A_957 : vector<16xf32>
        %add3A_959 = arith.constant 31 : i32
        %add3A_960 = arith.addi %mul3A_62, %add3A_959 : i32
        %get3A_961 = arith.index_cast %add3A_960 : i32 to index
        %get3A_962 = arith.constant 48 : index
        %get3A_963 = tpu.vector_load %arg8[%get3A_961, %get3A_962] {strides = array<i32>} : memref<800x64xf32, #tpu.memory_space<vmem>>, vector<1x16xf32>,
        %get3A_964 = vector.shape_cast %get3A_963 : vector<1x16xf32> to vector<16xf32>
        %add3A_965 = arith.addf %add3A_937, %get3A_964 : vector<16xf32>
        %add3A_966 = arith.constant 32 : i32
        %add3A_967 = arith.addi %mul3A_62, %add3A_966 : i32
        %get3A_968 = arith.index_cast %add3A_967 : i32 to index
        %get3A_969 = arith.constant 0 : index
        %get3A_970 = tpu.vector_load %arg8[%get3A_968, %get3A_969] {strides = array<i32>} : memref<800x64xf32, #tpu.memory_space<vmem>>, vector<1x16xf32>,
        %get3A_971 = vector.shape_cast %get3A_970 : vector<1x16xf32> to vector<16xf32>
        %add3A_972 = arith.addf %add3A_944, %get3A_971 : vector<16xf32>
        %add3A_973 = arith.constant 32 : i32
        %add3A_974 = arith.addi %mul3A_62, %add3A_973 : i32
        %get3A_975 = arith.index_cast %add3A_974 : i32 to index
        %get3A_976 = arith.constant 16 : index
        %get3A_977 = tpu.vector_load %arg8[%get3A_975, %get3A_976] {strides = array<i32>} : memref<800x64xf32, #tpu.memory_space<vmem>>, vector<1x16xf32>,
        %get3A_978 = vector.shape_cast %get3A_977 : vector<1x16xf32> to vector<16xf32>
        %add3A_979 = arith.addf %add3A_951, %get3A_978 : vector<16xf32>
        %add3A_980 = arith.constant 32 : i32
        %add3A_981 = arith.addi %mul3A_62, %add3A_980 : i32
        %get3A_982 = arith.index_cast %add3A_981 : i32 to index
        %get3A_983 = arith.constant 32 : index
        %get3A_984 = tpu.vector_load %arg8[%get3A_982, %get3A_983] {strides = array<i32>} : memref<800x64xf32, #tpu.memory_space<vmem>>, vector<1x16xf32>,
        %get3A_985 = vector.shape_cast %get3A_984 : vector<1x16xf32> to vector<16xf32>
        %add3A_986 = arith.addf %add3A_958, %get3A_985 : vector<16xf32>
        %add3A_987 = arith.constant 32 : i32
        %add3A_988 = arith.addi %mul3A_62, %add3A_987 : i32
        %get3A_989 = arith.index_cast %add3A_988 : i32 to index
        %get3A_990 = arith.constant 48 : index
        %get3A_991 = tpu.vector_load %arg8[%get3A_989, %get3A_990] {strides = array<i32>} : memref<800x64xf32, #tpu.memory_space<vmem>>, vector<1x16xf32>,
        %get3A_992 = vector.shape_cast %get3A_991 : vector<1x16xf32> to vector<16xf32>
        %add3A_993 = arith.addf %add3A_965, %get3A_992 : vector<16xf32>
        %add3A_994 = arith.constant 33 : i32
        %add3A_995 = arith.addi %mul3A_62, %add3A_994 : i32
        %get3A_996 = arith.index_cast %add3A_995 : i32 to index
        %get3A_997 = arith.constant 0 : index
        %get3A_998 = tpu.vector_load %arg8[%get3A_996, %get3A_997] {strides = array<i32>} : memref<800x64xf32, #tpu.memory_space<vmem>>, vector<1x16xf32>,
        %get3A_999 = vector.shape_cast %get3A_998 : vector<1x16xf32> to vector<16xf32>
        %add3A_1000 = arith.addf %add3A_972, %get3A_999 : vector<16xf32>
        %add3A_1001 = arith.constant 33 : i32
        %add3A_1002 = arith.addi %mul3A_62, %add3A_1001 : i32
        %get3A_1003 = arith.index_cast %add3A_1002 : i32 to index
        %get3A_1004 = arith.constant 16 : index
        %get3A_1005 = tpu.vector_load %arg8[%get3A_1003, %get3A_1004] {strides = array<i32>} : memref<800x64xf32, #tpu.memory_space<vmem>>, vector<1x16xf32>,
        %get3A_1006 = vector.shape_cast %get3A_1005 : vector<1x16xf32> to vector<16xf32>
        %add3A_1007 = arith.addf %add3A_979, %get3A_1006 : vector<16xf32>
        %add3A_1008 = arith.constant 33 : i32
        %add3A_1009 = arith.addi %mul3A_62, %add3A_1008 : i32
        %get3A_1010 = arith.index_cast %add3A_1009 : i32 to index
        %get3A_1011 = arith.constant 32 : index
        %get3A_1012 = tpu.vector_load %arg8[%get3A_1010, %get3A_1011] {strides = array<i32>} : memref<800x64xf32, #tpu.memory_space<vmem>>, vector<1x16xf32>,
        %get3A_1013 = vector.shape_cast %get3A_1012 : vector<1x16xf32> to vector<16xf32>
        %add3A_1014 = arith.addf %add3A_986, %get3A_1013 : vector<16xf32>
        %add3A_1015 = arith.constant 33 : i32
        %add3A_1016 = arith.addi %mul3A_62, %add3A_1015 : i32
        %get3A_1017 = arith.index_cast %add3A_1016 : i32 to index
        %get3A_1018 = arith.constant 48 : index
        %get3A_1019 = tpu.vector_load %arg8[%get3A_1017, %get3A_1018] {strides = array<i32>} : memref<800x64xf32, #tpu.memory_space<vmem>>, vector<1x16xf32>,
        %get3A_1020 = vector.shape_cast %get3A_1019 : vector<1x16xf32> to vector<16xf32>
        %add3A_1021 = arith.addf %add3A_993, %get3A_1020 : vector<16xf32>
        %add3A_1022 = arith.constant 34 : i32
        %add3A_1023 = arith.addi %mul3A_62, %add3A_1022 : i32
        %get3A_1024 = arith.index_cast %add3A_1023 : i32 to index
        %get3A_1025 = arith.constant 0 : index
        %get3A_1026 = tpu.vector_load %arg8[%get3A_1024, %get3A_1025] {strides = array<i32>} : memref<800x64xf32, #tpu.memory_space<vmem>>, vector<1x16xf32>,
        %get3A_1027 = vector.shape_cast %get3A_1026 : vector<1x16xf32> to vector<16xf32>
        %add3A_1028 = arith.addf %add3A_1000, %get3A_1027 : vector<16xf32>
        %add3A_1029 = arith.constant 34 : i32
        %add3A_1030 = arith.addi %mul3A_62, %add3A_1029 : i32
        %get3A_1031 = arith.index_cast %add3A_1030 : i32 to index
        %get3A_1032 = arith.constant 16 : index
        %get3A_1033 = tpu.vector_load %arg8[%get3A_1031, %get3A_1032] {strides = array<i32>} : memref<800x64xf32, #tpu.memory_space<vmem>>, vector<1x16xf32>,
        %get3A_1034 = vector.shape_cast %get3A_1033 : vector<1x16xf32> to vector<16xf32>
        %add3A_1035 = arith.addf %add3A_1007, %get3A_1034 : vector<16xf32>
        %add3A_1036 = arith.constant 34 : i32
        %add3A_1037 = arith.addi %mul3A_62, %add3A_1036 : i32
        %get3A_1038 = arith.index_cast %add3A_1037 : i32 to index
        %get3A_1039 = arith.constant 32 : index
        %get3A_1040 = tpu.vector_load %arg8[%get3A_1038, %get3A_1039] {strides = array<i32>} : memref<800x64xf32, #tpu.memory_space<vmem>>, vector<1x16xf32>,
        %get3A_1041 = vector.shape_cast %get3A_1040 : vector<1x16xf32> to vector<16xf32>
        %add3A_1042 = arith.addf %add3A_1014, %get3A_1041 : vector<16xf32>
        %add3A_1043 = arith.constant 34 : i32
        %add3A_1044 = arith.addi %mul3A_62, %add3A_1043 : i32
        %get3A_1045 = arith.index_cast %add3A_1044 : i32 to index
        %get3A_1046 = arith.constant 48 : index
        %get3A_1047 = tpu.vector_load %arg8[%get3A_1045, %get3A_1046] {strides = array<i32>} : memref<800x64xf32, #tpu.memory_space<vmem>>, vector<1x16xf32>,
        %get3A_1048 = vector.shape_cast %get3A_1047 : vector<1x16xf32> to vector<16xf32>
        %add3A_1049 = arith.addf %add3A_1021, %get3A_1048 : vector<16xf32>
        %add3A_1050 = arith.constant 35 : i32
        %add3A_1051 = arith.addi %mul3A_62, %add3A_1050 : i32
        %get3A_1052 = arith.index_cast %add3A_1051 : i32 to index
        %get3A_1053 = arith.constant 0 : index
        %get3A_1054 = tpu.vector_load %arg8[%get3A_1052, %get3A_1053] {strides = array<i32>} : memref<800x64xf32, #tpu.memory_space<vmem>>, vector<1x16xf32>,
        %get3A_1055 = vector.shape_cast %get3A_1054 : vector<1x16xf32> to vector<16xf32>
        %add3A_1056 = arith.addf %add3A_1028, %get3A_1055 : vector<16xf32>
        %add3A_1057 = arith.constant 35 : i32
        %add3A_1058 = arith.addi %mul3A_62, %add3A_1057 : i32
        %get3A_1059 = arith.index_cast %add3A_1058 : i32 to index
        %get3A_1060 = arith.constant 16 : index
        %get3A_1061 = tpu.vector_load %arg8[%get3A_1059, %get3A_1060] {strides = array<i32>} : memref<800x64xf32, #tpu.memory_space<vmem>>, vector<1x16xf32>,
        %get3A_1062 = vector.shape_cast %get3A_1061 : vector<1x16xf32> to vector<16xf32>
        %add3A_1063 = arith.addf %add3A_1035, %get3A_1062 : vector<16xf32>
        %add3A_1064 = arith.constant 35 : i32
        %add3A_1065 = arith.addi %mul3A_62, %add3A_1064 : i32
        %get3A_1066 = arith.index_cast %add3A_1065 : i32 to index
        %get3A_1067 = arith.constant 32 : index
        %get3A_1068 = tpu.vector_load %arg8[%get3A_1066, %get3A_1067] {strides = array<i32>} : memref<800x64xf32, #tpu.memory_space<vmem>>, vector<1x16xf32>,
        %get3A_1069 = vector.shape_cast %get3A_1068 : vector<1x16xf32> to vector<16xf32>
        %add3A_1070 = arith.addf %add3A_1042, %get3A_1069 : vector<16xf32>
        %add3A_1071 = arith.constant 35 : i32
        %add3A_1072 = arith.addi %mul3A_62, %add3A_1071 : i32
        %get3A_1073 = arith.index_cast %add3A_1072 : i32 to index
        %get3A_1074 = arith.constant 48 : index
        %get3A_1075 = tpu.vector_load %arg8[%get3A_1073, %get3A_1074] {strides = array<i32>} : memref<800x64xf32, #tpu.memory_space<vmem>>, vector<1x16xf32>,
        %get3A_1076 = vector.shape_cast %get3A_1075 : vector<1x16xf32> to vector<16xf32>
        %add3A_1077 = arith.addf %add3A_1049, %get3A_1076 : vector<16xf32>
        %add3A_1078 = arith.constant 36 : i32
        %add3A_1079 = arith.addi %mul3A_62, %add3A_1078 : i32
        %get3A_1080 = arith.index_cast %add3A_1079 : i32 to index
        %get3A_1081 = arith.constant 0 : index
        %get3A_1082 = tpu.vector_load %arg8[%get3A_1080, %get3A_1081] {strides = array<i32>} : memref<800x64xf32, #tpu.memory_space<vmem>>, vector<1x16xf32>,
        %get3A_1083 = vector.shape_cast %get3A_1082 : vector<1x16xf32> to vector<16xf32>
        %add3A_1084 = arith.addf %add3A_1056, %get3A_1083 : vector<16xf32>
        %add3A_1085 = arith.constant 36 : i32
        %add3A_1086 = arith.addi %mul3A_62, %add3A_1085 : i32
        %get3A_1087 = arith.index_cast %add3A_1086 : i32 to index
        %get3A_1088 = arith.constant 16 : index
        %get3A_1089 = tpu.vector_load %arg8[%get3A_1087, %get3A_1088] {strides = array<i32>} : memref<800x64xf32, #tpu.memory_space<vmem>>, vector<1x16xf32>,
        %get3A_1090 = vector.shape_cast %get3A_1089 : vector<1x16xf32> to vector<16xf32>
        %add3A_1091 = arith.addf %add3A_1063, %get3A_1090 : vector<16xf32>
        %add3A_1092 = arith.constant 36 : i32
        %add3A_1093 = arith.addi %mul3A_62, %add3A_1092 : i32
        %get3A_1094 = arith.index_cast %add3A_1093 : i32 to index
        %get3A_1095 = arith.constant 32 : index
        %get3A_1096 = tpu.vector_load %arg8[%get3A_1094, %get3A_1095] {strides = array<i32>} : memref<800x64xf32, #tpu.memory_space<vmem>>, vector<1x16xf32>,
        %get3A_1097 = vector.shape_cast %get3A_1096 : vector<1x16xf32> to vector<16xf32>
        %add3A_1098 = arith.addf %add3A_1070, %get3A_1097 : vector<16xf32>
        %add3A_1099 = arith.constant 36 : i32
        %add3A_1100 = arith.addi %mul3A_62, %add3A_1099 : i32
        %get3A_1101 = arith.index_cast %add3A_1100 : i32 to index
        %get3A_1102 = arith.constant 48 : index
        %get3A_1103 = tpu.vector_load %arg8[%get3A_1101, %get3A_1102] {strides = array<i32>} : memref<800x64xf32, #tpu.memory_space<vmem>>, vector<1x16xf32>,
        %get3A_1104 = vector.shape_cast %get3A_1103 : vector<1x16xf32> to vector<16xf32>
        %add3A_1105 = arith.addf %add3A_1077, %get3A_1104 : vector<16xf32>
        %add3A_1106 = arith.constant 37 : i32
        %add3A_1107 = arith.addi %mul3A_62, %add3A_1106 : i32
        %get3A_1108 = arith.index_cast %add3A_1107 : i32 to index
        %get3A_1109 = arith.constant 0 : index
        %get3A_1110 = tpu.vector_load %arg8[%get3A_1108, %get3A_1109] {strides = array<i32>} : memref<800x64xf32, #tpu.memory_space<vmem>>, vector<1x16xf32>,
        %get3A_1111 = vector.shape_cast %get3A_1110 : vector<1x16xf32> to vector<16xf32>
        %add3A_1112 = arith.addf %add3A_1084, %get3A_1111 : vector<16xf32>
        %add3A_1113 = arith.constant 37 : i32
        %add3A_1114 = arith.addi %mul3A_62, %add3A_1113 : i32
        %get3A_1115 = arith.index_cast %add3A_1114 : i32 to index
        %get3A_1116 = arith.constant 16 : index
        %get3A_1117 = tpu.vector_load %arg8[%get3A_1115, %get3A_1116] {strides = array<i32>} : memref<800x64xf32, #tpu.memory_space<vmem>>, vector<1x16xf32>,
        %get3A_1118 = vector.shape_cast %get3A_1117 : vector<1x16xf32> to vector<16xf32>
        %add3A_1119 = arith.addf %add3A_1091, %get3A_1118 : vector<16xf32>
        %add3A_1120 = arith.constant 37 : i32
        %add3A_1121 = arith.addi %mul3A_62, %add3A_1120 : i32
        %get3A_1122 = arith.index_cast %add3A_1121 : i32 to index
        %get3A_1123 = arith.constant 32 : index
        %get3A_1124 = tpu.vector_load %arg8[%get3A_1122, %get3A_1123] {strides = array<i32>} : memref<800x64xf32, #tpu.memory_space<vmem>>, vector<1x16xf32>,
        %get3A_1125 = vector.shape_cast %get3A_1124 : vector<1x16xf32> to vector<16xf32>
        %add3A_1126 = arith.addf %add3A_1098, %get3A_1125 : vector<16xf32>
        %add3A_1127 = arith.constant 37 : i32
        %add3A_1128 = arith.addi %mul3A_62, %add3A_1127 : i32
        %get3A_1129 = arith.index_cast %add3A_1128 : i32 to index
        %get3A_1130 = arith.constant 48 : index
        %get3A_1131 = tpu.vector_load %arg8[%get3A_1129, %get3A_1130] {strides = array<i32>} : memref<800x64xf32, #tpu.memory_space<vmem>>, vector<1x16xf32>,
        %get3A_1132 = vector.shape_cast %get3A_1131 : vector<1x16xf32> to vector<16xf32>
        %add3A_1133 = arith.addf %add3A_1105, %get3A_1132 : vector<16xf32>
        %add3A_1134 = arith.constant 38 : i32
        %add3A_1135 = arith.addi %mul3A_62, %add3A_1134 : i32
        %get3A_1136 = arith.index_cast %add3A_1135 : i32 to index
        %get3A_1137 = arith.constant 0 : index
        %get3A_1138 = tpu.vector_load %arg8[%get3A_1136, %get3A_1137] {strides = array<i32>} : memref<800x64xf32, #tpu.memory_space<vmem>>, vector<1x16xf32>,
        %get3A_1139 = vector.shape_cast %get3A_1138 : vector<1x16xf32> to vector<16xf32>
        %add3A_1140 = arith.addf %add3A_1112, %get3A_1139 : vector<16xf32>
        %add3A_1141 = arith.constant 38 : i32
        %add3A_1142 = arith.addi %mul3A_62, %add3A_1141 : i32
        %get3A_1143 = arith.index_cast %add3A_1142 : i32 to index
        %get3A_1144 = arith.constant 16 : index
        %get3A_1145 = tpu.vector_load %arg8[%get3A_1143, %get3A_1144] {strides = array<i32>} : memref<800x64xf32, #tpu.memory_space<vmem>>, vector<1x16xf32>,
        %get3A_1146 = vector.shape_cast %get3A_1145 : vector<1x16xf32> to vector<16xf32>
        %add3A_1147 = arith.addf %add3A_1119, %get3A_1146 : vector<16xf32>
        %add3A_1148 = arith.constant 38 : i32
        %add3A_1149 = arith.addi %mul3A_62, %add3A_1148 : i32
        %get3A_1150 = arith.index_cast %add3A_1149 : i32 to index
        %get3A_1151 = arith.constant 32 : index
        %get3A_1152 = tpu.vector_load %arg8[%get3A_1150, %get3A_1151] {strides = array<i32>} : memref<800x64xf32, #tpu.memory_space<vmem>>, vector<1x16xf32>,
        %get3A_1153 = vector.shape_cast %get3A_1152 : vector<1x16xf32> to vector<16xf32>
        %add3A_1154 = arith.addf %add3A_1126, %get3A_1153 : vector<16xf32>
        %add3A_1155 = arith.constant 38 : i32
        %add3A_1156 = arith.addi %mul3A_62, %add3A_1155 : i32
        %get3A_1157 = arith.index_cast %add3A_1156 : i32 to index
        %get3A_1158 = arith.constant 48 : index
        %get3A_1159 = tpu.vector_load %arg8[%get3A_1157, %get3A_1158] {strides = array<i32>} : memref<800x64xf32, #tpu.memory_space<vmem>>, vector<1x16xf32>,
        %get3A_1160 = vector.shape_cast %get3A_1159 : vector<1x16xf32> to vector<16xf32>
        %add3A_1161 = arith.addf %add3A_1133, %get3A_1160 : vector<16xf32>
        %add3A_1162 = arith.constant 39 : i32
        %add3A_1163 = arith.addi %mul3A_62, %add3A_1162 : i32
        %get3A_1164 = arith.index_cast %add3A_1163 : i32 to index
        %get3A_1165 = arith.constant 0 : index
        %get3A_1166 = tpu.vector_load %arg8[%get3A_1164, %get3A_1165] {strides = array<i32>} : memref<800x64xf32, #tpu.memory_space<vmem>>, vector<1x16xf32>,
        %get3A_1167 = vector.shape_cast %get3A_1166 : vector<1x16xf32> to vector<16xf32>
        %add3A_1168 = arith.addf %add3A_1140, %get3A_1167 : vector<16xf32>
        %add3A_1169 = arith.constant 39 : i32
        %add3A_1170 = arith.addi %mul3A_62, %add3A_1169 : i32
        %get3A_1171 = arith.index_cast %add3A_1170 : i32 to index
        %get3A_1172 = arith.constant 16 : index
        %get3A_1173 = tpu.vector_load %arg8[%get3A_1171, %get3A_1172] {strides = array<i32>} : memref<800x64xf32, #tpu.memory_space<vmem>>, vector<1x16xf32>,
        %get3A_1174 = vector.shape_cast %get3A_1173 : vector<1x16xf32> to vector<16xf32>
        %add3A_1175 = arith.addf %add3A_1147, %get3A_1174 : vector<16xf32>
        %add3A_1176 = arith.constant 39 : i32
        %add3A_1177 = arith.addi %mul3A_62, %add3A_1176 : i32
        %get3A_1178 = arith.index_cast %add3A_1177 : i32 to index
        %get3A_1179 = arith.constant 32 : index
        %get3A_1180 = tpu.vector_load %arg8[%get3A_1178, %get3A_1179] {strides = array<i32>} : memref<800x64xf32, #tpu.memory_space<vmem>>, vector<1x16xf32>,
        %get3A_1181 = vector.shape_cast %get3A_1180 : vector<1x16xf32> to vector<16xf32>
        %add3A_1182 = arith.addf %add3A_1154, %get3A_1181 : vector<16xf32>
        %add3A_1183 = arith.constant 39 : i32
        %add3A_1184 = arith.addi %mul3A_62, %add3A_1183 : i32
        %get3A_1185 = arith.index_cast %add3A_1184 : i32 to index
        %get3A_1186 = arith.constant 48 : index
        %get3A_1187 = tpu.vector_load %arg8[%get3A_1185, %get3A_1186] {strides = array<i32>} : memref<800x64xf32, #tpu.memory_space<vmem>>, vector<1x16xf32>,
        %get3A_1188 = vector.shape_cast %get3A_1187 : vector<1x16xf32> to vector<16xf32>
        %add3A_1189 = arith.addf %add3A_1161, %get3A_1188 : vector<16xf32>
        %add3A_1190 = arith.constant 40 : i32
        %add3A_1191 = arith.addi %mul3A_62, %add3A_1190 : i32
        %get3A_1192 = arith.index_cast %add3A_1191 : i32 to index
        %get3A_1193 = arith.constant 0 : index
        %get3A_1194 = tpu.vector_load %arg8[%get3A_1192, %get3A_1193] {strides = array<i32>} : memref<800x64xf32, #tpu.memory_space<vmem>>, vector<1x16xf32>,
        %get3A_1195 = vector.shape_cast %get3A_1194 : vector<1x16xf32> to vector<16xf32>
        %add3A_1196 = arith.addf %add3A_1168, %get3A_1195 : vector<16xf32>
        %add3A_1197 = arith.constant 40 : i32
        %add3A_1198 = arith.addi %mul3A_62, %add3A_1197 : i32
        %get3A_1199 = arith.index_cast %add3A_1198 : i32 to index
        %get3A_1200 = arith.constant 16 : index
        %get3A_1201 = tpu.vector_load %arg8[%get3A_1199, %get3A_1200] {strides = array<i32>} : memref<800x64xf32, #tpu.memory_space<vmem>>, vector<1x16xf32>,
        %get3A_1202 = vector.shape_cast %get3A_1201 : vector<1x16xf32> to vector<16xf32>
        %add3A_1203 = arith.addf %add3A_1175, %get3A_1202 : vector<16xf32>
        %add3A_1204 = arith.constant 40 : i32
        %add3A_1205 = arith.addi %mul3A_62, %add3A_1204 : i32
        %get3A_1206 = arith.index_cast %add3A_1205 : i32 to index
        %get3A_1207 = arith.constant 32 : index
        %get3A_1208 = tpu.vector_load %arg8[%get3A_1206, %get3A_1207] {strides = array<i32>} : memref<800x64xf32, #tpu.memory_space<vmem>>, vector<1x16xf32>,
        %get3A_1209 = vector.shape_cast %get3A_1208 : vector<1x16xf32> to vector<16xf32>
        %add3A_1210 = arith.addf %add3A_1182, %get3A_1209 : vector<16xf32>
        %add3A_1211 = arith.constant 40 : i32
        %add3A_1212 = arith.addi %mul3A_62, %add3A_1211 : i32
        %get3A_1213 = arith.index_cast %add3A_1212 : i32 to index
        %get3A_1214 = arith.constant 48 : index
        %get3A_1215 = tpu.vector_load %arg8[%get3A_1213, %get3A_1214] {strides = array<i32>} : memref<800x64xf32, #tpu.memory_space<vmem>>, vector<1x16xf32>,
        %get3A_1216 = vector.shape_cast %get3A_1215 : vector<1x16xf32> to vector<16xf32>
        %add3A_1217 = arith.addf %add3A_1189, %get3A_1216 : vector<16xf32>
        %add3A_1218 = arith.constant 41 : i32
        %add3A_1219 = arith.addi %mul3A_62, %add3A_1218 : i32
        %get3A_1220 = arith.index_cast %add3A_1219 : i32 to index
        %get3A_1221 = arith.constant 0 : index
        %get3A_1222 = tpu.vector_load %arg8[%get3A_1220, %get3A_1221] {strides = array<i32>} : memref<800x64xf32, #tpu.memory_space<vmem>>, vector<1x16xf32>,
        %get3A_1223 = vector.shape_cast %get3A_1222 : vector<1x16xf32> to vector<16xf32>
        %add3A_1224 = arith.addf %add3A_1196, %get3A_1223 : vector<16xf32>
        %add3A_1225 = arith.constant 41 : i32
        %add3A_1226 = arith.addi %mul3A_62, %add3A_1225 : i32
        %get3A_1227 = arith.index_cast %add3A_1226 : i32 to index
        %get3A_1228 = arith.constant 16 : index
        %get3A_1229 = tpu.vector_load %arg8[%get3A_1227, %get3A_1228] {strides = array<i32>} : memref<800x64xf32, #tpu.memory_space<vmem>>, vector<1x16xf32>,
        %get3A_1230 = vector.shape_cast %get3A_1229 : vector<1x16xf32> to vector<16xf32>
        %add3A_1231 = arith.addf %add3A_1203, %get3A_1230 : vector<16xf32>
        %add3A_1232 = arith.constant 41 : i32
        %add3A_1233 = arith.addi %mul3A_62, %add3A_1232 : i32
        %get3A_1234 = arith.index_cast %add3A_1233 : i32 to index
        %get3A_1235 = arith.constant 32 : index
        %get3A_1236 = tpu.vector_load %arg8[%get3A_1234, %get3A_1235] {strides = array<i32>} : memref<800x64xf32, #tpu.memory_space<vmem>>, vector<1x16xf32>,
        %get3A_1237 = vector.shape_cast %get3A_1236 : vector<1x16xf32> to vector<16xf32>
        %add3A_1238 = arith.addf %add3A_1210, %get3A_1237 : vector<16xf32>
        %add3A_1239 = arith.constant 41 : i32
        %add3A_1240 = arith.addi %mul3A_62, %add3A_1239 : i32
        %get3A_1241 = arith.index_cast %add3A_1240 : i32 to index
        %get3A_1242 = arith.constant 48 : index
        %get3A_1243 = tpu.vector_load %arg8[%get3A_1241, %get3A_1242] {strides = array<i32>} : memref<800x64xf32, #tpu.memory_space<vmem>>, vector<1x16xf32>,
        %get3A_1244 = vector.shape_cast %get3A_1243 : vector<1x16xf32> to vector<16xf32>
        %add3A_1245 = arith.addf %add3A_1217, %get3A_1244 : vector<16xf32>
        %add3A_1246 = arith.constant 42 : i32
        %add3A_1247 = arith.addi %mul3A_62, %add3A_1246 : i32
        %get3A_1248 = arith.index_cast %add3A_1247 : i32 to index
        %get3A_1249 = arith.constant 0 : index
        %get3A_1250 = tpu.vector_load %arg8[%get3A_1248, %get3A_1249] {strides = array<i32>} : memref<800x64xf32, #tpu.memory_space<vmem>>, vector<1x16xf32>,
        %get3A_1251 = vector.shape_cast %get3A_1250 : vector<1x16xf32> to vector<16xf32>
        %add3A_1252 = arith.addf %add3A_1224, %get3A_1251 : vector<16xf32>
        %add3A_1253 = arith.constant 42 : i32
        %add3A_1254 = arith.addi %mul3A_62, %add3A_1253 : i32
        %get3A_1255 = arith.index_cast %add3A_1254 : i32 to index
        %get3A_1256 = arith.constant 16 : index
        %get3A_1257 = tpu.vector_load %arg8[%get3A_1255, %get3A_1256] {strides = array<i32>} : memref<800x64xf32, #tpu.memory_space<vmem>>, vector<1x16xf32>,
        %get3A_1258 = vector.shape_cast %get3A_1257 : vector<1x16xf32> to vector<16xf32>
        %add3A_1259 = arith.addf %add3A_1231, %get3A_1258 : vector<16xf32>
        %add3A_1260 = arith.constant 42 : i32
        %add3A_1261 = arith.addi %mul3A_62, %add3A_1260 : i32
        %get3A_1262 = arith.index_cast %add3A_1261 : i32 to index
        %get3A_1263 = arith.constant 32 : index
        %get3A_1264 = tpu.vector_load %arg8[%get3A_1262, %get3A_1263] {strides = array<i32>} : memref<800x64xf32, #tpu.memory_space<vmem>>, vector<1x16xf32>,
        %get3A_1265 = vector.shape_cast %get3A_1264 : vector<1x16xf32> to vector<16xf32>
        %add3A_1266 = arith.addf %add3A_1238, %get3A_1265 : vector<16xf32>
        %add3A_1267 = arith.constant 42 : i32
        %add3A_1268 = arith.addi %mul3A_62, %add3A_1267 : i32
        %get3A_1269 = arith.index_cast %add3A_1268 : i32 to index
        %get3A_1270 = arith.constant 48 : index
        %get3A_1271 = tpu.vector_load %arg8[%get3A_1269, %get3A_1270] {strides = array<i32>} : memref<800x64xf32, #tpu.memory_space<vmem>>, vector<1x16xf32>,
        %get3A_1272 = vector.shape_cast %get3A_1271 : vector<1x16xf32> to vector<16xf32>
        %add3A_1273 = arith.addf %add3A_1245, %get3A_1272 : vector<16xf32>
        %add3A_1274 = arith.constant 43 : i32
        %add3A_1275 = arith.addi %mul3A_62, %add3A_1274 : i32
        %get3A_1276 = arith.index_cast %add3A_1275 : i32 to index
        %get3A_1277 = arith.constant 0 : index
        %get3A_1278 = tpu.vector_load %arg8[%get3A_1276, %get3A_1277] {strides = array<i32>} : memref<800x64xf32, #tpu.memory_space<vmem>>, vector<1x16xf32>,
        %get3A_1279 = vector.shape_cast %get3A_1278 : vector<1x16xf32> to vector<16xf32>
        %add3A_1280 = arith.addf %add3A_1252, %get3A_1279 : vector<16xf32>
        %add3A_1281 = arith.constant 43 : i32
        %add3A_1282 = arith.addi %mul3A_62, %add3A_1281 : i32
        %get3A_1283 = arith.index_cast %add3A_1282 : i32 to index
        %get3A_1284 = arith.constant 16 : index
        %get3A_1285 = tpu.vector_load %arg8[%get3A_1283, %get3A_1284] {strides = array<i32>} : memref<800x64xf32, #tpu.memory_space<vmem>>, vector<1x16xf32>,
        %get3A_1286 = vector.shape_cast %get3A_1285 : vector<1x16xf32> to vector<16xf32>
        %add3A_1287 = arith.addf %add3A_1259, %get3A_1286 : vector<16xf32>
        %add3A_1288 = arith.constant 43 : i32
        %add3A_1289 = arith.addi %mul3A_62, %add3A_1288 : i32
        %get3A_1290 = arith.index_cast %add3A_1289 : i32 to index
        %get3A_1291 = arith.constant 32 : index
        %get3A_1292 = tpu.vector_load %arg8[%get3A_1290, %get3A_1291] {strides = array<i32>} : memref<800x64xf32, #tpu.memory_space<vmem>>, vector<1x16xf32>,
        %get3A_1293 = vector.shape_cast %get3A_1292 : vector<1x16xf32> to vector<16xf32>
        %add3A_1294 = arith.addf %add3A_1266, %get3A_1293 : vector<16xf32>
        %add3A_1295 = arith.constant 43 : i32
        %add3A_1296 = arith.addi %mul3A_62, %add3A_1295 : i32
        %get3A_1297 = arith.index_cast %add3A_1296 : i32 to index
        %get3A_1298 = arith.constant 48 : index
        %get3A_1299 = tpu.vector_load %arg8[%get3A_1297, %get3A_1298] {strides = array<i32>} : memref<800x64xf32, #tpu.memory_space<vmem>>, vector<1x16xf32>,
        %get3A_1300 = vector.shape_cast %get3A_1299 : vector<1x16xf32> to vector<16xf32>
        %add3A_1301 = arith.addf %add3A_1273, %get3A_1300 : vector<16xf32>
        %add3A_1302 = arith.constant 44 : i32
        %add3A_1303 = arith.addi %mul3A_62, %add3A_1302 : i32
        %get3A_1304 = arith.index_cast %add3A_1303 : i32 to index
        %get3A_1305 = arith.constant 0 : index
        %get3A_1306 = tpu.vector_load %arg8[%get3A_1304, %get3A_1305] {strides = array<i32>} : memref<800x64xf32, #tpu.memory_space<vmem>>, vector<1x16xf32>,
        %get3A_1307 = vector.shape_cast %get3A_1306 : vector<1x16xf32> to vector<16xf32>
        %add3A_1308 = arith.addf %add3A_1280, %get3A_1307 : vector<16xf32>
        %add3A_1309 = arith.constant 44 : i32
        %add3A_1310 = arith.addi %mul3A_62, %add3A_1309 : i32
        %get3A_1311 = arith.index_cast %add3A_1310 : i32 to index
        %get3A_1312 = arith.constant 16 : index
        %get3A_1313 = tpu.vector_load %arg8[%get3A_1311, %get3A_1312] {strides = array<i32>} : memref<800x64xf32, #tpu.memory_space<vmem>>, vector<1x16xf32>,
        %get3A_1314 = vector.shape_cast %get3A_1313 : vector<1x16xf32> to vector<16xf32>
        %add3A_1315 = arith.addf %add3A_1287, %get3A_1314 : vector<16xf32>
        %add3A_1316 = arith.constant 44 : i32
        %add3A_1317 = arith.addi %mul3A_62, %add3A_1316 : i32
        %get3A_1318 = arith.index_cast %add3A_1317 : i32 to index
        %get3A_1319 = arith.constant 32 : index
        %get3A_1320 = tpu.vector_load %arg8[%get3A_1318, %get3A_1319] {strides = array<i32>} : memref<800x64xf32, #tpu.memory_space<vmem>>, vector<1x16xf32>,
        %get3A_1321 = vector.shape_cast %get3A_1320 : vector<1x16xf32> to vector<16xf32>
        %add3A_1322 = arith.addf %add3A_1294, %get3A_1321 : vector<16xf32>
        %add3A_1323 = arith.constant 44 : i32
        %add3A_1324 = arith.addi %mul3A_62, %add3A_1323 : i32
        %get3A_1325 = arith.index_cast %add3A_1324 : i32 to index
        %get3A_1326 = arith.constant 48 : index
        %get3A_1327 = tpu.vector_load %arg8[%get3A_1325, %get3A_1326] {strides = array<i32>} : memref<800x64xf32, #tpu.memory_space<vmem>>, vector<1x16xf32>,
        %get3A_1328 = vector.shape_cast %get3A_1327 : vector<1x16xf32> to vector<16xf32>
        %add3A_1329 = arith.addf %add3A_1301, %get3A_1328 : vector<16xf32>
        %add3A_1330 = arith.constant 45 : i32
        %add3A_1331 = arith.addi %mul3A_62, %add3A_1330 : i32
        %get3A_1332 = arith.index_cast %add3A_1331 : i32 to index
        %get3A_1333 = arith.constant 0 : index
        %get3A_1334 = tpu.vector_load %arg8[%get3A_1332, %get3A_1333] {strides = array<i32>} : memref<800x64xf32, #tpu.memory_space<vmem>>, vector<1x16xf32>,
        %get3A_1335 = vector.shape_cast %get3A_1334 : vector<1x16xf32> to vector<16xf32>
        %add3A_1336 = arith.addf %add3A_1308, %get3A_1335 : vector<16xf32>
        %add3A_1337 = arith.constant 45 : i32
        %add3A_1338 = arith.addi %mul3A_62, %add3A_1337 : i32
        %get3A_1339 = arith.index_cast %add3A_1338 : i32 to index
        %get3A_1340 = arith.constant 16 : index
        %get3A_1341 = tpu.vector_load %arg8[%get3A_1339, %get3A_1340] {strides = array<i32>} : memref<800x64xf32, #tpu.memory_space<vmem>>, vector<1x16xf32>,
        %get3A_1342 = vector.shape_cast %get3A_1341 : vector<1x16xf32> to vector<16xf32>
        %add3A_1343 = arith.addf %add3A_1315, %get3A_1342 : vector<16xf32>
        %add3A_1344 = arith.constant 45 : i32
        %add3A_1345 = arith.addi %mul3A_62, %add3A_1344 : i32
        %get3A_1346 = arith.index_cast %add3A_1345 : i32 to index
        %get3A_1347 = arith.constant 32 : index
        %get3A_1348 = tpu.vector_load %arg8[%get3A_1346, %get3A_1347] {strides = array<i32>} : memref<800x64xf32, #tpu.memory_space<vmem>>, vector<1x16xf32>,
        %get3A_1349 = vector.shape_cast %get3A_1348 : vector<1x16xf32> to vector<16xf32>
        %add3A_1350 = arith.addf %add3A_1322, %get3A_1349 : vector<16xf32>
        %add3A_1351 = arith.constant 45 : i32
        %add3A_1352 = arith.addi %mul3A_62, %add3A_1351 : i32
        %get3A_1353 = arith.index_cast %add3A_1352 : i32 to index
        %get3A_1354 = arith.constant 48 : index
        %get3A_1355 = tpu.vector_load %arg8[%get3A_1353, %get3A_1354] {strides = array<i32>} : memref<800x64xf32, #tpu.memory_space<vmem>>, vector<1x16xf32>,
        %get3A_1356 = vector.shape_cast %get3A_1355 : vector<1x16xf32> to vector<16xf32>
        %add3A_1357 = arith.addf %add3A_1329, %get3A_1356 : vector<16xf32>
        %add3A_1358 = arith.constant 46 : i32
        %add3A_1359 = arith.addi %mul3A_62, %add3A_1358 : i32
        %get3A_1360 = arith.index_cast %add3A_1359 : i32 to index
        %get3A_1361 = arith.constant 0 : index
        %get3A_1362 = tpu.vector_load %arg8[%get3A_1360, %get3A_1361] {strides = array<i32>} : memref<800x64xf32, #tpu.memory_space<vmem>>, vector<1x16xf32>,
        %get3A_1363 = vector.shape_cast %get3A_1362 : vector<1x16xf32> to vector<16xf32>
        %add3A_1364 = arith.addf %add3A_1336, %get3A_1363 : vector<16xf32>
        %add3A_1365 = arith.constant 46 : i32
        %add3A_1366 = arith.addi %mul3A_62, %add3A_1365 : i32
        %get3A_1367 = arith.index_cast %add3A_1366 : i32 to index
        %get3A_1368 = arith.constant 16 : index
        %get3A_1369 = tpu.vector_load %arg8[%get3A_1367, %get3A_1368] {strides = array<i32>} : memref<800x64xf32, #tpu.memory_space<vmem>>, vector<1x16xf32>,
        %get3A_1370 = vector.shape_cast %get3A_1369 : vector<1x16xf32> to vector<16xf32>
        %add3A_1371 = arith.addf %add3A_1343, %get3A_1370 : vector<16xf32>
        %add3A_1372 = arith.constant 46 : i32
        %add3A_1373 = arith.addi %mul3A_62, %add3A_1372 : i32
        %get3A_1374 = arith.index_cast %add3A_1373 : i32 to index
        %get3A_1375 = arith.constant 32 : index
        %get3A_1376 = tpu.vector_load %arg8[%get3A_1374, %get3A_1375] {strides = array<i32>} : memref<800x64xf32, #tpu.memory_space<vmem>>, vector<1x16xf32>,
        %get3A_1377 = vector.shape_cast %get3A_1376 : vector<1x16xf32> to vector<16xf32>
        %add3A_1378 = arith.addf %add3A_1350, %get3A_1377 : vector<16xf32>
        %add3A_1379 = arith.constant 46 : i32
        %add3A_1380 = arith.addi %mul3A_62, %add3A_1379 : i32
        %get3A_1381 = arith.index_cast %add3A_1380 : i32 to index
        %get3A_1382 = arith.constant 48 : index
        %get3A_1383 = tpu.vector_load %arg8[%get3A_1381, %get3A_1382] {strides = array<i32>} : memref<800x64xf32, #tpu.memory_space<vmem>>, vector<1x16xf32>,
        %get3A_1384 = vector.shape_cast %get3A_1383 : vector<1x16xf32> to vector<16xf32>
        %add3A_1385 = arith.addf %add3A_1357, %get3A_1384 : vector<16xf32>
        %add3A_1386 = arith.constant 47 : i32
        %add3A_1387 = arith.addi %mul3A_62, %add3A_1386 : i32
        %get3A_1388 = arith.index_cast %add3A_1387 : i32 to index
        %get3A_1389 = arith.constant 0 : index
        %get3A_1390 = tpu.vector_load %arg8[%get3A_1388, %get3A_1389] {strides = array<i32>} : memref<800x64xf32, #tpu.memory_space<vmem>>, vector<1x16xf32>,
        %get3A_1391 = vector.shape_cast %get3A_1390 : vector<1x16xf32> to vector<16xf32>
        %add3A_1392 = arith.addf %add3A_1364, %get3A_1391 : vector<16xf32>
        %add3A_1393 = arith.constant 47 : i32
        %add3A_1394 = arith.addi %mul3A_62, %add3A_1393 : i32
        %get3A_1395 = arith.index_cast %add3A_1394 : i32 to index
        %get3A_1396 = arith.constant 16 : index
        %get3A_1397 = tpu.vector_load %arg8[%get3A_1395, %get3A_1396] {strides = array<i32>} : memref<800x64xf32, #tpu.memory_space<vmem>>, vector<1x16xf32>,
        %get3A_1398 = vector.shape_cast %get3A_1397 : vector<1x16xf32> to vector<16xf32>
        %add3A_1399 = arith.addf %add3A_1371, %get3A_1398 : vector<16xf32>
        %add3A_1400 = arith.constant 47 : i32
        %add3A_1401 = arith.addi %mul3A_62, %add3A_1400 : i32
        %get3A_1402 = arith.index_cast %add3A_1401 : i32 to index
        %get3A_1403 = arith.constant 32 : index
        %get3A_1404 = tpu.vector_load %arg8[%get3A_1402, %get3A_1403] {strides = array<i32>} : memref<800x64xf32, #tpu.memory_space<vmem>>, vector<1x16xf32>,
        %get3A_1405 = vector.shape_cast %get3A_1404 : vector<1x16xf32> to vector<16xf32>
        %add3A_1406 = arith.addf %add3A_1378, %get3A_1405 : vector<16xf32>
        %add3A_1407 = arith.constant 47 : i32
        %add3A_1408 = arith.addi %mul3A_62, %add3A_1407 : i32
        %get3A_1409 = arith.index_cast %add3A_1408 : i32 to index
        %get3A_1410 = arith.constant 48 : index
        %get3A_1411 = tpu.vector_load %arg8[%get3A_1409, %get3A_1410] {strides = array<i32>} : memref<800x64xf32, #tpu.memory_space<vmem>>, vector<1x16xf32>,
        %get3A_1412 = vector.shape_cast %get3A_1411 : vector<1x16xf32> to vector<16xf32>
        %add3A_1413 = arith.addf %add3A_1385, %get3A_1412 : vector<16xf32>
        %add3A_1414 = arith.constant 48 : i32
        %add3A_1415 = arith.addi %mul3A_62, %add3A_1414 : i32
        %get3A_1416 = arith.index_cast %add3A_1415 : i32 to index
        %get3A_1417 = arith.constant 0 : index
        %get3A_1418 = tpu.vector_load %arg8[%get3A_1416, %get3A_1417] {strides = array<i32>} : memref<800x64xf32, #tpu.memory_space<vmem>>, vector<1x16xf32>,
        %get3A_1419 = vector.shape_cast %get3A_1418 : vector<1x16xf32> to vector<16xf32>
        %add3A_1420 = arith.addf %add3A_1392, %get3A_1419 : vector<16xf32>
        %add3A_1421 = arith.constant 48 : i32
        %add3A_1422 = arith.addi %mul3A_62, %add3A_1421 : i32
        %get3A_1423 = arith.index_cast %add3A_1422 : i32 to index
        %get3A_1424 = arith.constant 16 : index
        %get3A_1425 = tpu.vector_load %arg8[%get3A_1423, %get3A_1424] {strides = array<i32>} : memref<800x64xf32, #tpu.memory_space<vmem>>, vector<1x16xf32>,
        %get3A_1426 = vector.shape_cast %get3A_1425 : vector<1x16xf32> to vector<16xf32>
        %add3A_1427 = arith.addf %add3A_1399, %get3A_1426 : vector<16xf32>
        %add3A_1428 = arith.constant 48 : i32
        %add3A_1429 = arith.addi %mul3A_62, %add3A_1428 : i32
        %get3A_1430 = arith.index_cast %add3A_1429 : i32 to index
        %get3A_1431 = arith.constant 32 : index
        %get3A_1432 = tpu.vector_load %arg8[%get3A_1430, %get3A_1431] {strides = array<i32>} : memref<800x64xf32, #tpu.memory_space<vmem>>, vector<1x16xf32>,
        %get3A_1433 = vector.shape_cast %get3A_1432 : vector<1x16xf32> to vector<16xf32>
        %add3A_1434 = arith.addf %add3A_1406, %get3A_1433 : vector<16xf32>
        %add3A_1435 = arith.constant 48 : i32
        %add3A_1436 = arith.addi %mul3A_62, %add3A_1435 : i32
        %get3A_1437 = arith.index_cast %add3A_1436 : i32 to index
        %get3A_1438 = arith.constant 48 : index
        %get3A_1439 = tpu.vector_load %arg8[%get3A_1437, %get3A_1438] {strides = array<i32>} : memref<800x64xf32, #tpu.memory_space<vmem>>, vector<1x16xf32>,
        %get3A_1440 = vector.shape_cast %get3A_1439 : vector<1x16xf32> to vector<16xf32>
        %add3A_1441 = arith.addf %add3A_1413, %get3A_1440 : vector<16xf32>
        %add3A_1442 = arith.constant 49 : i32
        %add3A_1443 = arith.addi %mul3A_62, %add3A_1442 : i32
        %get3A_1444 = arith.index_cast %add3A_1443 : i32 to index
        %get3A_1445 = arith.constant 0 : index
        %get3A_1446 = tpu.vector_load %arg8[%get3A_1444, %get3A_1445] {strides = array<i32>} : memref<800x64xf32, #tpu.memory_space<vmem>>, vector<1x16xf32>,
        %get3A_1447 = vector.shape_cast %get3A_1446 : vector<1x16xf32> to vector<16xf32>
        %add3A_1448 = arith.addf %add3A_1420, %get3A_1447 : vector<16xf32>
        %add3A_1449 = arith.constant 49 : i32
        %add3A_1450 = arith.addi %mul3A_62, %add3A_1449 : i32
        %get3A_1451 = arith.index_cast %add3A_1450 : i32 to index
        %get3A_1452 = arith.constant 16 : index
        %get3A_1453 = tpu.vector_load %arg8[%get3A_1451, %get3A_1452] {strides = array<i32>} : memref<800x64xf32, #tpu.memory_space<vmem>>, vector<1x16xf32>,
        %get3A_1454 = vector.shape_cast %get3A_1453 : vector<1x16xf32> to vector<16xf32>
        %add3A_1455 = arith.addf %add3A_1427, %get3A_1454 : vector<16xf32>
        %add3A_1456 = arith.constant 49 : i32
        %add3A_1457 = arith.addi %mul3A_62, %add3A_1456 : i32
        %get3A_1458 = arith.index_cast %add3A_1457 : i32 to index
        %get3A_1459 = arith.constant 32 : index
        %get3A_1460 = tpu.vector_load %arg8[%get3A_1458, %get3A_1459] {strides = array<i32>} : memref<800x64xf32, #tpu.memory_space<vmem>>, vector<1x16xf32>,
        %get3A_1461 = vector.shape_cast %get3A_1460 : vector<1x16xf32> to vector<16xf32>
        %add3A_1462 = arith.addf %add3A_1434, %get3A_1461 : vector<16xf32>
        %add3A_1463 = arith.constant 49 : i32
        %add3A_1464 = arith.addi %mul3A_62, %add3A_1463 : i32
        %get3A_1465 = arith.index_cast %add3A_1464 : i32 to index
        %get3A_1466 = arith.constant 48 : index
        %get3A_1467 = tpu.vector_load %arg8[%get3A_1465, %get3A_1466] {strides = array<i32>} : memref<800x64xf32, #tpu.memory_space<vmem>>, vector<1x16xf32>,
        %get3A_1468 = vector.shape_cast %get3A_1467 : vector<1x16xf32> to vector<16xf32>
        %add3A_1469 = arith.addf %add3A_1441, %get3A_1468 : vector<16xf32>
        %mul3A_1470 = arith.mulf %add3A_1448, %broadcast_in_dim3A_3 : vector<16xf32>
        %swap3A = arith.index_cast %scan3A_60 : i32 to index
        %swap3A_1471 = arith.constant 0 : index
        %swap3A_1472 = tpu.vector_load %arg9[%swap3A, %swap3A_1471] {strides = array<i32>} : memref<16x64xf32, #tpu.memory_space<vmem>>, vector<1x16xf32>,
        %swap3A_1473 = vector.shape_cast %swap3A_1472 : vector<1x16xf32> to vector<16xf32>
        %swap3A_1474 = vector.shape_cast %mul3A_1470 : vector<16xf32> to vector<1x16xf32>
        tpu.vector_store %arg9[%swap3A, %swap3A_1471], %swap3A_1474 {strides = array<i32>} : memref<16x64xf32, #tpu.memory_space<vmem>>, vector<1x16xf32>,
        %mul3A_1475 = arith.mulf %add3A_1455, %broadcast_in_dim3A_3 : vector<16xf32>
        %swap3A_1476 = arith.index_cast %scan3A_60 : i32 to index
        %swap3A_1477 = arith.constant 16 : index
        %swap3A_1478 = tpu.vector_load %arg9[%swap3A_1476, %swap3A_1477] {strides = array<i32>} : memref<16x64xf32, #tpu.memory_space<vmem>>, vector<1x16xf32>,
        %swap3A_1479 = vector.shape_cast %swap3A_1478 : vector<1x16xf32> to vector<16xf32>
        %swap3A_1480 = vector.shape_cast %mul3A_1475 : vector<16xf32> to vector<1x16xf32>
        tpu.vector_store %arg9[%swap3A_1476, %swap3A_1477], %swap3A_1480 {strides = array<i32>} : memref<16x64xf32, #tpu.memory_space<vmem>>, vector<1x16xf32>,
        %mul3A_1481 = arith.mulf %add3A_1462, %broadcast_in_dim3A_3 : vector<16xf32>
        %swap3A_1482 = arith.index_cast %scan3A_60 : i32 to index
        %swap3A_1483 = arith.constant 32 : index
        %swap3A_1484 = tpu.vector_load %arg9[%swap3A_1482, %swap3A_1483] {strides = array<i32>} : memref<16x64xf32, #tpu.memory_space<vmem>>, vector<1x16xf32>,
        %swap3A_1485 = vector.shape_cast %swap3A_1484 : vector<1x16xf32> to vector<16xf32>
        %swap3A_1486 = vector.shape_cast %mul3A_1481 : vector<16xf32> to vector<1x16xf32>
        tpu.vector_store %arg9[%swap3A_1482, %swap3A_1483], %swap3A_1486 {strides = array<i32>} : memref<16x64xf32, #tpu.memory_space<vmem>>, vector<1x16xf32>,
        %mul3A_1487 = arith.mulf %add3A_1469, %broadcast_in_dim3A_3 : vector<16xf32>
        %swap3A_1488 = arith.index_cast %scan3A_60 : i32 to index
        %swap3A_1489 = arith.constant 48 : index
        %swap3A_1490 = tpu.vector_load %arg9[%swap3A_1488, %swap3A_1489] {strides = array<i32>} : memref<16x64xf32, #tpu.memory_space<vmem>>, vector<1x16xf32>,
        %swap3A_1491 = vector.shape_cast %swap3A_1490 : vector<1x16xf32> to vector<16xf32>
        %swap3A_1492 = vector.shape_cast %mul3A_1487 : vector<16xf32> to vector<1x16xf32>
        tpu.vector_store %arg9[%swap3A_1488, %swap3A_1489], %swap3A_1492 {strides = array<i32>} : memref<16x64xf32, #tpu.memory_space<vmem>>, vector<1x16xf32>,
      }
      %scan3A_56 = arith.constant 16 : i32
      %mul3A_57 = arith.constant 16 : i32
      %mul3A_58 = arith.muli %add3A_46, %mul3A_57 : i32
      %add3A_59 = arith.addi %mul3A_2, %mul3A_58 : i32
      "tpu.region"() ({
        %run_scoped3A = tpu.sem_alloc : memref<!tpu.dma_semaphore, #tpu.memory_space<semaphore_mem>>
        %dma_start3A_60 = arith.constant 0 : i32
        %dma_start3A_61 = tpu.memref_slice %arg4[%add3A_59, %dma_start3A_60] : memref<16384x64xf32, #tpu.memory_space<hbm>> -> memref<16x64xf32, #tpu.memory_space<hbm>>
        %dma_start3A_62 = arith.constant 0 : i32
        %dma_start3A_63 = tpu.memref_slice %arg4[%add3A_59, %dma_start3A_62] : memref<16384x64xf32, #tpu.memory_space<hbm>> -> memref<16x64xf32, #tpu.memory_space<hbm>>
        tpu.enqueue_dma source(%arg9 : memref<16x64xf32, #tpu.memory_space<vmem>>) target(%dma_start3A_63 : memref<16x64xf32, #tpu.memory_space<hbm>>) target_semaphore(%run_scoped3A : memref<!tpu.dma_semaphore, #tpu.memory_space<semaphore_mem>>)
        %dma_wait3A_64 = arith.constant 0 : i32
        %dma_wait3A_65 = tpu.memref_slice %arg4[%add3A_59, %dma_wait3A_64] : memref<16384x64xf32, #tpu.memory_space<hbm>> -> memref<16x64xf32, #tpu.memory_space<hbm>>
        %dma_wait3A_66 = arith.constant 0 : i32
        %dma_wait3A_67 = tpu.memref_slice %arg4[%add3A_59, %dma_wait3A_66] : memref<16384x64xf32, #tpu.memory_space<hbm>> -> memref<16x64xf32, #tpu.memory_space<hbm>>
        tpu.wait_dma2 semaphore(%run_scoped3A : memref<!tpu.dma_semaphore, #tpu.memory_space<semaphore_mem>>) src(%arg9 : memref<16x64xf32, #tpu.memory_space<vmem>>) dst(%dma_wait3A_67 : memref<16x64xf32, #tpu.memory_space<hbm>>)
        tpu.yield
      }) : () -> ()
    }
    %scan3A_15 = arith.constant 16 : i32
    return
  }
}

</mosaic_0001>

<sc_bundles>
// kernel: kernel.3.cloned.1.call-start
scs
__scs_entry_jumppad:
0x0: {  	(pc) =	sbr.rel $0x88, $3  }
0x1: {  	(tag) =	ssettag $0x0;
	lr =	simm.s32 $0x1  }
0x2: {  	[smem:$0x3F9F] =	sst lr;
	_ =	strace $0xD0000000  }
0x3: {  	_ = 	snop  }
0x4: {  	_ = 	snop  }
0x5: {  	_ = 	snop  }
0x6: {  	_ = 	snop  }
0x7: {  	_ = 	snop  }
__scs_overlays_trampoline_lowered:
0x8: {  	[smem:$0x3FAE] =	sst s0  }
0x9: {  	[smem:$0x3FAF] =	sst s1  }
0xa: {  	[smem:$0x3FB0] =	sst s2  }
0xb: {  	[smem:$0x3FB1] =	sst s3  }
0xc: {  	[smem:$0x3FB2] =	sst s4  }
0xd: {  	[smem:$0x3FB3] =	sst s5  }
0xe: {  	[smem:$0x3FB4] =	sst s6  }
0xf: {  	[smem:$0x3FB5] =	sst s7  }
0x10: {  	[smem:$0x3FB6] =	sst s8  }
0x11: {  	[smem:$0x3FB7] =	sst s9;
	s0 =	simm.s32 @!p0 $0x0  }
0x12: {  	s1 =	sld [smem:$0x3F9D];
	s0 =	simm.s32 @p0 $0x1  }
0x13: {  	[smem:$0x3FB8] =	sst s0;
	s0 =	simm.s32 @!p1 $0x0  }
0x14: {  	s2 =	sld [smem:$0x3F9C];
	s0 =	simm.s32 @p1 $0x1  }
0x15: {  	[smem:$0x3FB9] =	sst s0;
	s0 =	simm.s32 @!p2 $0x0  }
0x16: {  	s3 =	sld [smem:$0x3FDB];
	s0 =	simm.s32 @p2 $0x1  }
0x17: {  	s4 =	simm.s32 $0x1BF5;
	[smem:$0x3FBB] =	sst s0  }
0x18: {  	s0 =	sld [smem:$0x3F9E];
	_ =	swait.ge [sflag:s4], $0x0  }
0x19: {  	s7 =	sld [smem:$0x3F9F]  }
0x1a: {  	s8 =	sadd.s32 $0xFFFFE003, lr  }
0x1b: {  	s9 =	sadd.s32 $0xFFFFFEF7, lr;
	s5 =	simm.s32 $0xFFFFFFFF;
	p2 =	slt.u32 s8, $0xFFFFF086  }
0x1c: {  	p1 =	slt.u32 s9, $0xF7A;
	s5 =	simm.s32 @!p2 $0x0  }
0x1d: {  	s5 =	simm.s32 @p1 $0x1;
	p0 =	seq.s32 s7, s2  }
0x1e: {  	s7 =	smul.u32 @!p0 $0xF7A, s2;
	p2 =	seq.s32 @!p0 s5, $0x0  }
0x1f: {  	s9 =	smul.u32 $0xF7A, s1;
	s8 =	simm.s32 @!p0 $0x1BF5;
	p2 =	por !p2, p0  }
0x20: {  	[sflag:s8] =	ssyncset.s32 @!p0 $0xFFFFF086;
	s6 =	sadd.s32 @!p0 s3, s7;
	s7 =	simm.s32 @!p0 $0x108  }
0x21: {  	s3 =	sadd.s32 s3, s9;
	s6 =	sadd.s32 @!p0 $0x88, s6;
	s7 =	simm.s32 @p2 $0x1082  }
0x22: {  	[simem:s7], [sflag:s8] =	dma.local @!p0 [hbm:s6], $0xF7A  }
0x23: {  	s9 =	sor.u32 $0xD0000000, s2;
	s6 =	simm.s32 $0x108;
	_ =	swait.ge @!p0 [sflag:s8], $0x0  }
0x24: {  	s3 =	sadd.s32 $0x88, s3;
	s6 =	simm.s32 @!p1 $0x1082;
	[sflag:s4] =	ssyncset.s32 $0xFFFFF086  }
0x25: {  	[simem:s6], [sflag:s4] =	dma.local [hbm:s3], $0xF7A  }
0x26: {  	[smem:$0x3F9F] =	sst s1;
	(tag) =	ssettag s2;
	_ =	strace s9  }
0x27: {  	s1 =	sld [smem:$0x3FAF]  }
0x28: {  	s2 =	sld [smem:$0x3FB0]  }
0x29: {  	s4 =	sld [smem:$0x3FB2]  }
0x2a: {  	p0 =	seq.s32 s5, $0x0;
	s5 =	sld [smem:$0x3FB3]  }
0x2b: {  	s6 =	sld [smem:$0x3FB4]  }
0x2c: {  	s7 =	sld [smem:$0x3FB5]  }
0x2d: {  	s3 =	simm.s32 $0x108;
	s8 =	sld [smem:$0x3FB6]  }
0x2e: {  	s3 =	simm.s32 @!p0 $0x1082;
	s9 =	sld [smem:$0x3FB7]  }
0x2f: {  	lr =	sadd.s32 s0, s3;
	s0 =	sld [smem:$0x3FAE]  }
0x30: {  	s3 =	sld [smem:$0x3FB1]  }
0x31: {  	[smem:$0x3FBA] =	sst s10  }
0x32: {  	s10 =	sld [smem:$0x3FB8];
	_ =	sdelay $0x3  }
0x33: {  	p0 =	seq.s32 s10, $0x1;
	s10 =	sld [smem:$0x3FBA];
	_ =	sdelay $0x3  }
0x34: {  	[smem:$0x3FBA] =	sst s10  }
0x35: {  	s10 =	sld [smem:$0x3FB9];
	_ =	sdelay $0x3  }
0x36: {  	p1 =	seq.s32 s10, $0x1;
	s10 =	sld [smem:$0x3FBA];
	_ =	sdelay $0x3  }
0x37: {  	[smem:$0x3FBA] =	sst s10  }
0x38: {  	s10 =	sld [smem:$0x3FBB]  }
0x39: {  	_ = 	snop;
	(pc) =	sbr.ind lr, $3  }
0x3a: {  	_ = 	snop  }
0x3b: {  	_ = 	snop  }
0x3c: {  	p2 =	seq.s32 s10, $0x1;
	s10 =	sld [smem:$0x3FBA]  }
0x3d: {  	_ =	shalt  }
0x3e: {  	_ =	shalt  }
0x3f: {  	_ =	shalt  }
0x40: {  	_ =	shalt  }
0x41: {  	_ =	shalt  }
0x42: {  	_ =	shalt  }
0x43: {  	_ =	shalt  }
0x44: {  	_ =	shalt  }
0x45: {  	_ =	shalt  }
0x46: {  	_ =	shalt  }
0x47: {  	_ =	shalt  }
0x48: {  	_ =	shalt  }
0x49: {  	_ =	shalt  }
0x4a: {  	_ =	shalt  }
0x4b: {  	_ =	shalt  }
0x4c: {  	_ =	shalt  }
0x4d: {  	_ =	shalt  }
0x4e: {  	_ =	shalt  }
0x4f: {  	_ =	shalt  }
0x50: {  	_ =	shalt  }
0x51: {  	_ =	shalt  }
0x52: {  	_ =	shalt  }
0x53: {  	_ =	shalt  }
0x54: {  	_ =	shalt  }
0x55: {  	_ =	shalt  }
0x56: {  	_ =	shalt  }
0x57: {  	_ =	shalt  }
0x58: {  	_ =	shalt  }
0x59: {  	_ =	shalt  }
0x5a: {  	_ =	shalt  }
0x5b: {  	_ =	shalt  }
0x5c: {  	_ =	shalt  }
0x5d: {  	_ =	shalt  }
0x5e: {  	_ =	shalt  }
0x5f: {  	_ =	shalt  }
0x60: {  	_ =	shalt  }
0x61: {  	_ =	shalt  }
0x62: {  	_ =	shalt  }
0x63: {  	_ =	shalt  }
0x64: {  	_ =	shalt  }
0x65: {  	_ =	shalt  }
0x66: {  	_ =	shalt  }
0x67: {  	_ =	shalt  }
0x68: {  	_ =	shalt  }
0x69: {  	_ =	shalt  }
0x6a: {  	_ =	shalt  }
0x6b: {  	_ =	shalt  }
0x6c: {  	_ =	shalt  }
0x6d: {  	_ =	shalt  }
0x6e: {  	_ =	shalt  }
0x6f: {  	_ =	shalt  }
0x70: {  	_ =	shalt  }
0x71: {  	_ =	shalt  }
0x72: {  	_ =	shalt  }
0x73: {  	_ =	shalt  }
0x74: {  	_ =	shalt  }
0x75: {  	_ =	shalt  }
0x76: {  	_ =	shalt  }
0x77: {  	_ =	shalt  }
0x78: {  	_ =	shalt  }
0x79: {  	_ =	shalt  }
0x7a: {  	_ =	shalt  }
0x7b: {  	_ =	shalt  }
0x7c: {  	_ =	shalt  }
0x7d: {  	_ =	shalt  }
0x7e: {  	_ =	shalt  }
0x7f: {  	_ =	shalt  }
0x80: {  	_ =	shalt  }
0x81: {  	_ =	shalt  }
0x82: {  	_ =	shalt  }
0x83: {  	_ =	shalt  }
0x84: {  	_ =	shalt  }
0x85: {  	_ =	shalt  }
0x86: {  	_ =	shalt  }
0x87: {  	_ =	shalt  }
.Lfunc_end0:
.L_simem_size_0:
called_computation_lowered:
.L_overlay_start_0:
0x88: {  	s2 =	sld [smem:$0x3FD9]  }
0x89: {  	s3 =	sld [smem:$0x3FFE];
	_ =	sdelay $0x1  }
0x8a: {  	s1 =	srdreg.scid  }
0x8b: {  	s0 =	sand.u32 $0x1, s1  }
0x8c: {  	s17 =	sshll.u32 s0, $0xA;
	s2 =	sadd.s32 s3, s2  }
0x8d: {  	s2 =	sadd.s32 s2, s17  }
0x8e: {  	[smem:$0x3FC6] =	sst s2  }
0x8f: {  	_ = 	snop  }
0x90: {  	s2 =	sld [smem:$0x3FD0];
	(tm) =	ssettm $0x1  }
0x91: {  	s18 =	sld [smem:$0x3FFB];
	_ =	sdelay $0x3  }
0x92: {  	_ =	strace s18  }
0x93: {  	s3 =	sld [smem:$0x3FFC];
	_ =	sdelay $0x3  }
0x94: {  	_ =	strace s3  }
0x95: {  	s3 =	sld [smem:$0x3FFD];
	_ =	sdelay $0x3  }
0x96: {  	_ =	strace s3  }
0x97: {  	_ =	strace $0x8FFFFFFF  }
0x98: {  	s19 =	sld [smem:$0x3FDB];
	_ =	sdelay $0x1  }
0x99: {  	s4 =	simm.s32 $_scs_section_size  }
0x9a: {  	s5 =	simm.s32 $_size__tile_overlayer_lowered;
	s6 =	simm.s32 $_tile_overlayer_lowered  }
0x9b: {  	s22 =	simm.s32 $0x1BFF;
	s21 =	sshll.u32 s6, $0x1;
	s3 =	sadd.s32 s4, s19  }
0x9c: {  	s7 =	simm.s32 $0x0;
	s20 =	sshll.u32 s5, $0x1;
	s5 =	sadd.s32 s21, s3  }
0x9d: {  	[timem:s7], [sflag:s22] =	dma.local [hbm:s5], s20  }
0x9e: {  	_ =	swait.ge [sflag:s22], s20  }
0x9f: {  	s4 =	ssub.s32 $0x0, s20;
	[sflag:s22] =	ssyncset.done $0x0  }
0xa0: {  	[sflag:s22] =	ssyncadd.s32 s4;
	_ =	sdelay $0x1  }
0xa1: {  	s23 =	simm.s32 $0x1B8B  }
0xa2: {  	_ =	swait.ge [sflag:s23], $0x1  }
0xa3: {  	[sflag:s23] =	ssyncset.done $0x0  }
0xa4: {  	s25 =	simm.s32 $0x1B8E;
	s24 =	sld [smem:$0x3FFE];
	[sflag:s23] =	ssyncadd.s32 $0xFFFFFFFF  }
0xa5: {  	s26 =	simm.s32 $execute0_lowered;
	[smem:$0x3FD2] =	sst s25  }
0xa6: {  	s5 =	sshll.u32 s26, $0x1;
	_ =	strace $0x80000046;
	[dreg:$0x1] =	wrdreg $0xFFFFFFFF  }
0xa7: {  	s28 =	simm.s32 $_size_execute0_lowered;
	s3 =	sadd.s32 s3, s5;
	[dreg:$0x0] =	wrdreg $0x0  }
0xa8: {  	s5 =	sshll.u32 s28, $0x1;
	[dreg:$0x2] =	wrdreg s3  }
0xa9: {  	[dreg:$0x3] =	wrdreg s5  }
0xaa: {  	[dreg:$0x4] =	wrdreg $0xC0  }
0xab: {  	_ =	task [dreg:s7], $0x5FFFF  }
0xac: {  	[dreg:$0x1] =	wrdreg $0xFFFFFFFF  }
0xad: {  	[dreg:$0x0] =	wrdreg $0x60  }
0xae: {  	[dreg:$0x2] =	wrdreg s24  }
0xaf: {  	[dreg:$0x3] =	wrdreg s2  }
0xb0: {  	[dreg:$0x4] =	wrdreg $0x9  }
0xb1: {  	_ =	task.clear_ibuf [dreg:s7], $0x5FFFF;
	_ =	strace $0x90000046  }
0xb2: {  	s29 =	simm.s32 $0x9;
	_ =	strace $0x80000048  }
0xb3: {  	_ =	swait.ge [sflag:s29], $0x1  }
0xb4: {  	[sflag:s29] =	ssyncadd.s32 $0xFFFFFFFF  }
0xb5: {  	_ =	strace $0x90000048  }
0xb6: {  	_ =	sfence  }
0xb7: {  	s30 =	sld [smem:$0x0];
	_ =	sdelay $0x2  }
0xb8: {  	s31 =	sshll.u32 s1, $0xD;
	s1 =	sshrl.u32 s1, $0x2  }
0xb9: {  	s3 =	sand.u32 $0x4000, s31;
	s1 =	sadd.s32 s1, s30  }
0xba: {  	s0 =	sor.u32 s3, s0;
	s1 =	sshll.u32 s1, $0x11  }
0xbb: {  	s0 =	sor.u32 s1, s0  }
0xbc: {  	s0 =	sadd.s32 $0x8F2B, s0  }
0xbd: {  	[sflag:s0] =	ssyncadd.remote.s32 $0x1  }
0xbe: {  	_ =	sfence.sel $0xFFFF  }
0xbf: {  	[dreg:$0x0] =	wrdreg $0xFFFFFFFF;
	(pc) =	sbr.abs _section_cstart, $3  }
0xc0: {  	[dreg:$0x1] =	wrdreg $0xFFFFFFFF  }
0xc1: {  	_ =	task.clear_ibuf [dreg:s7], $0x2FFFF;
	_ =	strace $0x9FFFFFFF  }
0xc2: {  	(tm) =	ssettm $0x7FFFFFFF  }
0xc3: {  	_ =	shalt  }
tec
execute0_lowered:
.L_overlay_start_1:
0x0: {  	(tag) =	ssettag $0x1  }
0x1: {  	s5 =	rddreg [dreg:$0x0]  }
0x2: {  	s2 =	rddreg [dreg:$0x1]  }
0x3: {  	s0 =	rddreg [dreg:$0x2]  }
0x4: {  	s3 =	simm.s32 $0x0;
	s4 =	srdreg.scid;
	s1 =	stileid.u32  }
0x5: {  	s12 =	simm.s32 $0x320;
	s13 =	simm.s32 $0x700;
	s14 =	simm.s32 $0x380  }
0x6: {  	s15 =	simm.s32 $0xCF00;
	s16 =	simm.s32 $0x1;
	s17 =	simm.s32 $0x19700  }
0x7: {  	s18 =	simm.s32 $0x2;
	s19 =	simm.s32 $0x0;
	[smem:$0x7FF] =	sst s3  }
0x8: {  	s4 =	sand.u32 $0x1, s4;
	s6 =	sshll.u32 s1, $0x1;
	_ =	strace $0x80000047  }
0x9: {  	s7 =	ssub.s32 $0x2, s4;
	s6 =	sor.u32 s4, s6;
	s4 =	sadd.s32 $0x600, s5  }
0xa: {  	s5 =	sadd.s32 $0xF42A00, s5;
	s8 =	sshrl.u32 s7, $0x1;
	s9 =	smul.u32 $0xC80, s6  }
0xb: {  	s31 =	sshll.u32 s6, $0xC;
	s11 =	sshll.u32 s6, $0x9;
	s10 =	ssub.s32 s7, s8  }
0xc: {  	s7 =	sadd.s32 s2, s31;
	s8 =	sor.u32 $0x20, s11;
	s6 =	sadd.s32 s4, s9  }
0xd: {  	s9 =	smax.u32 s10, $0x1;
	s10 =	sor.u32 $0x10, s11;
	s11 =	simm.s32 $0x3  }
.LBB2_1:
0xe: {  	[tilespmem:s3], [sflag:$0x3] =	stream.linear.gather [hbm4b:s6+s3], $0x380, $0x38;
	[tilespmem:$0x19B00] =	vst v63  }
0xf: {  	_ =	swait.ge [sflag:s11], $0x380  }
0x10: {  	[sflag:s11] =	ssyncset.done $0x0  }
0x11: {  	s20 =	simm.s32 $0x0;
	[sflag:s11] =	ssyncadd.s32 $0xFFFFFC80  }
0x12: {  	[tilespmem:s13], [sflag:$0x1] =	stream.indirect.gather [hbm4b:s5+s12], $0x40, s3, s12, $0xb8;
	[tilespmem:$0x19B00] =	vst v63  }
.LBB2_2:
0x13: {  	s22 =	sshll.u32 s20, $0x5  }
0x14: {  	s21 =	sor.u32 s10, s22  }
0x15: {  	s23 =	smul.u32 $0x32, s21;
	_ =	sdelay $0x1  }
0x16: {  	s23 =	sshrl.u32 s23, $0x3  }
0x17: {  	s24 =	sadd.s32 s4, s23;
	s23 =	simm.s32 $0x0  }
0x18: {  	[tilespmem:s14], [sflag:$0x3] =	stream.linear.gather [hbm4b:s24+s23], $0x380, $0x38;
	[tilespmem:$0x19B00] =	vst v63  }
0x19: {  	_ =	swait.ge [sflag:s11], $0x380  }
0x1a: {  	[sflag:s11] =	ssyncset.done $0x0  }
0x1b: {  	[sflag:s11] =	ssyncadd.s32 $0xFFFFFC80  }
0x1c: {  	[tilespmem:s15], [sflag:$0x2] =	stream.indirect.gather [hbm4b:s5+s12], $0x40, s14, s12, $0xb8;
	[tilespmem:$0x19B00] =	vst v63  }
0x1d: {  	_ =	swait.ge [sflag:s16], $0xC800  }
0x1e: {  	[sflag:s16] =	ssyncset.done $0x0  }
0x1f: {  	[sflag:s16] =	ssyncadd.s32 $0xFFFF3800  }
.LBB2_3:
0x20: {  	s24 =	smul.u32 $0x3200, s23;
	_ =	sdelay $0x1  }
0x21: {  	s24 =	sshra.s32 s24, $0x2  }
0x22: {  	v0 =	vld [tilespmem:s24+$0xAB0];
	_ =	sdelay $0x4  }
0x23: {  	[tilespmem:$0x1FD60] =	vst v0;
	v0 =	vld [tilespmem:s24+$0xB10];
	_ =	sdelay $0x4  }
0x24: {  	[tilespmem:$0x1FD80] =	vst v0;
	v0 =	vld [tilespmem:s24+$0xB20];
	_ =	sdelay $0x4  }
0x25: {  	[tilespmem:$0x1FD90] =	vst v0;
	v0 =	vld [tilespmem:s24+$0xB30];
	_ =	sdelay $0x4  }
0x26: {  	[tilespmem:$0x1FDB0] =	vst v0;
	v0 =	vld [tilespmem:s24+$0xB40];
	_ =	sdelay $0x4  }
0x27: {  	[tilespmem:$0x1FDA0] =	vst v0;
	v0 =	vld [tilespmem:s24+$0xB50];
	_ =	sdelay $0x4  }
0x28: {  	[tilespmem:$0x1FDC0] =	vst v0;
	v0 =	vld [tilespmem:s24+$0xB60];
	_ =	sdelay $0x4  }
0x29: {  	[tilespmem:$0x1FDD0] =	vst v0;
	v0 =	vld [tilespmem:s24+$0xB70];
	_ =	sdelay $0x4  }
0x2a: {  	[tilespmem:$0x1FDF0] =	vst v0;
	v0 =	vld [tilespmem:s24+$0xB80];
	_ =	sdelay $0x4  }
0x2b: {  	[tilespmem:$0x1FDE0] =	vst v0;
	v0 =	vld [tilespmem:s24+$0xB90];
	_ =	sdelay $0x4  }
0x2c: {  	[tilespmem:$0x1FE00] =	vst v0;
	v0 =	vld [tilespmem:s24+$0xBA0];
	_ =	sdelay $0x4  }
0x2d: {  	[tilespmem:$0x1FE10] =	vst v0;
	v0 =	vld [tilespmem:s24+$0xBB0];
	_ =	sdelay $0x4  }
0x2e: {  	[tilespmem:$0x1FE30] =	vst v0;
	v0 =	vld [tilespmem:s24+$0xBC0];
	_ =	sdelay $0x4  }
0x2f: {  	[tilespmem:$0x1FE20] =	vst v0;
	v0 =	vld [tilespmem:s24+$0xBD0];
	_ =	sdelay $0x4  }
0x30: {  	[tilespmem:$0x1FE40] =	vst v0;
	v0 =	vld [tilespmem:s24+$0xBE0];
	_ =	sdelay $0x4  }
0x31: {  	[tilespmem:$0x1FE50] =	vst v0;
	v0 =	vld [tilespmem:s24+$0xBF0];
	_ =	sdelay $0x4  }
0x32: {  	[tilespmem:$0x1FE70] =	vst v0;
	v0 =	vld [tilespmem:s24+$0xC00];
	_ =	sdelay $0x4  }
0x33: {  	[tilespmem:$0x1FE60] =	vst v0;
	v0 =	vld [tilespmem:s24+$0xC10];
	_ =	sdelay $0x4  }
0x34: {  	[tilespmem:$0x1FE80] =	vst v0;
	v0 =	vld [tilespmem:s24+$0xC20];
	_ =	sdelay $0x1  }
0x35: {  	v8 =	vld [tilespmem:s24+$0x700]  }
0x36: {  	v9 =	vld [tilespmem:s24+$0x710]  }
0x37: {  	v12 =	vld [tilespmem:s24+$0x720]  }
0x38: {  	[tilespmem:$0x1FE90] =	vst v0;
	v0 =	vld [tilespmem:s24+$0xC30]  }
0x39: {  	v13 =	vld [tilespmem:s24+$0x730]  }
0x3a: {  	v24 =	vld [tilespmem:s24+$0x740]  }
0x3b: {  	v25 =	vld [tilespmem:s24+$0x750]  }
0x3c: {  	v28 =	vld [tilespmem:s24+$0x760]  }
0x3d: {  	[tilespmem:$0x1FEB0] =	vst v0;
	v0 =	vld [tilespmem:s24+$0xC40]  }
0x3e: {  	v29 =	vld [tilespmem:s24+$0x770]  }
0x3f: {  	v40 =	vld [tilespmem:s24+$0x780]  }
0x40: {  	v41 =	vld [tilespmem:s24+$0x790]  }
0x41: {  	v44 =	vld [tilespmem:s24+$0x7A0]  }
0x42: {  	[tilespmem:$0x1FEA0] =	vst v0;
	v0 =	vld [tilespmem:s24+$0xC50]  }
0x43: {  	v45 =	vld [tilespmem:s24+$0x7B0]  }
0x44: {  	v56 =	vld [tilespmem:s24+$0x7C0]  }
0x45: {  	v57 =	vld [tilespmem:s24+$0x7D0]  }
0x46: {  	v60 =	vld [tilespmem:s24+$0x7E0]  }
0x47: {  	[tilespmem:$0x1FEC0] =	vst v0;
	v0 =	vld [tilespmem:s24+$0xC60]  }
0x48: {  	v61 =	vld [tilespmem:s24+$0x7F0]  }
0x49: {  	v1 =	vld [tilespmem:s24+$0x800]  }
0x4a: {  	v3 =	vld [tilespmem:s24+$0x810]  }
0x4b: {  	v4 =	vld [tilespmem:s24+$0x820]  }
0x4c: {  	[tilespmem:$0x1FED0] =	vst v0;
	v0 =	vld [tilespmem:s24+$0xC70]  }
0x4d: {  	v7 =	vld [tilespmem:s24+$0x830]  }
0x4e: {  	v2 =	vld [tilespmem:s24+$0x840]  }
0x4f: {  	v6 =	vld [tilespmem:s24+$0x850]  }
0x50: {  	v10 =	vld [tilespmem:s24+$0x860]  }
0x51: {  	[tilespmem:$0x1FEF0] =	vst v0;
	v0 =	vld [tilespmem:s24+$0xC80]  }
0x52: {  	v15 =	vld [tilespmem:s24+$0x870]  }
0x53: {  	v5 =	vld [tilespmem:s24+$0x880]  }
0x54: {  	v14 =	vld [tilespmem:s24+$0x890]  }
0x55: {  	v16 =	vld [tilespmem:s24+$0x8A0]  }
0x56: {  	[tilespmem:$0x1FEE0] =	vst v0;
	v0 =	vld [tilespmem:s24+$0xC90]  }
0x57: {  	v19 =	vld [tilespmem:s24+$0x8B0]  }
0x58: {  	v11 =	vld [tilespmem:s24+$0x8C0]  }
0x59: {  	v18 =	vld [tilespmem:s24+$0x8D0]  }
0x5a: {  	v20 =	vld [tilespmem:s24+$0x8E0]  }
0x5b: {  	[tilespmem:$0x1FF00] =	vst v0;
	v0 =	vld [tilespmem:s24+$0xCA0]  }
0x5c: {  	v23 =	vld [tilespmem:s24+$0x8F0]  }
0x5d: {  	v17 =	vld [tilespmem:s24+$0x900]  }
0x5e: {  	v22 =	vld [tilespmem:s24+$0x910]  }
0x5f: {  	v26 =	vld [tilespmem:s24+$0x920]  }
0x60: {  	[tilespmem:$0x1FF10] =	vst v0;
	v0 =	vld [tilespmem:s24+$0xCB0]  }
0x61: {  	v31 =	vld [tilespmem:s24+$0x930]  }
0x62: {  	v21 =	vld [tilespmem:s24+$0x940]  }
0x63: {  	v30 =	vld [tilespmem:s24+$0x950]  }
0x64: {  	v32 =	vld [tilespmem:s24+$0x960]  }
0x65: {  	[tilespmem:$0x1FF30] =	vst v0;
	v0 =	vld [tilespmem:s24+$0xCC0]  }
0x66: {  	v35 =	vld [tilespmem:s24+$0x970]  }
0x67: {  	v27 =	vld [tilespmem:s24+$0x980]  }
0x68: {  	v34 =	vld [tilespmem:s24+$0x990]  }
0x69: {  	v36 =	vld [tilespmem:s24+$0x9A0]  }
0x6a: {  	[tilespmem:$0x1FF20] =	vst v0;
	v0 =	vld [tilespmem:s24+$0xCD0]  }
0x6b: {  	v39 =	vld [tilespmem:s24+$0x9B0]  }
0x6c: {  	v33 =	vld [tilespmem:s24+$0x9C0]  }
0x6d: {  	v38 =	vld [tilespmem:s24+$0x9D0]  }
0x6e: {  	v42 =	vld [tilespmem:s24+$0x9E0]  }
0x6f: {  	[tilespmem:$0x1FF40] =	vst v0;
	v0 =	vld [tilespmem:s24+$0xCE0]  }
0x70: {  	v48 =	vld [tilespmem:s24+$0x9F0]  }
0x71: {  	v37 =	vld [tilespmem:s24+$0xA00];
	v9 =	vadd.f32 $0.0e+00, v9  }
0x72: {  	v46 =	vld [tilespmem:s24+$0xA10]  }
0x73: {  	v47 =	vld [tilespmem:s24+$0xA20];
	v9 =	vadd.f32 v25, v9  }
0x74: {  	[tilespmem:$0x1FF50] =	vst v0;
	v0 =	vld [tilespmem:s24+$0xCF0]  }
0x75: {  	v52 =	vld [tilespmem:s24+$0xA30];
	v9 =	vadd.f32 v41, v9  }
0x76: {  	v43 =	vld [tilespmem:s24+$0xA40]  }
0x77: {  	v50 =	vld [tilespmem:s24+$0xA50];
	v9 =	vadd.f32 v57, v9  }
0x78: {  	v51 =	vld [tilespmem:s24+$0xA60]  }
0x79: {  	v3 =	vadd.f32 v3, v9;
	[tilespmem:$0x1FF70] =	vst v0;
	v0 =	vld [tilespmem:s24+$0xD00]  }
0x7a: {  	v58 =	vld [tilespmem:s24+$0xA70]  }
0x7b: {  	v49 =	vld [tilespmem:s24+$0xA80];
	v3 =	vadd.f32 v6, v3  }
0x7c: {  	v62 =	vld [tilespmem:s24+$0xA90]  }
0x7d: {  	v59 =	vld [tilespmem:s24+$0xAA0];
	v3 =	vadd.f32 v14, v3  }
0x7e: {  	[tilespmem:$0x1FF60] =	vst v0;
	v0 =	vld [tilespmem:s24+$0xD10]  }
0x7f: {  	v55 =	vld [tilespmem:s24+$0xAF0];
	v3 =	vadd.f32 v18, v3  }
0x80: {  	v63 =	vld [tilespmem:s24+$0xAC0]  }
0x81: {  	v54 =	vld [tilespmem:s24+$0xAD0];
	v3 =	vadd.f32 v22, v3  }
0x82: {  	v53 =	vld [tilespmem:s24+$0xAE0]  }
0x83: {  	v3 =	vadd.f32 v30, v3;
	[tilespmem:$0x1FF80] =	vst v0;
	v0 =	vld [tilespmem:s24+$0xD20]  }
0x84: {  	[tilespmem:$0x1FD70] =	vst v55;
	v55 =	vld [tilespmem:s24+$0xB00];
	v25 =	vadd.f32 $0.0e+00, v13  }
0x85: {  	v13 =	vld [tilespmem:s24+$0xDB0];
	v3 =	vadd.f32 v34, v3  }
0x86: {  	v29 =	vadd.f32 v29, v25;
	v25 =	vld [tilespmem:s24+$0xDD0]  }
0x87: {  	v41 =	vld [tilespmem:s24+$0xE10];
	v3 =	vadd.f32 v38, v3  }
0x88: {  	[tilespmem:$0x1FF90] =	vst v0;
	v0 =	vld [tilespmem:s24+$0xD30]  }
0x89: {  	v57 =	vld [tilespmem:s24+$0xE50];
	v3 =	vadd.f32 v46, v3  }
0x8a: {  	v6 =	vld [tilespmem:s24+$0xEA0]  }
0x8b: {  	v14 =	vld [tilespmem:s24+$0xEF0];
	v3 =	vadd.f32 v50, v3  }
0x8c: {  	v30 =	vld [tilespmem:$0x1FD80]  }
0x8d: {  	v3 =	vadd.f32 v62, v3;
	[tilespmem:$0x1FFB0] =	vst v0;
	v0 =	vld [tilespmem:s24+$0xD40]  }
0x8e: {  	v18 =	vld [tilespmem:s24+$0xF30]  }
0x8f: {  	v34 =	vld [tilespmem:$0x1FDC0];
	v3 =	vadd.f32 v54, v3  }
0x90: {  	v22 =	vld [tilespmem:s24+$0xF70]  }
0x91: {  	v3 =	vadd.f32 v30, v3;
	v30 =	vld [tilespmem:s24+$0xFB0]  }
0x92: {  	[tilespmem:$0x1FFA0] =	vst v0;
	v0 =	vld [tilespmem:s24+$0xD50]  }
0x93: {  	v38 =	vld [tilespmem:$0x1FE00]  }
0x94: {  	v3 =	vadd.f32 v34, v3;
	v34 =	vld [tilespmem:s24+$0xFF0]  }
0x95: {  	v46 =	vld [tilespmem:$0x1FE40]  }
0x96: {  	v50 =	vld [tilespmem:$0x1FE80]  }
0x97: {  	[tilespmem:$0x1FFC0] =	vst v0;
	v0 =	vld [tilespmem:s24+$0xD60]  }
0x98: {  	v3 =	vadd.f32 v38, v3;
	v38 =	vld [tilespmem:s24+$0x1030]  }
0x99: {  	v54 =	vld [tilespmem:$0x1FEC0]  }
0x9a: {  	v3 =	vadd.f32 v46, v3;
	v62 =	vld [tilespmem:$0x1FF00]  }
0x9b: {  	v46 =	vld [tilespmem:$0x1FF20]  }
0x9c: {  	v3 =	vadd.f32 v50, v3;
	v50 =	vld [tilespmem:$0x1FF60];
	[tilespmem:$0x1FFD0] =	vst v0;
	v0 =	vadd.f32 $0.0e+00, v8  }
0x9d: {  	v8 =	vld [tilespmem:s24+$0xD70]  }
0x9e: {  	v3 =	vadd.f32 v54, v3;
	v54 =	vld [tilespmem:$0x1FFA0];
	v24 =	vadd.f32 v24, v0  }
0x9f: {  	v0 =	vadd.f32 $0.0e+00, v12;
	v12 =	vld [tilespmem:s24+$0xD90]  }
0xa0: {  	v40 =	vadd.f32 v40, v24;
	v24 =	vld [tilespmem:s24+$0xDC0]  }
0xa1: {  	v0 =	vadd.f32 v28, v0;
	v28 =	vld [tilespmem:s24+$0xDE0]  }
0xa2: {  	[tilespmem:$0x1FFE0] =	vst v8;
	v8 =	vld [tilespmem:s24+$0xD80]  }
0xa3: {  	v40 =	vadd.f32 v56, v40;
	v56 =	vadd.f32 v45, v29;
	v29 =	vld [tilespmem:s24+$0xDF0]  }
0xa4: {  	v0 =	vadd.f32 v44, v0;
	v44 =	vld [tilespmem:s24+$0xE20]  }
0xa5: {  	v45 =	vld [tilespmem:s24+$0xE30]  }
0xa6: {  	v3 =	vadd.f32 v62, v3;
	v62 =	vld [tilespmem:$0x1FFE0]  }
0xa7: {  	[tilespmem:$0x1FFF0] =	vst v12;
	v12 =	vld [tilespmem:s24+$0xDA0]  }
0xa8: {  	v1 =	vadd.f32 v1, v40;
	v40 =	vld [tilespmem:s24+$0xE00]  }
0xa9: {  	v61 =	vadd.f32 v61, v56;
	v56 =	vld [tilespmem:s24+$0xE40]  }
0xaa: {  	v0 =	vadd.f32 v60, v0;
	v60 =	vld [tilespmem:s24+$0xE60]  }
0xab: {  	v9 =	vadd.f32 v7, v61;
	v61 =	vld [tilespmem:s24+$0xE70]  }
0xac: {  	v0 =	vadd.f32 v4, v0;
	v1 =	vadd.f32 v2, v1;
	v4 =	vld [tilespmem:s24+$0xE80]  }
0xad: {  	v7 =	vld [tilespmem:s24+$0xEB0]  }
0xae: {  	v1 =	vadd.f32 v5, v1;
	v5 =	vld [tilespmem:s24+$0xE90]  }
0xaf: {  	v2 =	vadd.f32 v15, v9;
	v9 =	vld [tilespmem:s24+$0xEC0]  }
0xb0: {  	v0 =	vadd.f32 v10, v0;
	v10 =	vld [tilespmem:s24+$0xED0]  }
0xb1: {  	v15 =	vld [tilespmem:s24+$0xF00]  }
0xb2: {  	v1 =	vadd.f32 v11, v1;
	v11 =	vld [tilespmem:s24+$0xEE0]  }
0xb3: {  	v0 =	vadd.f32 v16, v0;
	v16 =	vld [tilespmem:s24+$0xF10]  }
0xb4: {  	v2 =	vadd.f32 v19, v2;
	v19 =	vld [tilespmem:s24+$0xF40]  }
0xb5: {  	v1 =	vadd.f32 v17, v1;
	v17 =	vld [tilespmem:s24+$0xF20]  }
0xb6: {  	v0 =	vadd.f32 v20, v0;
	v20 =	vld [tilespmem:s24+$0xF50]  }
0xb7: {  	v2 =	vadd.f32 v23, v2;
	v23 =	vld [tilespmem:s24+$0xF80]  }
0xb8: {  	v0 =	vadd.f32 v26, v0;
	v26 =	vld [tilespmem:$0x1FD60]  }
0xb9: {  	v1 =	vadd.f32 v21, v1;
	v21 =	vld [tilespmem:s24+$0xF60]  }
0xba: {  	v2 =	vadd.f32 v31, v2;
	v31 =	vld [tilespmem:$0x1FD90]  }
0xbb: {  	v1 =	vadd.f32 v27, v1;
	v27 =	vld [tilespmem:$0x1FD70]  }
0xbc: {  	v0 =	vadd.f32 v32, v0;
	v32 =	vld [tilespmem:$0x1FDA0]  }
0xbd: {  	v2 =	vadd.f32 v35, v2;
	v35 =	vld [tilespmem:$0x1FDD0]  }
0xbe: {  	v1 =	vadd.f32 v33, v1;
	v33 =	vld [tilespmem:$0x1FDB0]  }
0xbf: {  	v0 =	vadd.f32 v36, v0;
	v36 =	vld [tilespmem:$0x1FDE0]  }
0xc0: {  	v2 =	vadd.f32 v39, v2;
	v39 =	vld [tilespmem:$0x1FE10]  }
0xc1: {  	v1 =	vadd.f32 v37, v1;
	v37 =	vld [tilespmem:$0x1FDF0]  }
0xc2: {  	v0 =	vadd.f32 v42, v0;
	v42 =	vld [tilespmem:$0x1FE20]  }
0xc3: {  	v2 =	vadd.f32 v48, v2;
	v48 =	vld [tilespmem:$0x1FE60]  }
0xc4: {  	v1 =	vadd.f32 v43, v1;
	v43 =	vld [tilespmem:$0x1FE30]  }
0xc5: {  	v0 =	vadd.f32 v47, v0;
	v47 =	vld [tilespmem:$0x1FE50]  }
0xc6: {  	v2 =	vadd.f32 v52, v2;
	v52 =	vld [tilespmem:$0x1FEA0]  }
0xc7: {  	v1 =	vadd.f32 v49, v1;
	v49 =	vld [tilespmem:$0x1FE70]  }
0xc8: {  	v0 =	vadd.f32 v51, v0;
	v2 =	vadd.f32 v58, v2;
	v51 =	vld [tilespmem:$0x1FE90]  }
0xc9: {  	v58 =	vld [tilespmem:$0x1FEE0]  }
0xca: {  	v2 =	vadd.f32 v26, v2;
	v26 =	vld [tilespmem:s24+$0xF90]  }
0xcb: {  	v0 =	vadd.f32 v59, v0;
	v59 =	vld [tilespmem:$0x1FEF0]  }
0xcc: {  	v1 =	vadd.f32 v63, v1;
	v63 =	vld [tilespmem:$0x1FF10]  }
0xcd: {  	v2 =	vadd.f32 v27, v2;
	v27 =	vld [tilespmem:s24+$0xFA0]  }
0xce: {  	v0 =	vadd.f32 v53, v0;
	v53 =	vld [tilespmem:$0x1FEB0]  }
0xcf: {  	v1 =	vadd.f32 v55, v1;
	v55 =	vld [tilespmem:$0x1FED0]  }
0xd0: {  	v0 =	vadd.f32 v31, v0;
	v31 =	vld [tilespmem:s24+$0xFC0]  }
0xd1: {  	v1 =	vadd.f32 v32, v1;
	v32 =	vld [tilespmem:s24+$0xFD0]  }
0xd2: {  	v2 =	vadd.f32 v33, v2;
	v33 =	vld [tilespmem:s24+$0xFE0]  }
0xd3: {  	v0 =	vadd.f32 v35, v0;
	v35 =	vld [tilespmem:s24+$0x1000]  }
0xd4: {  	v1 =	vadd.f32 v36, v1;
	v36 =	vld [tilespmem:s24+$0x1010]  }
0xd5: {  	v2 =	vadd.f32 v37, v2;
	v37 =	vld [tilespmem:s24+$0x1020]  }
0xd6: {  	v0 =	vadd.f32 v39, v0;
	v39 =	vld [tilespmem:s24+$0x1040]  }
0xd7: {  	v1 =	vadd.f32 v42, v1;
	v42 =	vld [tilespmem:s24+$0x1050]  }
0xd8: {  	v2 =	vadd.f32 v43, v2;
	v43 =	vld [tilespmem:s24+$0x1060]  }
0xd9: {  	v0 =	vadd.f32 v47, v0;
	v47 =	vld [tilespmem:$0x1FF30]  }
0xda: {  	v1 =	vadd.f32 v48, v1;
	v48 =	vld [tilespmem:$0x1FF40]  }
0xdb: {  	v2 =	vadd.f32 v49, v2;
	v49 =	vld [tilespmem:$0x1FF50]  }
0xdc: {  	v0 =	vadd.f32 v51, v0;
	v51 =	vld [tilespmem:$0x1FF70]  }
0xdd: {  	v1 =	vadd.f32 v52, v1;
	v52 =	vld [tilespmem:$0x1FF80]  }
0xde: {  	v2 =	vadd.f32 v53, v2;
	v53 =	vld [tilespmem:$0x1FF90]  }
0xdf: {  	v0 =	vadd.f32 v55, v0;
	v55 =	vld [tilespmem:$0x1FFB0]  }
0xe0: {  	v1 =	vadd.f32 v58, v1;
	v2 =	vadd.f32 v59, v2;
	v58 =	vld [tilespmem:$0x1FFC0]  }
0xe1: {  	v59 =	vld [tilespmem:$0x1FFD0];
	v3 =	vadd.f32 v48, v3;
	v0 =	vadd.f32 v63, v0  }
0xe2: {  	v1 =	vadd.f32 v46, v1;
	v2 =	vadd.f32 v47, v2;
	v63 =	vld [tilespmem:$0x1FFF0]  }
0xe3: {  	v48 =	vld [tilespmem:s24+$0x1090];
	v3 =	vadd.f32 v52, v3;
	v0 =	vadd.f32 v49, v0  }
0xe4: {  	v46 =	vld [tilespmem:s24+$0x1070];
	v1 =	vadd.f32 v50, v1;
	v2 =	vadd.f32 v51, v2  }
0xe5: {  	v47 =	vld [tilespmem:s24+$0x1080];
	v3 =	vadd.f32 v58, v3;
	v0 =	vadd.f32 v53, v0  }
0xe6: {  	v52 =	vld [tilespmem:s24+$0x1110];
	v1 =	vadd.f32 v54, v1;
	v2 =	vadd.f32 v55, v2  }
0xe7: {  	v49 =	vld [tilespmem:s24+$0x10A0];
	v3 =	vadd.f32 v63, v3;
	v0 =	vadd.f32 v59, v0  }
0xe8: {  	v50 =	vld [tilespmem:s24+$0x10C0];
	v1 =	vadd.f32 v8, v1;
	v2 =	vadd.f32 v62, v2  }
0xe9: {  	v51 =	vld [tilespmem:s24+$0x1100];
	v3 =	vadd.f32 v25, v3;
	v0 =	vadd.f32 v12, v0  }
0xea: {  	v58 =	vld [tilespmem:s24+$0x1170];
	v1 =	vadd.f32 v24, v1;
	v2 =	vadd.f32 v13, v2  }
0xeb: {  	v53 =	vld [tilespmem:s24+$0x1120];
	v3 =	vadd.f32 v41, v3;
	v0 =	vadd.f32 v28, v0  }
0xec: {  	v54 =	vld [tilespmem:s24+$0x1130];
	v1 =	vadd.f32 v40, v1;
	v2 =	vadd.f32 v29, v2  }
0xed: {  	v55 =	vld [tilespmem:s24+$0x1140];
	v3 =	vadd.f32 v57, v3;
	v0 =	vadd.f32 v44, v0  }
0xee: {  	v63 =	vld [tilespmem:s24+$0x11C0];
	v1 =	vadd.f32 v56, v1;
	v2 =	vadd.f32 v45, v2  }
0xef: {  	v8 =	vld [tilespmem:s24+$0x10B0];
	v3 =	vadd.f32 v5, v3;
	v0 =	vadd.f32 v60, v0  }
0xf0: {  	v59 =	vld [tilespmem:s24+$0x1180];
	v1 =	vadd.f32 v4, v1;
	v2 =	vadd.f32 v61, v2  }
0xf1: {  	v62 =	vld [tilespmem:s24+$0x11B0];
	v3 =	vadd.f32 v10, v3;
	v0 =	vadd.f32 v6, v0  }
0xf2: {  	v12 =	vld [tilespmem:s24+$0x10D0];
	v1 =	vadd.f32 v9, v1;
	v2 =	vadd.f32 v7, v2  }
0xf3: {  	v13 =	vld [tilespmem:s24+$0x10E0];
	v3 =	vadd.f32 v16, v3;
	v0 =	vadd.f32 v11, v0  }
0xf4: {  	v24 =	vld [tilespmem:s24+$0x10F0];
	v1 =	vadd.f32 v15, v1;
	v2 =	vadd.f32 v14, v2  }
0xf5: {  	v41 =	vld [tilespmem:s24+$0x1220];
	v3 =	vadd.f32 v20, v3;
	v0 =	vadd.f32 v17, v0  }
0xf6: {  	v40 =	vld [tilespmem:s24+$0x1210];
	v1 =	vadd.f32 v19, v1;
	v2 =	vadd.f32 v18, v2  }
0xf7: {  	v57 =	vld [tilespmem:s24+$0x1160];
	v3 =	vadd.f32 v26, v3;
	v0 =	vadd.f32 v21, v0  }
0xf8: {  	v56 =	vld [tilespmem:s24+$0x1150];
	v1 =	vadd.f32 v23, v1;
	v2 =	vadd.f32 v22, v2  }
0xf9: {  	v44 =	vld [tilespmem:s24+$0x1250];
	v3 =	vadd.f32 v32, v3;
	v0 =	vadd.f32 v27, v0  }
0xfa: {  	v45 =	vld [tilespmem:s24+$0x1260];
	v1 =	vadd.f32 v31, v1;
	v2 =	vadd.f32 v30, v2  }
0xfb: {  	v60 =	vld [tilespmem:s24+$0x1190];
	v3 =	vadd.f32 v36, v3;
	v0 =	vadd.f32 v33, v0  }
0xfc: {  	v61 =	vld [tilespmem:s24+$0x11A0];
	v1 =	vadd.f32 v35, v1;
	v2 =	vadd.f32 v34, v2  }
0xfd: {  	v32 =	vld [tilespmem:s24+$0x11E0];
	v3 =	vadd.f32 v42, v3;
	v0 =	vadd.f32 v37, v0  }
0xfe: {  	v31 =	vld [tilespmem:s24+$0x11D0];
	v1 =	vadd.f32 v39, v1;
	v2 =	vadd.f32 v38, v2  }
0xff: {  	v36 =	vld [tilespmem:s24+$0x1200];
	v3 =	vadd.f32 v48, v3;
	v0 =	vadd.f32 v43, v0  }
0x100: {  	v35 =	vld [tilespmem:s24+$0x11F0];
	v1 =	vadd.f32 v47, v1;
	v2 =	vadd.f32 v46, v2  }
0x101: {  	v42 =	vld [tilespmem:s24+$0x1230];
	v3 =	vadd.f32 v12, v3;
	v0 =	vadd.f32 v49, v0  }
0x102: {  	v48 =	vld [tilespmem:s24+$0x1290];
	v1 =	vadd.f32 v50, v1;
	v2 =	vadd.f32 v8, v2  }
0x103: {  	v43 =	vld [tilespmem:s24+$0x1240];
	v3 =	vadd.f32 v52, v3;
	v0 =	vadd.f32 v13, v0  }
0x104: {  	v46 =	vld [tilespmem:s24+$0x1270];
	v1 =	vadd.f32 v51, v1;
	v2 =	vadd.f32 v24, v2  }
0x105: {  	v47 =	vld [tilespmem:s24+$0x1280];
	v3 =	vadd.f32 v56, v3;
	v0 =	vadd.f32 v53, v0  }
0x106: {  	v49 =	vld [tilespmem:s24+$0x12A0];
	v1 =	vadd.f32 v55, v1;
	v2 =	vadd.f32 v54, v2  }
0x107: {  	v50 =	vld [tilespmem:s24+$0x12B0];
	v3 =	vadd.f32 v60, v3;
	v0 =	vadd.f32 v57, v0  }
0x108: {  	v52 =	vld [tilespmem:s24+$0x12D0];
	v1 =	vadd.f32 v59, v1;
	v2 =	vadd.f32 v58, v2  }
0x109: {  	v51 =	vld [tilespmem:s24+$0x12C0];
	v3 =	vadd.f32 v31, v3;
	v0 =	vadd.f32 v61, v0  }
0x10a: {  	v56 =	vld [tilespmem:s24+$0x1310];
	v1 =	vadd.f32 v63, v1;
	v2 =	vadd.f32 v62, v2  }
0x10b: {  	v53 =	vld [tilespmem:s24+$0x12E0];
	v3 =	vadd.f32 v40, v3;
	v0 =	vadd.f32 v32, v0  }
0x10c: {  	v54 =	vld [tilespmem:s24+$0x12F0];
	v1 =	vadd.f32 v36, v1;
	v2 =	vadd.f32 v35, v2  }
0x10d: {  	v55 =	vld [tilespmem:s24+$0x1300];
	v3 =	vadd.f32 v44, v3;
	v0 =	vadd.f32 v41, v0  }
0x10e: {  	v60 =	vld [tilespmem:s24+$0x1350];
	v1 =	vadd.f32 v43, v1;
	v2 =	vadd.f32 v42, v2  }
0x10f: {  	v57 =	vld [tilespmem:s24+$0x1320];
	v3 =	vadd.f32 v48, v3;
	v0 =	vadd.f32 v45, v0  }
0x110: {  	v58 =	vld [tilespmem:s24+$0x1330];
	v1 =	vadd.f32 v47, v1;
	v2 =	vadd.f32 v46, v2  }
0x111: {  	v59 =	vld [tilespmem:s24+$0x1340];
	v3 =	vadd.f32 v52, v3;
	v0 =	vadd.f32 v49, v0  }
0x112: {  	v61 =	vld [tilespmem:s24+$0x1360];
	v1 =	vadd.f32 v51, v1;
	v2 =	vadd.f32 v50, v2  }
0x113: {  	v62 =	vld [tilespmem:s24+$0x1370];
	v3 =	vadd.f32 v56, v3;
	v0 =	vadd.f32 v53, v0  }
0x114: {  	v1 =	vadd.f32 v55, v1;
	v2 =	vadd.f32 v54, v2  }
0x115: {  	v3 =	vadd.f32 v60, v3;
	v0 =	vadd.f32 v57, v0  }
0x116: {  	v1 =	vadd.f32 v59, v1;
	v2 =	vadd.f32 v58, v2  }
0x117: {  	s31 =	sshll.u32 s23, $0x6;
	p0 =	sne.s32 s23, $0xF;
	v3 =	vmul.f32 $1.999999960e-02, v3;
	v0 =	vadd.f32 v61, v0  }
.Ltmp0:
0x118: {  	s24 =	sand.u32 $0x3FFFFFC0, s31;
	v1 =	vmul.f32 $1.999999960e-02, v1;
	v2 =	vadd.f32 v62, v2;
	(pc) =	sbr.rel @p0 .LBB2_3-.Ltmp0, $4  }
0x119: {  	[tilespmem:s24+$0x19710] =	vst v3;
	v0 =	vmul.f32 $1.999999960e-02, v0  }
0x11a: {  	[tilespmem:s24+$0x19700] =	vst v1;
	v63 =	vmul.f32 $1.999999960e-02, v2  }
0x11b: {  	[tilespmem:s24+$0x19720] =	vst v0  }
0x11c: {  	s23 =	sadd.s32 $0x1, s23;
	[tilespmem:s24+$0x19730] =	vst v63  }
0x11d: {  	s23 =	sshll.u32 s20, $0x8;
	p0 =	seq.s32 s20, $0xF  }
0x11e: {  	s23 =	sadd.s32 s23, s7;
	s22 =	sadd.s32 @!p0 s22, s8  }
0x11f: {  	[hbm4b:s23+s3] =	stream.linear.scatter [tilespmem:s17], [sflag:$0x3], $0x400, $0x38;
	[tilespmem:$0x19B00] =	vst v63  }
0x120: {  	s22 =	smul.u32 @!p0 $0x32, s22  }
0x121: {  	_ =	swait.ge [sflag:s11], $0x400  }
0x122: {  	[sflag:s11] =	ssyncset.done $0x0;
	s22 =	sshrl.u32 @!p0 s22, $0x3  }
0x123: {  	s23 =	simm.s32 @!p0 $0x0;
	[sflag:s11] =	ssyncadd.s32 $0xFFFFFC00;
	s22 =	sadd.s32 @!p0 s4, s22  }
0x124: {  	[tilespmem:s23], [sflag:$0x3] =	stream.linear.gather @!p0 [hbm4b:s22+s23], $0x380, $0x38;
	[tilespmem:$0x19B00] =	vst v63  }
0x125: {  	s22 =	simm.s32 @!p0 $0x3  }
0x126: {  	_ =	swait.ge @!p0 [sflag:s22], $0x380  }
0x127: {  	[sflag:s22] =	ssyncset.done @!p0 $0x0  }
0x128: {  	s24 =	simm.s32 @!p0 $0x700;
	[sflag:s22] =	ssyncadd.s32 @!p0 $0xFFFFFC80;
	s22 =	simm.s32 @!p0 $0x320  }
0x129: {  	[tilespmem:s24], [sflag:$0x1] =	stream.indirect.gather @!p0 [hbm4b:s5+s22], $0x40, s23, s22, $0xb8;
	[tilespmem:$0x19B00] =	vst v63  }
0x12a: {  	_ =	swait.ge [sflag:s18], $0xC800  }
0x12b: {  	[sflag:s18] =	ssyncset.done $0x0  }
0x12c: {  	s22 =	simm.s32 $0x0;
	[sflag:s18] =	ssyncadd.s32 $0xFFFF3800  }
.LBB2_5:
0x12d: {  	s23 =	smul.u32 $0x3200, s22;
	_ =	sdelay $0x1  }
0x12e: {  	s23 =	sshra.s32 s23, $0x2  }
0x12f: {  	v0 =	vld [tilespmem:s23+$0xD2B0];
	_ =	sdelay $0x4  }
0x130: {  	[tilespmem:$0x1FAC0] =	vst v0;
	v0 =	vld [tilespmem:s23+$0xD310];
	_ =	sdelay $0x4  }
0x131: {  	[tilespmem:$0x1FAE0] =	vst v0;
	v0 =	vld [tilespmem:s23+$0xD320];
	_ =	sdelay $0x4  }
0x132: {  	[tilespmem:$0x1FAF0] =	vst v0;
	v0 =	vld [tilespmem:s23+$0xD330];
	_ =	sdelay $0x4  }
0x133: {  	[tilespmem:$0x1FB10] =	vst v0;
	v0 =	vld [tilespmem:s23+$0xD340];
	_ =	sdelay $0x4  }
0x134: {  	[tilespmem:$0x1FB00] =	vst v0;
	v0 =	vld [tilespmem:s23+$0xD350];
	_ =	sdelay $0x4  }
0x135: {  	[tilespmem:$0x1FB20] =	vst v0;
	v0 =	vld [tilespmem:s23+$0xD360];
	_ =	sdelay $0x4  }
0x136: {  	[tilespmem:$0x1FB30] =	vst v0;
	v0 =	vld [tilespmem:s23+$0xD370];
	_ =	sdelay $0x4  }
0x137: {  	[tilespmem:$0x1FB50] =	vst v0;
	v0 =	vld [tilespmem:s23+$0xD380];
	_ =	sdelay $0x4  }
0x138: {  	[tilespmem:$0x1FB40] =	vst v0;
	v0 =	vld [tilespmem:s23+$0xD390];
	_ =	sdelay $0x4  }
0x139: {  	[tilespmem:$0x1FB60] =	vst v0;
	v0 =	vld [tilespmem:s23+$0xD3A0];
	_ =	sdelay $0x4  }
0x13a: {  	[tilespmem:$0x1FB70] =	vst v0;
	v0 =	vld [tilespmem:s23+$0xD3B0];
	_ =	sdelay $0x4  }
0x13b: {  	[tilespmem:$0x1FB90] =	vst v0;
	v0 =	vld [tilespmem:s23+$0xD3C0];
	_ =	sdelay $0x4  }
0x13c: {  	[tilespmem:$0x1FB80] =	vst v0;
	v0 =	vld [tilespmem:s23+$0xD3D0];
	_ =	sdelay $0x4  }
0x13d: {  	[tilespmem:$0x1FBA0] =	vst v0;
	v0 =	vld [tilespmem:s23+$0xD3E0];
	_ =	sdelay $0x4  }
0x13e: {  	[tilespmem:$0x1FBB0] =	vst v0;
	v0 =	vld [tilespmem:s23+$0xD3F0];
	_ =	sdelay $0x4  }
0x13f: {  	[tilespmem:$0x1FBD0] =	vst v0;
	v0 =	vld [tilespmem:s23+$0xD400];
	_ =	sdelay $0x4  }
0x140: {  	[tilespmem:$0x1FBC0] =	vst v0;
	v0 =	vld [tilespmem:s23+$0xD410];
	_ =	sdelay $0x4  }
0x141: {  	[tilespmem:$0x1FBE0] =	vst v0;
	v0 =	vld [tilespmem:s23+$0xD420];
	_ =	sdelay $0x1  }
0x142: {  	v8 =	vld [tilespmem:s23+$0xCF00]  }
0x143: {  	v9 =	vld [tilespmem:s23+$0xCF10]  }
0x144: {  	v12 =	vld [tilespmem:s23+$0xCF20]  }
0x145: {  	[tilespmem:$0x1FBF0] =	vst v0;
	v0 =	vld [tilespmem:s23+$0xD430]  }
0x146: {  	v13 =	vld [tilespmem:s23+$0xCF30]  }
0x147: {  	v24 =	vld [tilespmem:s23+$0xCF40]  }
0x148: {  	v25 =	vld [tilespmem:s23+$0xCF50]  }
0x149: {  	v28 =	vld [tilespmem:s23+$0xCF60]  }
0x14a: {  	[tilespmem:$0x1FC10] =	vst v0;
	v0 =	vld [tilespmem:s23+$0xD440]  }
0x14b: {  	v29 =	vld [tilespmem:s23+$0xCF70]  }
0x14c: {  	v40 =	vld [tilespmem:s23+$0xCF80]  }
0x14d: {  	v41 =	vld [tilespmem:s23+$0xCF90]  }
0x14e: {  	v44 =	vld [tilespmem:s23+$0xCFA0]  }
0x14f: {  	[tilespmem:$0x1FC00] =	vst v0;
	v0 =	vld [tilespmem:s23+$0xD450]  }
0x150: {  	v45 =	vld [tilespmem:s23+$0xCFB0]  }
0x151: {  	v56 =	vld [tilespmem:s23+$0xCFC0]  }
0x152: {  	v57 =	vld [tilespmem:s23+$0xCFD0]  }
0x153: {  	v60 =	vld [tilespmem:s23+$0xCFE0]  }
0x154: {  	[tilespmem:$0x1FC20] =	vst v0;
	v0 =	vld [tilespmem:s23+$0xD460]  }
0x155: {  	v61 =	vld [tilespmem:s23+$0xCFF0]  }
0x156: {  	v1 =	vld [tilespmem:s23+$0xD000]  }
0x157: {  	v3 =	vld [tilespmem:s23+$0xD010]  }
0x158: {  	v4 =	vld [tilespmem:s23+$0xD020]  }
0x159: {  	[tilespmem:$0x1FC30] =	vst v0;
	v0 =	vld [tilespmem:s23+$0xD470]  }
0x15a: {  	v7 =	vld [tilespmem:s23+$0xD030]  }
0x15b: {  	v2 =	vld [tilespmem:s23+$0xD040]  }
0x15c: {  	v6 =	vld [tilespmem:s23+$0xD050]  }
0x15d: {  	v10 =	vld [tilespmem:s23+$0xD060]  }
0x15e: {  	[tilespmem:$0x1FC50] =	vst v0;
	v0 =	vld [tilespmem:s23+$0xD480]  }
0x15f: {  	v15 =	vld [tilespmem:s23+$0xD070]  }
0x160: {  	v5 =	vld [tilespmem:s23+$0xD080]  }
0x161: {  	v14 =	vld [tilespmem:s23+$0xD090]  }
0x162: {  	v16 =	vld [tilespmem:s23+$0xD0A0]  }
0x163: {  	[tilespmem:$0x1FC40] =	vst v0;
	v0 =	vld [tilespmem:s23+$0xD490]  }
0x164: {  	v19 =	vld [tilespmem:s23+$0xD0B0]  }
0x165: {  	v11 =	vld [tilespmem:s23+$0xD0C0]  }
0x166: {  	v18 =	vld [tilespmem:s23+$0xD0D0]  }
0x167: {  	v20 =	vld [tilespmem:s23+$0xD0E0]  }
0x168: {  	[tilespmem:$0x1FC60] =	vst v0;
	v0 =	vld [tilespmem:s23+$0xD4A0]  }
0x169: {  	v23 =	vld [tilespmem:s23+$0xD0F0]  }
0x16a: {  	v17 =	vld [tilespmem:s23+$0xD100]  }
0x16b: {  	v22 =	vld [tilespmem:s23+$0xD110]  }
0x16c: {  	v26 =	vld [tilespmem:s23+$0xD120]  }
0x16d: {  	[tilespmem:$0x1FC70] =	vst v0;
	v0 =	vld [tilespmem:s23+$0xD4B0]  }
0x16e: {  	v31 =	vld [tilespmem:s23+$0xD130]  }
0x16f: {  	v21 =	vld [tilespmem:s23+$0xD140]  }
0x170: {  	v30 =	vld [tilespmem:s23+$0xD150]  }
0x171: {  	v32 =	vld [tilespmem:s23+$0xD160]  }
0x172: {  	[tilespmem:$0x1FC90] =	vst v0;
	v0 =	vld [tilespmem:s23+$0xD4C0]  }
0x173: {  	v35 =	vld [tilespmem:s23+$0xD170]  }
0x174: {  	v27 =	vld [tilespmem:s23+$0xD180]  }
0x175: {  	v34 =	vld [tilespmem:s23+$0xD190]  }
0x176: {  	v36 =	vld [tilespmem:s23+$0xD1A0]  }
0x177: {  	[tilespmem:$0x1FC80] =	vst v0;
	v0 =	vld [tilespmem:s23+$0xD4D0]  }
0x178: {  	v39 =	vld [tilespmem:s23+$0xD1B0]  }
0x179: {  	v33 =	vld [tilespmem:s23+$0xD1C0]  }
0x17a: {  	v38 =	vld [tilespmem:s23+$0xD1D0]  }
0x17b: {  	v42 =	vld [tilespmem:s23+$0xD1E0]  }
0x17c: {  	[tilespmem:$0x1FCA0] =	vst v0;
	v0 =	vld [tilespmem:s23+$0xD4E0]  }
0x17d: {  	v48 =	vld [tilespmem:s23+$0xD1F0]  }
0x17e: {  	v37 =	vld [tilespmem:s23+$0xD200];
	v9 =	vadd.f32 $0.0e+00, v9  }
0x17f: {  	v46 =	vld [tilespmem:s23+$0xD210]  }
0x180: {  	v47 =	vld [tilespmem:s23+$0xD220];
	v9 =	vadd.f32 v25, v9  }
0x181: {  	[tilespmem:$0x1FCB0] =	vst v0;
	v0 =	vld [tilespmem:s23+$0xD4F0]  }
0x182: {  	v52 =	vld [tilespmem:s23+$0xD230];
	v9 =	vadd.f32 v41, v9  }
0x183: {  	v43 =	vld [tilespmem:s23+$0xD240]  }
0x184: {  	v50 =	vld [tilespmem:s23+$0xD250];
	v9 =	vadd.f32 v57, v9  }
0x185: {  	v51 =	vld [tilespmem:s23+$0xD260]  }
0x186: {  	v3 =	vadd.f32 v3, v9;
	[tilespmem:$0x1FCD0] =	vst v0;
	v0 =	vld [tilespmem:s23+$0xD500]  }
0x187: {  	v58 =	vld [tilespmem:s23+$0xD270]  }
0x188: {  	v49 =	vld [tilespmem:s23+$0xD280];
	v3 =	vadd.f32 v6, v3  }
0x189: {  	v62 =	vld [tilespmem:s23+$0xD290]  }
0x18a: {  	v59 =	vld [tilespmem:s23+$0xD2A0];
	v3 =	vadd.f32 v14, v3  }
0x18b: {  	[tilespmem:$0x1FCC0] =	vst v0;
	v0 =	vld [tilespmem:s23+$0xD510]  }
0x18c: {  	v55 =	vld [tilespmem:s23+$0xD2F0];
	v3 =	vadd.f32 v18, v3  }
0x18d: {  	v63 =	vld [tilespmem:s23+$0xD2C0]  }
0x18e: {  	v54 =	vld [tilespmem:s23+$0xD2D0];
	v3 =	vadd.f32 v22, v3  }
0x18f: {  	v53 =	vld [tilespmem:s23+$0xD2E0]  }
0x190: {  	v3 =	vadd.f32 v30, v3;
	[tilespmem:$0x1FCE0] =	vst v0;
	v0 =	vld [tilespmem:s23+$0xD520]  }
0x191: {  	[tilespmem:$0x1FAD0] =	vst v55;
	v55 =	vld [tilespmem:s23+$0xD300];
	v25 =	vadd.f32 $0.0e+00, v13  }
0x192: {  	v13 =	vld [tilespmem:s23+$0xD5B0];
	v3 =	vadd.f32 v34, v3  }
0x193: {  	v29 =	vadd.f32 v29, v25;
	v25 =	vld [tilespmem:s23+$0xD5D0]  }
0x194: {  	v41 =	vld [tilespmem:s23+$0xD610];
	v3 =	vadd.f32 v38, v3  }
0x195: {  	[tilespmem:$0x1FCF0] =	vst v0;
	v0 =	vld [tilespmem:s23+$0xD530]  }
0x196: {  	v57 =	vld [tilespmem:s23+$0xD650];
	v3 =	vadd.f32 v46, v3  }
0x197: {  	v6 =	vld [tilespmem:s23+$0xD6A0]  }
0x198: {  	v14 =	vld [tilespmem:s23+$0xD6F0];
	v3 =	vadd.f32 v50, v3  }
0x199: {  	v30 =	vld [tilespmem:$0x1FAE0]  }
0x19a: {  	v3 =	vadd.f32 v62, v3;
	[tilespmem:$0x1FD10] =	vst v0;
	v0 =	vld [tilespmem:s23+$0xD540]  }
0x19b: {  	v18 =	vld [tilespmem:s23+$0xD730]  }
0x19c: {  	v34 =	vld [tilespmem:$0x1FB20];
	v3 =	vadd.f32 v54, v3  }
0x19d: {  	v22 =	vld [tilespmem:s23+$0xD770]  }
0x19e: {  	v3 =	vadd.f32 v30, v3;
	v30 =	vld [tilespmem:s23+$0xD7B0]  }
0x19f: {  	[tilespmem:$0x1FD00] =	vst v0;
	v0 =	vld [tilespmem:s23+$0xD550]  }
0x1a0: {  	v38 =	vld [tilespmem:$0x1FB60]  }
0x1a1: {  	v3 =	vadd.f32 v34, v3;
	v34 =	vld [tilespmem:s23+$0xD7F0]  }
0x1a2: {  	v46 =	vld [tilespmem:$0x1FBA0]  }
0x1a3: {  	v50 =	vld [tilespmem:$0x1FBE0]  }
0x1a4: {  	[tilespmem:$0x1FD20] =	vst v0;
	v0 =	vld [tilespmem:s23+$0xD560]  }
0x1a5: {  	v3 =	vadd.f32 v38, v3;
	v38 =	vld [tilespmem:s23+$0xD830]  }
0x1a6: {  	v54 =	vld [tilespmem:$0x1FC20]  }
0x1a7: {  	v3 =	vadd.f32 v46, v3;
	v62 =	vld [tilespmem:$0x1FC60]  }
0x1a8: {  	v46 =	vld [tilespmem:$0x1FC80]  }
0x1a9: {  	v3 =	vadd.f32 v50, v3;
	v50 =	vld [tilespmem:$0x1FCC0];
	[tilespmem:$0x1FD30] =	vst v0;
	v0 =	vadd.f32 $0.0e+00, v8  }
0x1aa: {  	v8 =	vld [tilespmem:s23+$0xD570]  }
0x1ab: {  	v3 =	vadd.f32 v54, v3;
	v54 =	vld [tilespmem:$0x1FD00];
	v24 =	vadd.f32 v24, v0  }
0x1ac: {  	v0 =	vadd.f32 $0.0e+00, v12;
	v12 =	vld [tilespmem:s23+$0xD590]  }
0x1ad: {  	v40 =	vadd.f32 v40, v24;
	v24 =	vld [tilespmem:s23+$0xD5C0]  }
0x1ae: {  	v0 =	vadd.f32 v28, v0;
	v28 =	vld [tilespmem:s23+$0xD5E0]  }
0x1af: {  	[tilespmem:$0x1FD40] =	vst v8;
	v8 =	vld [tilespmem:s23+$0xD580]  }
0x1b0: {  	v40 =	vadd.f32 v56, v40;
	v56 =	vadd.f32 v45, v29;
	v29 =	vld [tilespmem:s23+$0xD5F0]  }
0x1b1: {  	v0 =	vadd.f32 v44, v0;
	v44 =	vld [tilespmem:s23+$0xD620]  }
0x1b2: {  	v45 =	vld [tilespmem:s23+$0xD630]  }
0x1b3: {  	v3 =	vadd.f32 v62, v3;
	v62 =	vld [tilespmem:$0x1FD40]  }
0x1b4: {  	[tilespmem:$0x1FD50] =	vst v12;
	v12 =	vld [tilespmem:s23+$0xD5A0]  }
0x1b5: {  	v1 =	vadd.f32 v1, v40;
	v40 =	vld [tilespmem:s23+$0xD600]  }
0x1b6: {  	v61 =	vadd.f32 v61, v56;
	v56 =	vld [tilespmem:s23+$0xD640]  }
0x1b7: {  	v0 =	vadd.f32 v60, v0;
	v60 =	vld [tilespmem:s23+$0xD660]  }
0x1b8: {  	v9 =	vadd.f32 v7, v61;
	v61 =	vld [tilespmem:s23+$0xD670]  }
0x1b9: {  	v0 =	vadd.f32 v4, v0;
	v1 =	vadd.f32 v2, v1;
	v4 =	vld [tilespmem:s23+$0xD680]  }
0x1ba: {  	v7 =	vld [tilespmem:s23+$0xD6B0]  }
0x1bb: {  	v1 =	vadd.f32 v5, v1;
	v5 =	vld [tilespmem:s23+$0xD690]  }
0x1bc: {  	v2 =	vadd.f32 v15, v9;
	v9 =	vld [tilespmem:s23+$0xD6C0]  }
0x1bd: {  	v0 =	vadd.f32 v10, v0;
	v10 =	vld [tilespmem:s23+$0xD6D0]  }
0x1be: {  	v15 =	vld [tilespmem:s23+$0xD700]  }
0x1bf: {  	v1 =	vadd.f32 v11, v1;
	v11 =	vld [tilespmem:s23+$0xD6E0]  }
0x1c0: {  	v0 =	vadd.f32 v16, v0;
	v16 =	vld [tilespmem:s23+$0xD710]  }
0x1c1: {  	v2 =	vadd.f32 v19, v2;
	v19 =	vld [tilespmem:s23+$0xD740]  }
0x1c2: {  	v1 =	vadd.f32 v17, v1;
	v17 =	vld [tilespmem:s23+$0xD720]  }
0x1c3: {  	v0 =	vadd.f32 v20, v0;
	v20 =	vld [tilespmem:s23+$0xD750]  }
0x1c4: {  	v2 =	vadd.f32 v23, v2;
	v23 =	vld [tilespmem:s23+$0xD780]  }
0x1c5: {  	v0 =	vadd.f32 v26, v0;
	v26 =	vld [tilespmem:$0x1FAC0]  }
0x1c6: {  	v1 =	vadd.f32 v21, v1;
	v21 =	vld [tilespmem:s23+$0xD760]  }
0x1c7: {  	v2 =	vadd.f32 v31, v2;
	v31 =	vld [tilespmem:$0x1FAF0]  }
0x1c8: {  	v1 =	vadd.f32 v27, v1;
	v27 =	vld [tilespmem:$0x1FAD0]  }
0x1c9: {  	v0 =	vadd.f32 v32, v0;
	v32 =	vld [tilespmem:$0x1FB00]  }
0x1ca: {  	v2 =	vadd.f32 v35, v2;
	v35 =	vld [tilespmem:$0x1FB30]  }
0x1cb: {  	v1 =	vadd.f32 v33, v1;
	v33 =	vld [tilespmem:$0x1FB10]  }
0x1cc: {  	v0 =	vadd.f32 v36, v0;
	v36 =	vld [tilespmem:$0x1FB40]  }
0x1cd: {  	v2 =	vadd.f32 v39, v2;
	v39 =	vld [tilespmem:$0x1FB70]  }
0x1ce: {  	v1 =	vadd.f32 v37, v1;
	v37 =	vld [tilespmem:$0x1FB50]  }
0x1cf: {  	v0 =	vadd.f32 v42, v0;
	v42 =	vld [tilespmem:$0x1FB80]  }
0x1d0: {  	v2 =	vadd.f32 v48, v2;
	v48 =	vld [tilespmem:$0x1FBC0]  }
0x1d1: {  	v1 =	vadd.f32 v43, v1;
	v43 =	vld [tilespmem:$0x1FB90]  }
0x1d2: {  	v0 =	vadd.f32 v47, v0;
	v47 =	vld [tilespmem:$0x1FBB0]  }
0x1d3: {  	v2 =	vadd.f32 v52, v2;
	v52 =	vld [tilespmem:$0x1FC00]  }
0x1d4: {  	v1 =	vadd.f32 v49, v1;
	v49 =	vld [tilespmem:$0x1FBD0]  }
0x1d5: {  	v0 =	vadd.f32 v51, v0;
	v2 =	vadd.f32 v58, v2;
	v51 =	vld [tilespmem:$0x1FBF0]  }
0x1d6: {  	v58 =	vld [tilespmem:$0x1FC40]  }
0x1d7: {  	v2 =	vadd.f32 v26, v2;
	v26 =	vld [tilespmem:s23+$0xD790]  }
0x1d8: {  	v0 =	vadd.f32 v59, v0;
	v59 =	vld [tilespmem:$0x1FC50]  }
0x1d9: {  	v1 =	vadd.f32 v63, v1;
	v63 =	vld [tilespmem:$0x1FC70]  }
0x1da: {  	v2 =	vadd.f32 v27, v2;
	v27 =	vld [tilespmem:s23+$0xD7A0]  }
0x1db: {  	v0 =	vadd.f32 v53, v0;
	v53 =	vld [tilespmem:$0x1FC10]  }
0x1dc: {  	v1 =	vadd.f32 v55, v1;
	v55 =	vld [tilespmem:$0x1FC30]  }
0x1dd: {  	v0 =	vadd.f32 v31, v0;
	v31 =	vld [tilespmem:s23+$0xD7C0]  }
0x1de: {  	v1 =	vadd.f32 v32, v1;
	v32 =	vld [tilespmem:s23+$0xD7D0]  }
0x1df: {  	v2 =	vadd.f32 v33, v2;
	v33 =	vld [tilespmem:s23+$0xD7E0]  }
0x1e0: {  	v0 =	vadd.f32 v35, v0;
	v35 =	vld [tilespmem:s23+$0xD800]  }
0x1e1: {  	v1 =	vadd.f32 v36, v1;
	v36 =	vld [tilespmem:s23+$0xD810]  }
0x1e2: {  	v2 =	vadd.f32 v37, v2;
	v37 =	vld [tilespmem:s23+$0xD820]  }
0x1e3: {  	v0 =	vadd.f32 v39, v0;
	v39 =	vld [tilespmem:s23+$0xD840]  }
0x1e4: {  	v1 =	vadd.f32 v42, v1;
	v42 =	vld [tilespmem:s23+$0xD850]  }
0x1e5: {  	v2 =	vadd.f32 v43, v2;
	v43 =	vld [tilespmem:s23+$0xD860]  }
0x1e6: {  	v0 =	vadd.f32 v47, v0;
	v47 =	vld [tilespmem:$0x1FC90]  }
0x1e7: {  	v1 =	vadd.f32 v48, v1;
	v48 =	vld [tilespmem:$0x1FCA0]  }
0x1e8: {  	v2 =	vadd.f32 v49, v2;
	v49 =	vld [tilespmem:$0x1FCB0]  }
0x1e9: {  	v0 =	vadd.f32 v51, v0;
	v51 =	vld [tilespmem:$0x1FCD0]  }
0x1ea: {  	v1 =	vadd.f32 v52, v1;
	v52 =	vld [tilespmem:$0x1FCE0]  }
0x1eb: {  	v2 =	vadd.f32 v53, v2;
	v53 =	vld [tilespmem:$0x1FCF0]  }
0x1ec: {  	v0 =	vadd.f32 v55, v0;
	v55 =	vld [tilespmem:$0x1FD10]  }
0x1ed: {  	v1 =	vadd.f32 v58, v1;
	v2 =	vadd.f32 v59, v2;
	v58 =	vld [tilespmem:$0x1FD20]  }
0x1ee: {  	v59 =	vld [tilespmem:$0x1FD30];
	v3 =	vadd.f32 v48, v3;
	v0 =	vadd.f32 v63, v0  }
0x1ef: {  	v1 =	vadd.f32 v46, v1;
	v2 =	vadd.f32 v47, v2;
	v63 =	vld [tilespmem:$0x1FD50]  }
0x1f0: {  	v48 =	vld [tilespmem:s23+$0xD890];
	v3 =	vadd.f32 v52, v3;
	v0 =	vadd.f32 v49, v0  }
0x1f1: {  	v46 =	vld [tilespmem:s23+$0xD870];
	v1 =	vadd.f32 v50, v1;
	v2 =	vadd.f32 v51, v2  }
0x1f2: {  	v47 =	vld [tilespmem:s23+$0xD880];
	v3 =	vadd.f32 v58, v3;
	v0 =	vadd.f32 v53, v0  }
0x1f3: {  	v52 =	vld [tilespmem:s23+$0xD910];
	v1 =	vadd.f32 v54, v1;
	v2 =	vadd.f32 v55, v2  }
0x1f4: {  	v49 =	vld [tilespmem:s23+$0xD8A0];
	v3 =	vadd.f32 v63, v3;
	v0 =	vadd.f32 v59, v0  }
0x1f5: {  	v50 =	vld [tilespmem:s23+$0xD8C0];
	v1 =	vadd.f32 v8, v1;
	v2 =	vadd.f32 v62, v2  }
0x1f6: {  	v51 =	vld [tilespmem:s23+$0xD900];
	v3 =	vadd.f32 v25, v3;
	v0 =	vadd.f32 v12, v0  }
0x1f7: {  	v58 =	vld [tilespmem:s23+$0xD970];
	v1 =	vadd.f32 v24, v1;
	v2 =	vadd.f32 v13, v2  }
0x1f8: {  	v53 =	vld [tilespmem:s23+$0xD920];
	v3 =	vadd.f32 v41, v3;
	v0 =	vadd.f32 v28, v0  }
0x1f9: {  	v54 =	vld [tilespmem:s23+$0xD930];
	v1 =	vadd.f32 v40, v1;
	v2 =	vadd.f32 v29, v2  }
0x1fa: {  	v55 =	vld [tilespmem:s23+$0xD940];
	v3 =	vadd.f32 v57, v3;
	v0 =	vadd.f32 v44, v0  }
0x1fb: {  	v63 =	vld [tilespmem:s23+$0xD9C0];
	v1 =	vadd.f32 v56, v1;
	v2 =	vadd.f32 v45, v2  }
0x1fc: {  	v8 =	vld [tilespmem:s23+$0xD8B0];
	v3 =	vadd.f32 v5, v3;
	v0 =	vadd.f32 v60, v0  }
0x1fd: {  	v59 =	vld [tilespmem:s23+$0xD980];
	v1 =	vadd.f32 v4, v1;
	v2 =	vadd.f32 v61, v2  }
0x1fe: {  	v62 =	vld [tilespmem:s23+$0xD9B0];
	v3 =	vadd.f32 v10, v3;
	v0 =	vadd.f32 v6, v0  }
0x1ff: {  	v12 =	vld [tilespmem:s23+$0xD8D0];
	v1 =	vadd.f32 v9, v1;
	v2 =	vadd.f32 v7, v2  }
0x200: {  	v13 =	vld [tilespmem:s23+$0xD8E0];
	v3 =	vadd.f32 v16, v3;
	v0 =	vadd.f32 v11, v0  }
0x201: {  	v24 =	vld [tilespmem:s23+$0xD8F0];
	v1 =	vadd.f32 v15, v1;
	v2 =	vadd.f32 v14, v2  }
0x202: {  	v41 =	vld [tilespmem:s23+$0xDA20];
	v3 =	vadd.f32 v20, v3;
	v0 =	vadd.f32 v17, v0  }
0x203: {  	v40 =	vld [tilespmem:s23+$0xDA10];
	v1 =	vadd.f32 v19, v1;
	v2 =	vadd.f32 v18, v2  }
0x204: {  	v57 =	vld [tilespmem:s23+$0xD960];
	v3 =	vadd.f32 v26, v3;
	v0 =	vadd.f32 v21, v0  }
0x205: {  	v56 =	vld [tilespmem:s23+$0xD950];
	v1 =	vadd.f32 v23, v1;
	v2 =	vadd.f32 v22, v2  }
0x206: {  	v44 =	vld [tilespmem:s23+$0xDA50];
	v3 =	vadd.f32 v32, v3;
	v0 =	vadd.f32 v27, v0  }
0x207: {  	v45 =	vld [tilespmem:s23+$0xDA60];
	v1 =	vadd.f32 v31, v1;
	v2 =	vadd.f32 v30, v2  }
0x208: {  	v60 =	vld [tilespmem:s23+$0xD990];
	v3 =	vadd.f32 v36, v3;
	v0 =	vadd.f32 v33, v0  }
0x209: {  	v61 =	vld [tilespmem:s23+$0xD9A0];
	v1 =	vadd.f32 v35, v1;
	v2 =	vadd.f32 v34, v2  }
0x20a: {  	v32 =	vld [tilespmem:s23+$0xD9E0];
	v3 =	vadd.f32 v42, v3;
	v0 =	vadd.f32 v37, v0  }
0x20b: {  	v31 =	vld [tilespmem:s23+$0xD9D0];
	v1 =	vadd.f32 v39, v1;
	v2 =	vadd.f32 v38, v2  }
0x20c: {  	v36 =	vld [tilespmem:s23+$0xDA00];
	v3 =	vadd.f32 v48, v3;
	v0 =	vadd.f32 v43, v0  }
0x20d: {  	v35 =	vld [tilespmem:s23+$0xD9F0];
	v1 =	vadd.f32 v47, v1;
	v2 =	vadd.f32 v46, v2  }
0x20e: {  	v42 =	vld [tilespmem:s23+$0xDA30];
	v3 =	vadd.f32 v12, v3;
	v0 =	vadd.f32 v49, v0  }
0x20f: {  	v48 =	vld [tilespmem:s23+$0xDA90];
	v1 =	vadd.f32 v50, v1;
	v2 =	vadd.f32 v8, v2  }
0x210: {  	v43 =	vld [tilespmem:s23+$0xDA40];
	v3 =	vadd.f32 v52, v3;
	v0 =	vadd.f32 v13, v0  }
0x211: {  	v46 =	vld [tilespmem:s23+$0xDA70];
	v1 =	vadd.f32 v51, v1;
	v2 =	vadd.f32 v24, v2  }
0x212: {  	v47 =	vld [tilespmem:s23+$0xDA80];
	v3 =	vadd.f32 v56, v3;
	v0 =	vadd.f32 v53, v0  }
0x213: {  	v49 =	vld [tilespmem:s23+$0xDAA0];
	v1 =	vadd.f32 v55, v1;
	v2 =	vadd.f32 v54, v2  }
0x214: {  	v50 =	vld [tilespmem:s23+$0xDAB0];
	v3 =	vadd.f32 v60, v3;
	v0 =	vadd.f32 v57, v0  }
0x215: {  	v52 =	vld [tilespmem:s23+$0xDAD0];
	v1 =	vadd.f32 v59, v1;
	v2 =	vadd.f32 v58, v2  }
0x216: {  	v51 =	vld [tilespmem:s23+$0xDAC0];
	v3 =	vadd.f32 v31, v3;
	v0 =	vadd.f32 v61, v0  }
0x217: {  	v56 =	vld [tilespmem:s23+$0xDB10];
	v1 =	vadd.f32 v63, v1;
	v2 =	vadd.f32 v62, v2  }
0x218: {  	v53 =	vld [tilespmem:s23+$0xDAE0];
	v3 =	vadd.f32 v40, v3;
	v0 =	vadd.f32 v32, v0  }
0x219: {  	v54 =	vld [tilespmem:s23+$0xDAF0];
	v1 =	vadd.f32 v36, v1;
	v2 =	vadd.f32 v35, v2  }
0x21a: {  	v55 =	vld [tilespmem:s23+$0xDB00];
	v3 =	vadd.f32 v44, v3;
	v0 =	vadd.f32 v41, v0  }
0x21b: {  	v60 =	vld [tilespmem:s23+$0xDB50];
	v1 =	vadd.f32 v43, v1;
	v2 =	vadd.f32 v42, v2  }
0x21c: {  	v57 =	vld [tilespmem:s23+$0xDB20];
	v3 =	vadd.f32 v48, v3;
	v0 =	vadd.f32 v45, v0  }
0x21d: {  	v58 =	vld [tilespmem:s23+$0xDB30];
	v1 =	vadd.f32 v47, v1;
	v2 =	vadd.f32 v46, v2  }
0x21e: {  	v59 =	vld [tilespmem:s23+$0xDB40];
	v3 =	vadd.f32 v52, v3;
	v0 =	vadd.f32 v49, v0  }
0x21f: {  	v61 =	vld [tilespmem:s23+$0xDB60];
	v1 =	vadd.f32 v51, v1;
	v2 =	vadd.f32 v50, v2  }
0x220: {  	v62 =	vld [tilespmem:s23+$0xDB70];
	v3 =	vadd.f32 v56, v3;
	v0 =	vadd.f32 v53, v0  }
0x221: {  	v1 =	vadd.f32 v55, v1;
	v2 =	vadd.f32 v54, v2  }
0x222: {  	v3 =	vadd.f32 v60, v3;
	v0 =	vadd.f32 v57, v0  }
0x223: {  	v1 =	vadd.f32 v59, v1;
	v2 =	vadd.f32 v58, v2  }
0x224: {  	s31 =	sshll.u32 s22, $0x6;
	p0 =	sne.s32 s22, $0xF;
	v3 =	vmul.f32 $1.999999960e-02, v3;
	v0 =	vadd.f32 v61, v0  }
.Ltmp1:
0x225: {  	s23 =	sand.u32 $0x3FFFFFC0, s31;
	v1 =	vmul.f32 $1.999999960e-02, v1;
	v2 =	vadd.f32 v62, v2;
	(pc) =	sbr.rel @p0 .LBB2_5-.Ltmp1, $4  }
0x226: {  	[tilespmem:s23+$0x19710] =	vst v3;
	v0 =	vmul.f32 $1.999999960e-02, v0  }
0x227: {  	[tilespmem:s23+$0x19700] =	vst v1;
	v63 =	vmul.f32 $1.999999960e-02, v2  }
0x228: {  	[tilespmem:s23+$0x19720] =	vst v0  }
0x229: {  	s22 =	sadd.s32 $0x1, s22;
	[tilespmem:s23+$0x19730] =	vst v63  }
0x22a: {  	s21 =	sshll.u32 s21, $0x3;
	s20 =	sadd.s32 $0x1, s20  }
0x22b: {  	s21 =	sand.u32 $0x1FFFFF80, s21;
	p0 =	sne.s32 s20, $0x10  }
.Ltmp2:
0x22c: {  	s21 =	sadd.s32 s2, s21;
	(pc) =	sbr.rel @p0 .LBB2_2-.Ltmp2, $4  }
0x22d: {  	[hbm4b:s21+s3] =	stream.linear.scatter [tilespmem:s17], [sflag:$0x3], $0x400, $0x38;
	[tilespmem:$0x19B00] =	vst v63  }
0x22e: {  	_ =	swait.ge [sflag:s11], $0x400  }
0x22f: {  	[sflag:s11] =	ssyncset.done $0x0  }
0x230: {  	[sflag:s11] =	ssyncadd.s32 $0xFFFFFC00  }
0x231: {  	s19 =	sadd.s32 $0x1, s19  }
0x232: {  	p0 =	sne.s32 s19, s9  }
.Ltmp3:
0x233: {  	_ = 	snop;
	(pc) =	sbr.rel @p0 .LBB2_1-.Ltmp3, $1  }
0x234: {  	_ =	sdelay $0x3  }
0x235: {  	_ =	sfence.sel $0x180000  }
0x236: {  	[bflag:$0x0] =	sbarrier.arrive $0xFFFF  }
0x237: {  	p0 =	sne.s32 s1, $0x0;
	_ =	strace $0x90000047  }
0x238: {  	s0 =	sadd.s32 @!p0 $0x100000, s0;
	[bflag:$0x2] =	sbarrier.arrive $0xFFFF  }
0x239: {  	[sflag:s0] =	ssyncadd.tile.s32 @!p0 $0x1;
	_ =	shalt  }
.Lfunc_end2:
_tile_overlayer_lowered:
.L_overlay_start_2:
0x23a: {  	(tag) =	ssettag $0x2  }
0x23b: {  	s0 =	rddreg [dreg:$0x0];
	s2 =	stileid.u32  }
0x23c: {  	s1 =	rddreg [dreg:$0x1];
	p0 =	sne.s32 s2, $0x0  }
0x23d: {  	s3 =	rddreg [dreg:$0x2];
	[bflag:$0x3] =	sbarrier.arrive $0xFFFF;
	s2 =	simm.s32 @!p0 $0x1C03  }
0x23e: {  	[timem:s3], [sflag:s2] =	dma.local @!p0 [hbm:s0], s1  }
0x23f: {  	s0 =	simm.s32 @!p0 $0x3  }
0x240: {  	_ =	swait.ge @!p0 [sflag:s0], s1  }
0x241: {  	s1 =	ssub.s32 @!p0 $0x0, s1;
	[sflag:s0] =	ssyncset.done @!p0 $0x0  }
0x242: {  	[sflag:s0] =	ssyncadd.s32 @!p0 s1  }
0x243: {  	[bflag:$0x3] =	sbarrier.arrive $0xFFFF  }
0x244: {  	_ =	shalt  }

</sc_bundles>
